<compile_context>
chip_gen: v7x
topology: tpu7x:2x2x1
jax: 0.10.2.dev20260603
libtpu: 0.0.44.dev20260713+nightly
codegen_flags: <defaults>
</compile_context>

<pallas_src>
import functools
import math
import numpy as np
import jax
import jax.numpy as jnp
from jax import lax
from jax.experimental import pallas as pl
from jax.experimental.layout import Format, Layout, with_layout_constraint
from jax.experimental.pallas import tpu as pltpu
from jax.experimental.pallas import tpu_sc as plsc

_N = 128
_NOUT = _N * (_N + 1) // 2
_B = 4096
_NW = 32
_BPW = _B // _NW
_NDIAG = _N // 16
_NMAIN = 8192
_NGRP = 8
_XW = 576
_NBUF = 2


def _grp_col(r: int) -> int:
    return 8 * r * (r + 1)


def _packed_index_table() -> np.ndarray:
    rows_l, cols_l = np.tril_indices(_N, k=-1)
    diag = np.arange(_N, dtype=np.int64)
    rows = np.concatenate([diag, rows_l.astype(np.int64)])
    cols = np.concatenate([diag, cols_l.astype(np.int64)])
    grp = rows >> 4
    brow = rows & 15
    bcol = 8 * grp * (grp + 1) + cols
    return ((brow << 16) | bcol).astype(np.int32)


def _tril_body(
    x_hbm, idx_hbm, out_hbm, idx_v, xbuf0, xbuf1, obuf0, obuf1, sem_in, sem_out
):
    wid = lax.axis_index("s") * 2 + lax.axis_index("c")
    base = wid * _BPW
    pltpu.sync_copy(idx_hbm, idx_v)
    sqrt2 = jnp.full((16,), math.sqrt(2.0), dtype=jnp.float32)
    xbufs = [xbuf0, xbuf1]
    obufs = [obuf0, obuf1]

    lanes = lax.iota(jnp.int32, 16)

    def start_loads(b, xb):
        for r in range(_NGRP):
            pltpu.async_copy(
                x_hbm.at[b, pl.ds(16 * r, 16), pl.ds(0, 16 * (r + 1))],
                xb.at[:, pl.ds(_grp_col(r), 16 * (r + 1))],
                sem_in,
            )

    def wait_loads(xb):
        for r in range(_NGRP):
            pltpu.make_async_copy(
                x_hbm.at[0, pl.ds(16 * r, 16), pl.ds(0, 16 * (r + 1))],
                xb.at[:, pl.ds(_grp_col(r), 16 * (r + 1))],
                sem_in,
            ).wait()

    def compute(xb, ob):
        for j in range(_NDIAG):
            ob[pl.ds(j * 16, 16)] = plsc.load_gather(
                xb, [lanes, lanes + (_grp_col(j) + 16 * j)]
            )

        def gather16(o):
            idx = idx_v[pl.ds(o, 16)]
            r = lax.shift_right_logical(idx, 16)
            c = lax.bitwise_and(idx, 0xFFFF)
            ob[pl.ds(o, 16)] = plsc.load_gather(xb, [r, c]) * sqrt2

        plsc.parallel_loop(_NDIAG * 16, _NMAIN, step=16, unroll=8)(gather16)
        for o in range(_NMAIN, _NOUT, 16):
            gather16(o)

    start_loads(base, xbufs[0])

    def outer(g2, carry):
        for p in range(_NBUF):
            g = g2 * _NBUF + p

            @pl.when(g + 1 < _BPW)
            def _():
                start_loads(base + g + 1, xbufs[(p + 1) % _NBUF])

            wait_loads(xbufs[p])

            @pl.when(g >= _NBUF)
            def _():
                pltpu.make_async_copy(
                    obufs[p], out_hbm.at[base], sem_out
                ).wait()

            compute(xbufs[p], obufs[p])
            pltpu.async_copy(obufs[p], out_hbm.at[base + g], sem_out)
        return carry

    lax.fori_loop(0, _BPW // _NBUF, outer, 0)
    for p in range(_NBUF):
        pltpu.make_async_copy(obufs[p], out_hbm.at[base], sem_out).wait()


def _kernel_impl(X):
    idx = jnp.asarray(_packed_index_table())
    mesh = plsc.VectorSubcoreMesh(core_axis_name="c", subcore_axis_name="s")
    run = pl.kernel(
        _tril_body,
        mesh=mesh,
        out_type=jax.ShapeDtypeStruct((_B, _NOUT), jnp.float32),
        scratch_types=[
            pltpu.VMEM((_NOUT,), jnp.int32),
            pltpu.VMEM((16, _XW), jnp.float32),
            pltpu.VMEM((16, _XW), jnp.float32),
            pltpu.VMEM((_NOUT,), jnp.float32),
            pltpu.VMEM((_NOUT,), jnp.float32),
            pltpu.SemaphoreType.DMA,
            pltpu.SemaphoreType.DMA,
        ],
        compiler_params=pltpu.CompilerParams(
            needs_layout_passes=False, use_tc_tiling_on_sc=False
        ),
    )
    return run(X, idx)


@functools.lru_cache(maxsize=4)
def _jitted_kernel(sharding):
    fmt = Format(Layout(major_to_minor=(0, 1), tiling=()), sharding)
    return jax.jit(_kernel_impl, out_shardings=fmt)


def kernel(X):
    sharding = getattr(X, "sharding", None)
    if isinstance(sharding, jax.sharding.Sharding):
        return _jitted_kernel(sharding)(X)
    return _kernel_impl(X)

# --- scband reference (transcript-rebuilt; emitter-appended) ---
"""Pipeline reference for scband-tril-embedder-53626961657885 (READ-ONLY COPY).

The authoritative reference and input builder live on the scoring server;
editing this copy changes nothing except your own understanding.
"""

import math
import jax, jax.numpy as jnp
import numpy as np


def setup_inputs(seed: int = 0) -> dict:
    key = jax.random.key(seed)
    X = jax.random.normal(key, (4096, 128, 128), dtype=jnp.float32)
    return {"X": X}


def reference(X):
    ndim = X.shape[-1]
    # torch.tril_indices(ndim, ndim, offset=-1): row-major ordering, same as np.tril_indices
    rows_l, cols_l = np.tril_indices(ndim, k=-1)
    ixs_diag = np.arange(ndim, dtype=np.int64)
    rows = jnp.asarray(np.concatenate([ixs_diag, rows_l.astype(np.int64)]))
    cols = jnp.asarray(np.concatenate([ixs_diag, cols_l.astype(np.int64)]))
    # gather: X[..., rows, cols]
    x_vec = X[..., rows, cols]
    n_off = rows.shape[0] - ndim
    scale = jnp.concatenate([
        jnp.ones((ndim,), dtype=X.dtype),
        jnp.full((n_off,), math.sqrt(2), dtype=X.dtype),
    ])
    x_vec = x_vec * scale
    return x_vec

if __name__ == "__main__":
    import jax
    _d = setup_inputs()
    print(jax.jit(kernel)(*tuple(_d.values())))

</pallas_src>

<mosaic_0001>
#map = affine_map<(d0, d1) -> (0, 0, 0)>
#map1 = affine_map<(d0, d1) -> (0)>
#map2 = affine_map<(d0, d1) -> (0, 0)>
module attributes {stable_mosaic.version = 14 : i64} {
  func.func @_tril_body(%arg0: i32, %arg1: i32, %arg2: memref<4096x128x128xf32, #tpu.memory_space<hbm>>, %arg3: memref<8256xi32, #tpu.memory_space<hbm>>, %arg4: memref<4096x8256xf32, #tpu.memory_space<hbm>>, %arg5: memref<8256xi32, #tpu.memory_space<vmem>>, %arg6: memref<16x576xf32, #tpu.memory_space<vmem>>, %arg7: memref<16x576xf32, #tpu.memory_space<vmem>>, %arg8: memref<8256xf32, #tpu.memory_space<vmem>>, %arg9: memref<8256xf32, #tpu.memory_space<vmem>>, %arg10: memref<!tpu.dma_semaphore, #tpu.memory_space<semaphore_mem>>, %arg11: memref<!tpu.dma_semaphore, #tpu.memory_space<semaphore_mem>>) attributes {dimension_semantics = [#tpu.dimension_semantics<core_parallel>, #tpu.dimension_semantics<subcore_parallel>], iteration_bounds = array<i64: 2, 16>, scalar_prefetch = 0 : i64, scratch_operands = 7 : i64, tpu.core_type = #tpu.core_type<sc_vector_subcore>, window_params = [{transform_indices = #map}, {transform_indices = #map1}, {transform_indices = #map2}]} {
    %mul3A = arith.constant 2 : i32
    %mul3A_0 = arith.muli %arg1, %mul3A : i32
    %add3A = arith.addi %mul3A_0, %arg0 : i32
    %mul3A_1 = arith.constant 128 : i32
    %mul3A_2 = arith.muli %add3A, %mul3A_1 : i32
    "tpu.region"() ({
      %run_scoped3A = tpu.sem_alloc : memref<!tpu.dma_semaphore, #tpu.memory_space<semaphore_mem>>
      tpu.enqueue_dma source(%arg3 : memref<8256xi32, #tpu.memory_space<hbm>>) target(%arg5 : memref<8256xi32, #tpu.memory_space<vmem>>) target_semaphore(%run_scoped3A : memref<!tpu.dma_semaphore, #tpu.memory_space<semaphore_mem>>)
      tpu.wait_dma2 semaphore(%run_scoped3A : memref<!tpu.dma_semaphore, #tpu.memory_space<semaphore_mem>>) src(%arg3 : memref<8256xi32, #tpu.memory_space<hbm>>) dst(%arg5 : memref<8256xi32, #tpu.memory_space<vmem>>)
      tpu.yield
    }) : () -> ()
    %broadcast_in_dim3A = arith.constant 1.41421354 : f32
    %broadcast_in_dim3A_3 = vector.broadcast %broadcast_in_dim3A : f32 to vector<16xf32>
    %iota3A = tpu.iota {dimensions = array<i32: 0>} : vector<16xi32>
    %dma_start3A = arith.constant 0 : i32
    %dma_start3A_4 = arith.constant 0 : i32
    %dma_start3A_5 = tpu.memref_slice %arg6[%dma_start3A, %dma_start3A_4] : memref<16x576xf32, #tpu.memory_space<vmem>> -> memref<16x16xf32, #tpu.memory_space<vmem>>
    %dma_start3A_6 = arith.constant 0 : i32
    %dma_start3A_7 = arith.constant 0 : i32
    %dma_start3A_8 = tpu.memref_slice %arg2[%mul3A_2, %dma_start3A_6, %dma_start3A_7] : memref<4096x128x128xf32, #tpu.memory_space<hbm>> -> memref<1x16x16xf32, #tpu.memory_space<hbm>>
    %dma_start3A_9 = tpu.memref_squeeze %dma_start3A_8 : memref<1x16x16xf32, #tpu.memory_space<hbm>> -> memref<16x16xf32, #tpu.memory_space<hbm>>
    %dma_start3A_10 = arith.constant 0 : i32
    %dma_start3A_11 = arith.constant 0 : i32
    %dma_start3A_12 = tpu.memref_slice %arg6[%dma_start3A_10, %dma_start3A_11] : memref<16x576xf32, #tpu.memory_space<vmem>> -> memref<16x16xf32, #tpu.memory_space<vmem>>
    %dma_start3A_13 = arith.constant 0 : i32
    %dma_start3A_14 = arith.constant 0 : i32
    %dma_start3A_15 = tpu.memref_slice %arg2[%mul3A_2, %dma_start3A_13, %dma_start3A_14] : memref<4096x128x128xf32, #tpu.memory_space<hbm>> -> memref<1x16x16xf32, #tpu.memory_space<hbm>>
    %dma_start3A_16 = tpu.memref_squeeze %dma_start3A_15 : memref<1x16x16xf32, #tpu.memory_space<hbm>> -> memref<16x16xf32, #tpu.memory_space<hbm>>
    tpu.enqueue_dma source(%dma_start3A_16 : memref<16x16xf32, #tpu.memory_space<hbm>>) target(%dma_start3A_12 : memref<16x16xf32, #tpu.memory_space<vmem>>) target_semaphore(%arg10 : memref<!tpu.dma_semaphore, #tpu.memory_space<semaphore_mem>>)
    %dma_start3A_17 = arith.constant 0 : i32
    %dma_start3A_18 = arith.constant 16 : i32
    %dma_start3A_19 = tpu.memref_slice %arg6[%dma_start3A_17, %dma_start3A_18] : memref<16x576xf32, #tpu.memory_space<vmem>> -> memref<16x32xf32, #tpu.memory_space<vmem>>
    %dma_start3A_20 = arith.constant 16 : i32
    %dma_start3A_21 = arith.constant 0 : i32
    %dma_start3A_22 = tpu.memref_slice %arg2[%mul3A_2, %dma_start3A_20, %dma_start3A_21] : memref<4096x128x128xf32, #tpu.memory_space<hbm>> -> memref<1x16x32xf32, #tpu.memory_space<hbm>>
    %dma_start3A_23 = tpu.memref_squeeze %dma_start3A_22 : memref<1x16x32xf32, #tpu.memory_space<hbm>> -> memref<16x32xf32, #tpu.memory_space<hbm>>
    %dma_start3A_24 = arith.constant 0 : i32
    %dma_start3A_25 = arith.constant 16 : i32
    %dma_start3A_26 = tpu.memref_slice %arg6[%dma_start3A_24, %dma_start3A_25] : memref<16x576xf32, #tpu.memory_space<vmem>> -> memref<16x32xf32, #tpu.memory_space<vmem>>
    %dma_start3A_27 = arith.constant 16 : i32
    %dma_start3A_28 = arith.constant 0 : i32
    %dma_start3A_29 = tpu.memref_slice %arg2[%mul3A_2, %dma_start3A_27, %dma_start3A_28] : memref<4096x128x128xf32, #tpu.memory_space<hbm>> -> memref<1x16x32xf32, #tpu.memory_space<hbm>>
    %dma_start3A_30 = tpu.memref_squeeze %dma_start3A_29 : memref<1x16x32xf32, #tpu.memory_space<hbm>> -> memref<16x32xf32, #tpu.memory_space<hbm>>
    tpu.enqueue_dma source(%dma_start3A_30 : memref<16x32xf32, #tpu.memory_space<hbm>>) target(%dma_start3A_26 : memref<16x32xf32, #tpu.memory_space<vmem>>) target_semaphore(%arg10 : memref<!tpu.dma_semaphore, #tpu.memory_space<semaphore_mem>>)
    %dma_start3A_31 = arith.constant 0 : i32
    %dma_start3A_32 = arith.constant 48 : i32
    %dma_start3A_33 = tpu.memref_slice %arg6[%dma_start3A_31, %dma_start3A_32] : memref<16x576xf32, #tpu.memory_space<vmem>> -> memref<16x48xf32, #tpu.memory_space<vmem>>
    %dma_start3A_34 = arith.constant 32 : i32
    %dma_start3A_35 = arith.constant 0 : i32
    %dma_start3A_36 = tpu.memref_slice %arg2[%mul3A_2, %dma_start3A_34, %dma_start3A_35] : memref<4096x128x128xf32, #tpu.memory_space<hbm>> -> memref<1x16x48xf32, #tpu.memory_space<hbm>>
    %dma_start3A_37 = tpu.memref_squeeze %dma_start3A_36 : memref<1x16x48xf32, #tpu.memory_space<hbm>> -> memref<16x48xf32, #tpu.memory_space<hbm>>
    %dma_start3A_38 = arith.constant 0 : i32
    %dma_start3A_39 = arith.constant 48 : i32
    %dma_start3A_40 = tpu.memref_slice %arg6[%dma_start3A_38, %dma_start3A_39] : memref<16x576xf32, #tpu.memory_space<vmem>> -> memref<16x48xf32, #tpu.memory_space<vmem>>
    %dma_start3A_41 = arith.constant 32 : i32
    %dma_start3A_42 = arith.constant 0 : i32
    %dma_start3A_43 = tpu.memref_slice %arg2[%mul3A_2, %dma_start3A_41, %dma_start3A_42] : memref<4096x128x128xf32, #tpu.memory_space<hbm>> -> memref<1x16x48xf32, #tpu.memory_space<hbm>>
    %dma_start3A_44 = tpu.memref_squeeze %dma_start3A_43 : memref<1x16x48xf32, #tpu.memory_space<hbm>> -> memref<16x48xf32, #tpu.memory_space<hbm>>
    tpu.enqueue_dma source(%dma_start3A_44 : memref<16x48xf32, #tpu.memory_space<hbm>>) target(%dma_start3A_40 : memref<16x48xf32, #tpu.memory_space<vmem>>) target_semaphore(%arg10 : memref<!tpu.dma_semaphore, #tpu.memory_space<semaphore_mem>>)
    %dma_start3A_45 = arith.constant 0 : i32
    %dma_start3A_46 = arith.constant 96 : i32
    %dma_start3A_47 = tpu.memref_slice %arg6[%dma_start3A_45, %dma_start3A_46] : memref<16x576xf32, #tpu.memory_space<vmem>> -> memref<16x64xf32, #tpu.memory_space<vmem>>
    %dma_start3A_48 = arith.constant 48 : i32
    %dma_start3A_49 = arith.constant 0 : i32
    %dma_start3A_50 = tpu.memref_slice %arg2[%mul3A_2, %dma_start3A_48, %dma_start3A_49] : memref<4096x128x128xf32, #tpu.memory_space<hbm>> -> memref<1x16x64xf32, #tpu.memory_space<hbm>>
    %dma_start3A_51 = tpu.memref_squeeze %dma_start3A_50 : memref<1x16x64xf32, #tpu.memory_space<hbm>> -> memref<16x64xf32, #tpu.memory_space<hbm>>
    %dma_start3A_52 = arith.constant 0 : i32
    %dma_start3A_53 = arith.constant 96 : i32
    %dma_start3A_54 = tpu.memref_slice %arg6[%dma_start3A_52, %dma_start3A_53] : memref<16x576xf32, #tpu.memory_space<vmem>> -> memref<16x64xf32, #tpu.memory_space<vmem>>
    %dma_start3A_55 = arith.constant 48 : i32
    %dma_start3A_56 = arith.constant 0 : i32
    %dma_start3A_57 = tpu.memref_slice %arg2[%mul3A_2, %dma_start3A_55, %dma_start3A_56] : memref<4096x128x128xf32, #tpu.memory_space<hbm>> -> memref<1x16x64xf32, #tpu.memory_space<hbm>>
    %dma_start3A_58 = tpu.memref_squeeze %dma_start3A_57 : memref<1x16x64xf32, #tpu.memory_space<hbm>> -> memref<16x64xf32, #tpu.memory_space<hbm>>
    tpu.enqueue_dma source(%dma_start3A_58 : memref<16x64xf32, #tpu.memory_space<hbm>>) target(%dma_start3A_54 : memref<16x64xf32, #tpu.memory_space<vmem>>) target_semaphore(%arg10 : memref<!tpu.dma_semaphore, #tpu.memory_space<semaphore_mem>>)
    %dma_start3A_59 = arith.constant 0 : i32
    %dma_start3A_60 = arith.constant 160 : i32
    %dma_start3A_61 = tpu.memref_slice %arg6[%dma_start3A_59, %dma_start3A_60] : memref<16x576xf32, #tpu.memory_space<vmem>> -> memref<16x80xf32, #tpu.memory_space<vmem>>
    %dma_start3A_62 = arith.constant 64 : i32
    %dma_start3A_63 = arith.constant 0 : i32
    %dma_start3A_64 = tpu.memref_slice %arg2[%mul3A_2, %dma_start3A_62, %dma_start3A_63] : memref<4096x128x128xf32, #tpu.memory_space<hbm>> -> memref<1x16x80xf32, #tpu.memory_space<hbm>>
    %dma_start3A_65 = tpu.memref_squeeze %dma_start3A_64 : memref<1x16x80xf32, #tpu.memory_space<hbm>> -> memref<16x80xf32, #tpu.memory_space<hbm>>
    %dma_start3A_66 = arith.constant 0 : i32
    %dma_start3A_67 = arith.constant 160 : i32
    %dma_start3A_68 = tpu.memref_slice %arg6[%dma_start3A_66, %dma_start3A_67] : memref<16x576xf32, #tpu.memory_space<vmem>> -> memref<16x80xf32, #tpu.memory_space<vmem>>
    %dma_start3A_69 = arith.constant 64 : i32
    %dma_start3A_70 = arith.constant 0 : i32
    %dma_start3A_71 = tpu.memref_slice %arg2[%mul3A_2, %dma_start3A_69, %dma_start3A_70] : memref<4096x128x128xf32, #tpu.memory_space<hbm>> -> memref<1x16x80xf32, #tpu.memory_space<hbm>>
    %dma_start3A_72 = tpu.memref_squeeze %dma_start3A_71 : memref<1x16x80xf32, #tpu.memory_space<hbm>> -> memref<16x80xf32, #tpu.memory_space<hbm>>
    tpu.enqueue_dma source(%dma_start3A_72 : memref<16x80xf32, #tpu.memory_space<hbm>>) target(%dma_start3A_68 : memref<16x80xf32, #tpu.memory_space<vmem>>) target_semaphore(%arg10 : memref<!tpu.dma_semaphore, #tpu.memory_space<semaphore_mem>>)
    %dma_start3A_73 = arith.constant 0 : i32
    %dma_start3A_74 = arith.constant 240 : i32
    %dma_start3A_75 = tpu.memref_slice %arg6[%dma_start3A_73, %dma_start3A_74] : memref<16x576xf32, #tpu.memory_space<vmem>> -> memref<16x96xf32, #tpu.memory_space<vmem>>
    %dma_start3A_76 = arith.constant 80 : i32
    %dma_start3A_77 = arith.constant 0 : i32
    %dma_start3A_78 = tpu.memref_slice %arg2[%mul3A_2, %dma_start3A_76, %dma_start3A_77] : memref<4096x128x128xf32, #tpu.memory_space<hbm>> -> memref<1x16x96xf32, #tpu.memory_space<hbm>>
    %dma_start3A_79 = tpu.memref_squeeze %dma_start3A_78 : memref<1x16x96xf32, #tpu.memory_space<hbm>> -> memref<16x96xf32, #tpu.memory_space<hbm>>
    %dma_start3A_80 = arith.constant 0 : i32
    %dma_start3A_81 = arith.constant 240 : i32
    %dma_start3A_82 = tpu.memref_slice %arg6[%dma_start3A_80, %dma_start3A_81] : memref<16x576xf32, #tpu.memory_space<vmem>> -> memref<16x96xf32, #tpu.memory_space<vmem>>
    %dma_start3A_83 = arith.constant 80 : i32
    %dma_start3A_84 = arith.constant 0 : i32
    %dma_start3A_85 = tpu.memref_slice %arg2[%mul3A_2, %dma_start3A_83, %dma_start3A_84] : memref<4096x128x128xf32, #tpu.memory_space<hbm>> -> memref<1x16x96xf32, #tpu.memory_space<hbm>>
    %dma_start3A_86 = tpu.memref_squeeze %dma_start3A_85 : memref<1x16x96xf32, #tpu.memory_space<hbm>> -> memref<16x96xf32, #tpu.memory_space<hbm>>
    tpu.enqueue_dma source(%dma_start3A_86 : memref<16x96xf32, #tpu.memory_space<hbm>>) target(%dma_start3A_82 : memref<16x96xf32, #tpu.memory_space<vmem>>) target_semaphore(%arg10 : memref<!tpu.dma_semaphore, #tpu.memory_space<semaphore_mem>>)
    %dma_start3A_87 = arith.constant 0 : i32
    %dma_start3A_88 = arith.constant 336 : i32
    %dma_start3A_89 = tpu.memref_slice %arg6[%dma_start3A_87, %dma_start3A_88] : memref<16x576xf32, #tpu.memory_space<vmem>> -> memref<16x112xf32, #tpu.memory_space<vmem>>
    %dma_start3A_90 = arith.constant 96 : i32
    %dma_start3A_91 = arith.constant 0 : i32
    %dma_start3A_92 = tpu.memref_slice %arg2[%mul3A_2, %dma_start3A_90, %dma_start3A_91] : memref<4096x128x128xf32, #tpu.memory_space<hbm>> -> memref<1x16x112xf32, #tpu.memory_space<hbm>>
    %dma_start3A_93 = tpu.memref_squeeze %dma_start3A_92 : memref<1x16x112xf32, #tpu.memory_space<hbm>> -> memref<16x112xf32, #tpu.memory_space<hbm>>
    %dma_start3A_94 = arith.constant 0 : i32
    %dma_start3A_95 = arith.constant 336 : i32
    %dma_start3A_96 = tpu.memref_slice %arg6[%dma_start3A_94, %dma_start3A_95] : memref<16x576xf32, #tpu.memory_space<vmem>> -> memref<16x112xf32, #tpu.memory_space<vmem>>
    %dma_start3A_97 = arith.constant 96 : i32
    %dma_start3A_98 = arith.constant 0 : i32
    %dma_start3A_99 = tpu.memref_slice %arg2[%mul3A_2, %dma_start3A_97, %dma_start3A_98] : memref<4096x128x128xf32, #tpu.memory_space<hbm>> -> memref<1x16x112xf32, #tpu.memory_space<hbm>>
    %dma_start3A_100 = tpu.memref_squeeze %dma_start3A_99 : memref<1x16x112xf32, #tpu.memory_space<hbm>> -> memref<16x112xf32, #tpu.memory_space<hbm>>
    tpu.enqueue_dma source(%dma_start3A_100 : memref<16x112xf32, #tpu.memory_space<hbm>>) target(%dma_start3A_96 : memref<16x112xf32, #tpu.memory_space<vmem>>) target_semaphore(%arg10 : memref<!tpu.dma_semaphore, #tpu.memory_space<semaphore_mem>>)
    %dma_start3A_101 = arith.constant 0 : i32
    %dma_start3A_102 = arith.constant 448 : i32
    %dma_start3A_103 = tpu.memref_slice %arg6[%dma_start3A_101, %dma_start3A_102] : memref<16x576xf32, #tpu.memory_space<vmem>> -> memref<16x128xf32, #tpu.memory_space<vmem>>
    %dma_start3A_104 = arith.constant 112 : i32
    %dma_start3A_105 = arith.constant 0 : i32
    %dma_start3A_106 = tpu.memref_slice %arg2[%mul3A_2, %dma_start3A_104, %dma_start3A_105] : memref<4096x128x128xf32, #tpu.memory_space<hbm>> -> memref<1x16x128xf32, #tpu.memory_space<hbm>>
    %dma_start3A_107 = tpu.memref_squeeze %dma_start3A_106 : memref<1x16x128xf32, #tpu.memory_space<hbm>> -> memref<16x128xf32, #tpu.memory_space<hbm>>
    %dma_start3A_108 = arith.constant 0 : i32
    %dma_start3A_109 = arith.constant 448 : i32
    %dma_start3A_110 = tpu.memref_slice %arg6[%dma_start3A_108, %dma_start3A_109] : memref<16x576xf32, #tpu.memory_space<vmem>> -> memref<16x128xf32, #tpu.memory_space<vmem>>
    %dma_start3A_111 = arith.constant 112 : i32
    %dma_start3A_112 = arith.constant 0 : i32
    %dma_start3A_113 = tpu.memref_slice %arg2[%mul3A_2, %dma_start3A_111, %dma_start3A_112] : memref<4096x128x128xf32, #tpu.memory_space<hbm>> -> memref<1x16x128xf32, #tpu.memory_space<hbm>>
    %dma_start3A_114 = tpu.memref_squeeze %dma_start3A_113 : memref<1x16x128xf32, #tpu.memory_space<hbm>> -> memref<16x128xf32, #tpu.memory_space<hbm>>
    tpu.enqueue_dma source(%dma_start3A_114 : memref<16x128xf32, #tpu.memory_space<hbm>>) target(%dma_start3A_110 : memref<16x128xf32, #tpu.memory_space<vmem>>) target_semaphore(%arg10 : memref<!tpu.dma_semaphore, #tpu.memory_space<semaphore_mem>>)
    %scan3A = arith.constant 0 : i32
    %scan3A_115 = arith.constant 0 : i32
    %scan3A_116 = arith.constant 64 : i32
    %scan3A_117 = arith.addi %scan3A_115, %scan3A_116 : i32
    %scan3A_118 = arith.constant 1 : i32
    scf.for %scan3A_131 = %scan3A_115 to %scan3A_117 step %scan3A_118  : i32 {
      %mul3A_132 = arith.constant 2 : i32
      %mul3A_133 = arith.muli %scan3A_131, %mul3A_132 : i32
      %add3A_134 = arith.constant 0 : i32
      %add3A_135 = arith.addi %mul3A_133, %add3A_134 : i32
      %add3A_136 = arith.constant 1 : i32
      %add3A_137 = arith.addi %add3A_135, %add3A_136 : i32
      %lt3A = arith.constant 128 : i32
      %lt3A_138 = arith.cmpi slt, %add3A_137, %lt3A : i32
      %convert_element_type3A = arith.extui %lt3A_138 : i1 to i32
      %cond3A = arith.constant 0 : i32
      %cond3A_139 = arith.cmpi ne, %convert_element_type3A, %cond3A : i32
      scf.if %cond3A_139 {
        %add3A_606 = arith.addi %mul3A_2, %add3A_135 : i32
        %add3A_607 = arith.constant 1 : i32
        %add3A_608 = arith.addi %add3A_606, %add3A_607 : i32
        %dma_start3A_609 = arith.constant 0 : i32
        %dma_start3A_610 = arith.constant 0 : i32
        %dma_start3A_611 = tpu.memref_slice %arg7[%dma_start3A_609, %dma_start3A_610] : memref<16x576xf32, #tpu.memory_space<vmem>> -> memref<16x16xf32, #tpu.memory_space<vmem>>
        %dma_start3A_612 = arith.constant 0 : i32
        %dma_start3A_613 = arith.constant 0 : i32
        %dma_start3A_614 = tpu.memref_slice %arg2[%add3A_608, %dma_start3A_612, %dma_start3A_613] : memref<4096x128x128xf32, #tpu.memory_space<hbm>> -> memref<1x16x16xf32, #tpu.memory_space<hbm>>
        %dma_start3A_615 = tpu.memref_squeeze %dma_start3A_614 : memref<1x16x16xf32, #tpu.memory_space<hbm>> -> memref<16x16xf32, #tpu.memory_space<hbm>>
        %dma_start3A_616 = arith.constant 0 : i32
        %dma_start3A_617 = arith.constant 0 : i32
        %dma_start3A_618 = tpu.memref_slice %arg7[%dma_start3A_616, %dma_start3A_617] : memref<16x576xf32, #tpu.memory_space<vmem>> -> memref<16x16xf32, #tpu.memory_space<vmem>>
        %dma_start3A_619 = arith.constant 0 : i32
        %dma_start3A_620 = arith.constant 0 : i32
        %dma_start3A_621 = tpu.memref_slice %arg2[%add3A_608, %dma_start3A_619, %dma_start3A_620] : memref<4096x128x128xf32, #tpu.memory_space<hbm>> -> memref<1x16x16xf32, #tpu.memory_space<hbm>>
        %dma_start3A_622 = tpu.memref_squeeze %dma_start3A_621 : memref<1x16x16xf32, #tpu.memory_space<hbm>> -> memref<16x16xf32, #tpu.memory_space<hbm>>
        tpu.enqueue_dma source(%dma_start3A_622 : memref<16x16xf32, #tpu.memory_space<hbm>>) target(%dma_start3A_618 : memref<16x16xf32, #tpu.memory_space<vmem>>) target_semaphore(%arg10 : memref<!tpu.dma_semaphore, #tpu.memory_space<semaphore_mem>>)
        %dma_start3A_623 = arith.constant 0 : i32
        %dma_start3A_624 = arith.constant 16 : i32
        %dma_start3A_625 = tpu.memref_slice %arg7[%dma_start3A_623, %dma_start3A_624] : memref<16x576xf32, #tpu.memory_space<vmem>> -> memref<16x32xf32, #tpu.memory_space<vmem>>
        %dma_start3A_626 = arith.constant 16 : i32
        %dma_start3A_627 = arith.constant 0 : i32
        %dma_start3A_628 = tpu.memref_slice %arg2[%add3A_608, %dma_start3A_626, %dma_start3A_627] : memref<4096x128x128xf32, #tpu.memory_space<hbm>> -> memref<1x16x32xf32, #tpu.memory_space<hbm>>
        %dma_start3A_629 = tpu.memref_squeeze %dma_start3A_628 : memref<1x16x32xf32, #tpu.memory_space<hbm>> -> memref<16x32xf32, #tpu.memory_space<hbm>>
        %dma_start3A_630 = arith.constant 0 : i32
        %dma_start3A_631 = arith.constant 16 : i32
        %dma_start3A_632 = tpu.memref_slice %arg7[%dma_start3A_630, %dma_start3A_631] : memref<16x576xf32, #tpu.memory_space<vmem>> -> memref<16x32xf32, #tpu.memory_space<vmem>>
        %dma_start3A_633 = arith.constant 16 : i32
        %dma_start3A_634 = arith.constant 0 : i32
        %dma_start3A_635 = tpu.memref_slice %arg2[%add3A_608, %dma_start3A_633, %dma_start3A_634] : memref<4096x128x128xf32, #tpu.memory_space<hbm>> -> memref<1x16x32xf32, #tpu.memory_space<hbm>>
        %dma_start3A_636 = tpu.memref_squeeze %dma_start3A_635 : memref<1x16x32xf32, #tpu.memory_space<hbm>> -> memref<16x32xf32, #tpu.memory_space<hbm>>
        tpu.enqueue_dma source(%dma_start3A_636 : memref<16x32xf32, #tpu.memory_space<hbm>>) target(%dma_start3A_632 : memref<16x32xf32, #tpu.memory_space<vmem>>) target_semaphore(%arg10 : memref<!tpu.dma_semaphore, #tpu.memory_space<semaphore_mem>>)
        %dma_start3A_637 = arith.constant 0 : i32
        %dma_start3A_638 = arith.constant 48 : i32
        %dma_start3A_639 = tpu.memref_slice %arg7[%dma_start3A_637, %dma_start3A_638] : memref<16x576xf32, #tpu.memory_space<vmem>> -> memref<16x48xf32, #tpu.memory_space<vmem>>
        %dma_start3A_640 = arith.constant 32 : i32
        %dma_start3A_641 = arith.constant 0 : i32
        %dma_start3A_642 = tpu.memref_slice %arg2[%add3A_608, %dma_start3A_640, %dma_start3A_641] : memref<4096x128x128xf32, #tpu.memory_space<hbm>> -> memref<1x16x48xf32, #tpu.memory_space<hbm>>
        %dma_start3A_643 = tpu.memref_squeeze %dma_start3A_642 : memref<1x16x48xf32, #tpu.memory_space<hbm>> -> memref<16x48xf32, #tpu.memory_space<hbm>>
        %dma_start3A_644 = arith.constant 0 : i32
        %dma_start3A_645 = arith.constant 48 : i32
        %dma_start3A_646 = tpu.memref_slice %arg7[%dma_start3A_644, %dma_start3A_645] : memref<16x576xf32, #tpu.memory_space<vmem>> -> memref<16x48xf32, #tpu.memory_space<vmem>>
        %dma_start3A_647 = arith.constant 32 : i32
        %dma_start3A_648 = arith.constant 0 : i32
        %dma_start3A_649 = tpu.memref_slice %arg2[%add3A_608, %dma_start3A_647, %dma_start3A_648] : memref<4096x128x128xf32, #tpu.memory_space<hbm>> -> memref<1x16x48xf32, #tpu.memory_space<hbm>>
        %dma_start3A_650 = tpu.memref_squeeze %dma_start3A_649 : memref<1x16x48xf32, #tpu.memory_space<hbm>> -> memref<16x48xf32, #tpu.memory_space<hbm>>
        tpu.enqueue_dma source(%dma_start3A_650 : memref<16x48xf32, #tpu.memory_space<hbm>>) target(%dma_start3A_646 : memref<16x48xf32, #tpu.memory_space<vmem>>) target_semaphore(%arg10 : memref<!tpu.dma_semaphore, #tpu.memory_space<semaphore_mem>>)
        %dma_start3A_651 = arith.constant 0 : i32
        %dma_start3A_652 = arith.constant 96 : i32
        %dma_start3A_653 = tpu.memref_slice %arg7[%dma_start3A_651, %dma_start3A_652] : memref<16x576xf32, #tpu.memory_space<vmem>> -> memref<16x64xf32, #tpu.memory_space<vmem>>
        %dma_start3A_654 = arith.constant 48 : i32
        %dma_start3A_655 = arith.constant 0 : i32
        %dma_start3A_656 = tpu.memref_slice %arg2[%add3A_608, %dma_start3A_654, %dma_start3A_655] : memref<4096x128x128xf32, #tpu.memory_space<hbm>> -> memref<1x16x64xf32, #tpu.memory_space<hbm>>
        %dma_start3A_657 = tpu.memref_squeeze %dma_start3A_656 : memref<1x16x64xf32, #tpu.memory_space<hbm>> -> memref<16x64xf32, #tpu.memory_space<hbm>>
        %dma_start3A_658 = arith.constant 0 : i32
        %dma_start3A_659 = arith.constant 96 : i32
        %dma_start3A_660 = tpu.memref_slice %arg7[%dma_start3A_658, %dma_start3A_659] : memref<16x576xf32, #tpu.memory_space<vmem>> -> memref<16x64xf32, #tpu.memory_space<vmem>>
        %dma_start3A_661 = arith.constant 48 : i32
        %dma_start3A_662 = arith.constant 0 : i32
        %dma_start3A_663 = tpu.memref_slice %arg2[%add3A_608, %dma_start3A_661, %dma_start3A_662] : memref<4096x128x128xf32, #tpu.memory_space<hbm>> -> memref<1x16x64xf32, #tpu.memory_space<hbm>>
        %dma_start3A_664 = tpu.memref_squeeze %dma_start3A_663 : memref<1x16x64xf32, #tpu.memory_space<hbm>> -> memref<16x64xf32, #tpu.memory_space<hbm>>
        tpu.enqueue_dma source(%dma_start3A_664 : memref<16x64xf32, #tpu.memory_space<hbm>>) target(%dma_start3A_660 : memref<16x64xf32, #tpu.memory_space<vmem>>) target_semaphore(%arg10 : memref<!tpu.dma_semaphore, #tpu.memory_space<semaphore_mem>>)
        %dma_start3A_665 = arith.constant 0 : i32
        %dma_start3A_666 = arith.constant 160 : i32
        %dma_start3A_667 = tpu.memref_slice %arg7[%dma_start3A_665, %dma_start3A_666] : memref<16x576xf32, #tpu.memory_space<vmem>> -> memref<16x80xf32, #tpu.memory_space<vmem>>
        %dma_start3A_668 = arith.constant 64 : i32
        %dma_start3A_669 = arith.constant 0 : i32
        %dma_start3A_670 = tpu.memref_slice %arg2[%add3A_608, %dma_start3A_668, %dma_start3A_669] : memref<4096x128x128xf32, #tpu.memory_space<hbm>> -> memref<1x16x80xf32, #tpu.memory_space<hbm>>
        %dma_start3A_671 = tpu.memref_squeeze %dma_start3A_670 : memref<1x16x80xf32, #tpu.memory_space<hbm>> -> memref<16x80xf32, #tpu.memory_space<hbm>>
        %dma_start3A_672 = arith.constant 0 : i32
        %dma_start3A_673 = arith.constant 160 : i32
        %dma_start3A_674 = tpu.memref_slice %arg7[%dma_start3A_672, %dma_start3A_673] : memref<16x576xf32, #tpu.memory_space<vmem>> -> memref<16x80xf32, #tpu.memory_space<vmem>>
        %dma_start3A_675 = arith.constant 64 : i32
        %dma_start3A_676 = arith.constant 0 : i32
        %dma_start3A_677 = tpu.memref_slice %arg2[%add3A_608, %dma_start3A_675, %dma_start3A_676] : memref<4096x128x128xf32, #tpu.memory_space<hbm>> -> memref<1x16x80xf32, #tpu.memory_space<hbm>>
        %dma_start3A_678 = tpu.memref_squeeze %dma_start3A_677 : memref<1x16x80xf32, #tpu.memory_space<hbm>> -> memref<16x80xf32, #tpu.memory_space<hbm>>
        tpu.enqueue_dma source(%dma_start3A_678 : memref<16x80xf32, #tpu.memory_space<hbm>>) target(%dma_start3A_674 : memref<16x80xf32, #tpu.memory_space<vmem>>) target_semaphore(%arg10 : memref<!tpu.dma_semaphore, #tpu.memory_space<semaphore_mem>>)
        %dma_start3A_679 = arith.constant 0 : i32
        %dma_start3A_680 = arith.constant 240 : i32
        %dma_start3A_681 = tpu.memref_slice %arg7[%dma_start3A_679, %dma_start3A_680] : memref<16x576xf32, #tpu.memory_space<vmem>> -> memref<16x96xf32, #tpu.memory_space<vmem>>
        %dma_start3A_682 = arith.constant 80 : i32
        %dma_start3A_683 = arith.constant 0 : i32
        %dma_start3A_684 = tpu.memref_slice %arg2[%add3A_608, %dma_start3A_682, %dma_start3A_683] : memref<4096x128x128xf32, #tpu.memory_space<hbm>> -> memref<1x16x96xf32, #tpu.memory_space<hbm>>
        %dma_start3A_685 = tpu.memref_squeeze %dma_start3A_684 : memref<1x16x96xf32, #tpu.memory_space<hbm>> -> memref<16x96xf32, #tpu.memory_space<hbm>>
        %dma_start3A_686 = arith.constant 0 : i32
        %dma_start3A_687 = arith.constant 240 : i32
        %dma_start3A_688 = tpu.memref_slice %arg7[%dma_start3A_686, %dma_start3A_687] : memref<16x576xf32, #tpu.memory_space<vmem>> -> memref<16x96xf32, #tpu.memory_space<vmem>>
        %dma_start3A_689 = arith.constant 80 : i32
        %dma_start3A_690 = arith.constant 0 : i32
        %dma_start3A_691 = tpu.memref_slice %arg2[%add3A_608, %dma_start3A_689, %dma_start3A_690] : memref<4096x128x128xf32, #tpu.memory_space<hbm>> -> memref<1x16x96xf32, #tpu.memory_space<hbm>>
        %dma_start3A_692 = tpu.memref_squeeze %dma_start3A_691 : memref<1x16x96xf32, #tpu.memory_space<hbm>> -> memref<16x96xf32, #tpu.memory_space<hbm>>
        tpu.enqueue_dma source(%dma_start3A_692 : memref<16x96xf32, #tpu.memory_space<hbm>>) target(%dma_start3A_688 : memref<16x96xf32, #tpu.memory_space<vmem>>) target_semaphore(%arg10 : memref<!tpu.dma_semaphore, #tpu.memory_space<semaphore_mem>>)
        %dma_start3A_693 = arith.constant 0 : i32
        %dma_start3A_694 = arith.constant 336 : i32
        %dma_start3A_695 = tpu.memref_slice %arg7[%dma_start3A_693, %dma_start3A_694] : memref<16x576xf32, #tpu.memory_space<vmem>> -> memref<16x112xf32, #tpu.memory_space<vmem>>
        %dma_start3A_696 = arith.constant 96 : i32
        %dma_start3A_697 = arith.constant 0 : i32
        %dma_start3A_698 = tpu.memref_slice %arg2[%add3A_608, %dma_start3A_696, %dma_start3A_697] : memref<4096x128x128xf32, #tpu.memory_space<hbm>> -> memref<1x16x112xf32, #tpu.memory_space<hbm>>
        %dma_start3A_699 = tpu.memref_squeeze %dma_start3A_698 : memref<1x16x112xf32, #tpu.memory_space<hbm>> -> memref<16x112xf32, #tpu.memory_space<hbm>>
        %dma_start3A_700 = arith.constant 0 : i32
        %dma_start3A_701 = arith.constant 336 : i32
        %dma_start3A_702 = tpu.memref_slice %arg7[%dma_start3A_700, %dma_start3A_701] : memref<16x576xf32, #tpu.memory_space<vmem>> -> memref<16x112xf32, #tpu.memory_space<vmem>>
        %dma_start3A_703 = arith.constant 96 : i32
        %dma_start3A_704 = arith.constant 0 : i32
        %dma_start3A_705 = tpu.memref_slice %arg2[%add3A_608, %dma_start3A_703, %dma_start3A_704] : memref<4096x128x128xf32, #tpu.memory_space<hbm>> -> memref<1x16x112xf32, #tpu.memory_space<hbm>>
        %dma_start3A_706 = tpu.memref_squeeze %dma_start3A_705 : memref<1x16x112xf32, #tpu.memory_space<hbm>> -> memref<16x112xf32, #tpu.memory_space<hbm>>
        tpu.enqueue_dma source(%dma_start3A_706 : memref<16x112xf32, #tpu.memory_space<hbm>>) target(%dma_start3A_702 : memref<16x112xf32, #tpu.memory_space<vmem>>) target_semaphore(%arg10 : memref<!tpu.dma_semaphore, #tpu.memory_space<semaphore_mem>>)
        %dma_start3A_707 = arith.constant 0 : i32
        %dma_start3A_708 = arith.constant 448 : i32
        %dma_start3A_709 = tpu.memref_slice %arg7[%dma_start3A_707, %dma_start3A_708] : memref<16x576xf32, #tpu.memory_space<vmem>> -> memref<16x128xf32, #tpu.memory_space<vmem>>
        %dma_start3A_710 = arith.constant 112 : i32
        %dma_start3A_711 = arith.constant 0 : i32
        %dma_start3A_712 = tpu.memref_slice %arg2[%add3A_608, %dma_start3A_710, %dma_start3A_711] : memref<4096x128x128xf32, #tpu.memory_space<hbm>> -> memref<1x16x128xf32, #tpu.memory_space<hbm>>
        %dma_start3A_713 = tpu.memref_squeeze %dma_start3A_712 : memref<1x16x128xf32, #tpu.memory_space<hbm>> -> memref<16x128xf32, #tpu.memory_space<hbm>>
        %dma_start3A_714 = arith.constant 0 : i32
        %dma_start3A_715 = arith.constant 448 : i32
        %dma_start3A_716 = tpu.memref_slice %arg7[%dma_start3A_714, %dma_start3A_715] : memref<16x576xf32, #tpu.memory_space<vmem>> -> memref<16x128xf32, #tpu.memory_space<vmem>>
        %dma_start3A_717 = arith.constant 112 : i32
        %dma_start3A_718 = arith.constant 0 : i32
        %dma_start3A_719 = tpu.memref_slice %arg2[%add3A_608, %dma_start3A_717, %dma_start3A_718] : memref<4096x128x128xf32, #tpu.memory_space<hbm>> -> memref<1x16x128xf32, #tpu.memory_space<hbm>>
        %dma_start3A_720 = tpu.memref_squeeze %dma_start3A_719 : memref<1x16x128xf32, #tpu.memory_space<hbm>> -> memref<16x128xf32, #tpu.memory_space<hbm>>
        tpu.enqueue_dma source(%dma_start3A_720 : memref<16x128xf32, #tpu.memory_space<hbm>>) target(%dma_start3A_716 : memref<16x128xf32, #tpu.memory_space<vmem>>) target_semaphore(%arg10 : memref<!tpu.dma_semaphore, #tpu.memory_space<semaphore_mem>>)
      } else {
      }
      %dma_wait3A_140 = arith.constant 0 : i32
      %dma_wait3A_141 = arith.constant 0 : i32
      %dma_wait3A_142 = arith.constant 0 : i32
      %dma_wait3A_143 = tpu.memref_slice %arg6[%dma_wait3A_141, %dma_wait3A_142] : memref<16x576xf32, #tpu.memory_space<vmem>> -> memref<16x16xf32, #tpu.memory_space<vmem>>
      %dma_wait3A_144 = arith.constant 0 : i32
      %dma_wait3A_145 = arith.constant 0 : i32
      %dma_wait3A_146 = tpu.memref_slice %arg2[%dma_wait3A_140, %dma_wait3A_144, %dma_wait3A_145] : memref<4096x128x128xf32, #tpu.memory_space<hbm>> -> memref<1x16x16xf32, #tpu.memory_space<hbm>>
      %dma_wait3A_147 = tpu.memref_squeeze %dma_wait3A_146 : memref<1x16x16xf32, #tpu.memory_space<hbm>> -> memref<16x16xf32, #tpu.memory_space<hbm>>
      %dma_wait3A_148 = arith.constant 0 : i32
      %dma_wait3A_149 = arith.constant 0 : i32
      %dma_wait3A_150 = tpu.memref_slice %arg6[%dma_wait3A_148, %dma_wait3A_149] : memref<16x576xf32, #tpu.memory_space<vmem>> -> memref<16x16xf32, #tpu.memory_space<vmem>>
      %dma_wait3A_151 = arith.constant 0 : i32
      %dma_wait3A_152 = arith.constant 0 : i32
      %dma_wait3A_153 = tpu.memref_slice %arg2[%dma_wait3A_140, %dma_wait3A_151, %dma_wait3A_152] : memref<4096x128x128xf32, #tpu.memory_space<hbm>> -> memref<1x16x16xf32, #tpu.memory_space<hbm>>
      %dma_wait3A_154 = tpu.memref_squeeze %dma_wait3A_153 : memref<1x16x16xf32, #tpu.memory_space<hbm>> -> memref<16x16xf32, #tpu.memory_space<hbm>>
      tpu.wait_dma2 semaphore(%arg10 : memref<!tpu.dma_semaphore, #tpu.memory_space<semaphore_mem>>) src(%dma_wait3A_154 : memref<16x16xf32, #tpu.memory_space<hbm>>) dst(%dma_wait3A_150 : memref<16x16xf32, #tpu.memory_space<vmem>>)
      %dma_wait3A_155 = arith.constant 0 : i32
      %dma_wait3A_156 = arith.constant 0 : i32
      %dma_wait3A_157 = arith.constant 16 : i32
      %dma_wait3A_158 = tpu.memref_slice %arg6[%dma_wait3A_156, %dma_wait3A_157] : memref<16x576xf32, #tpu.memory_space<vmem>> -> memref<16x32xf32, #tpu.memory_space<vmem>>
      %dma_wait3A_159 = arith.constant 16 : i32
      %dma_wait3A_160 = arith.constant 0 : i32
      %dma_wait3A_161 = tpu.memref_slice %arg2[%dma_wait3A_155, %dma_wait3A_159, %dma_wait3A_160] : memref<4096x128x128xf32, #tpu.memory_space<hbm>> -> memref<1x16x32xf32, #tpu.memory_space<hbm>>
      %dma_wait3A_162 = tpu.memref_squeeze %dma_wait3A_161 : memref<1x16x32xf32, #tpu.memory_space<hbm>> -> memref<16x32xf32, #tpu.memory_space<hbm>>
      %dma_wait3A_163 = arith.constant 0 : i32
      %dma_wait3A_164 = arith.constant 16 : i32
      %dma_wait3A_165 = tpu.memref_slice %arg6[%dma_wait3A_163, %dma_wait3A_164] : memref<16x576xf32, #tpu.memory_space<vmem>> -> memref<16x32xf32, #tpu.memory_space<vmem>>
      %dma_wait3A_166 = arith.constant 16 : i32
      %dma_wait3A_167 = arith.constant 0 : i32
      %dma_wait3A_168 = tpu.memref_slice %arg2[%dma_wait3A_155, %dma_wait3A_166, %dma_wait3A_167] : memref<4096x128x128xf32, #tpu.memory_space<hbm>> -> memref<1x16x32xf32, #tpu.memory_space<hbm>>
      %dma_wait3A_169 = tpu.memref_squeeze %dma_wait3A_168 : memref<1x16x32xf32, #tpu.memory_space<hbm>> -> memref<16x32xf32, #tpu.memory_space<hbm>>
      tpu.wait_dma2 semaphore(%arg10 : memref<!tpu.dma_semaphore, #tpu.memory_space<semaphore_mem>>) src(%dma_wait3A_169 : memref<16x32xf32, #tpu.memory_space<hbm>>) dst(%dma_wait3A_165 : memref<16x32xf32, #tpu.memory_space<vmem>>)
      %dma_wait3A_170 = arith.constant 0 : i32
      %dma_wait3A_171 = arith.constant 0 : i32
      %dma_wait3A_172 = arith.constant 48 : i32
      %dma_wait3A_173 = tpu.memref_slice %arg6[%dma_wait3A_171, %dma_wait3A_172] : memref<16x576xf32, #tpu.memory_space<vmem>> -> memref<16x48xf32, #tpu.memory_space<vmem>>
      %dma_wait3A_174 = arith.constant 32 : i32
      %dma_wait3A_175 = arith.constant 0 : i32
      %dma_wait3A_176 = tpu.memref_slice %arg2[%dma_wait3A_170, %dma_wait3A_174, %dma_wait3A_175] : memref<4096x128x128xf32, #tpu.memory_space<hbm>> -> memref<1x16x48xf32, #tpu.memory_space<hbm>>
      %dma_wait3A_177 = tpu.memref_squeeze %dma_wait3A_176 : memref<1x16x48xf32, #tpu.memory_space<hbm>> -> memref<16x48xf32, #tpu.memory_space<hbm>>
      %dma_wait3A_178 = arith.constant 0 : i32
      %dma_wait3A_179 = arith.constant 48 : i32
      %dma_wait3A_180 = tpu.memref_slice %arg6[%dma_wait3A_178, %dma_wait3A_179] : memref<16x576xf32, #tpu.memory_space<vmem>> -> memref<16x48xf32, #tpu.memory_space<vmem>>
      %dma_wait3A_181 = arith.constant 32 : i32
      %dma_wait3A_182 = arith.constant 0 : i32
      %dma_wait3A_183 = tpu.memref_slice %arg2[%dma_wait3A_170, %dma_wait3A_181, %dma_wait3A_182] : memref<4096x128x128xf32, #tpu.memory_space<hbm>> -> memref<1x16x48xf32, #tpu.memory_space<hbm>>
      %dma_wait3A_184 = tpu.memref_squeeze %dma_wait3A_183 : memref<1x16x48xf32, #tpu.memory_space<hbm>> -> memref<16x48xf32, #tpu.memory_space<hbm>>
      tpu.wait_dma2 semaphore(%arg10 : memref<!tpu.dma_semaphore, #tpu.memory_space<semaphore_mem>>) src(%dma_wait3A_184 : memref<16x48xf32, #tpu.memory_space<hbm>>) dst(%dma_wait3A_180 : memref<16x48xf32, #tpu.memory_space<vmem>>)
      %dma_wait3A_185 = arith.constant 0 : i32
      %dma_wait3A_186 = arith.constant 0 : i32
      %dma_wait3A_187 = arith.constant 96 : i32
      %dma_wait3A_188 = tpu.memref_slice %arg6[%dma_wait3A_186, %dma_wait3A_187] : memref<16x576xf32, #tpu.memory_space<vmem>> -> memref<16x64xf32, #tpu.memory_space<vmem>>
      %dma_wait3A_189 = arith.constant 48 : i32
      %dma_wait3A_190 = arith.constant 0 : i32
      %dma_wait3A_191 = tpu.memref_slice %arg2[%dma_wait3A_185, %dma_wait3A_189, %dma_wait3A_190] : memref<4096x128x128xf32, #tpu.memory_space<hbm>> -> memref<1x16x64xf32, #tpu.memory_space<hbm>>
      %dma_wait3A_192 = tpu.memref_squeeze %dma_wait3A_191 : memref<1x16x64xf32, #tpu.memory_space<hbm>> -> memref<16x64xf32, #tpu.memory_space<hbm>>
      %dma_wait3A_193 = arith.constant 0 : i32
      %dma_wait3A_194 = arith.constant 96 : i32
      %dma_wait3A_195 = tpu.memref_slice %arg6[%dma_wait3A_193, %dma_wait3A_194] : memref<16x576xf32, #tpu.memory_space<vmem>> -> memref<16x64xf32, #tpu.memory_space<vmem>>
      %dma_wait3A_196 = arith.constant 48 : i32
      %dma_wait3A_197 = arith.constant 0 : i32
      %dma_wait3A_198 = tpu.memref_slice %arg2[%dma_wait3A_185, %dma_wait3A_196, %dma_wait3A_197] : memref<4096x128x128xf32, #tpu.memory_space<hbm>> -> memref<1x16x64xf32, #tpu.memory_space<hbm>>
      %dma_wait3A_199 = tpu.memref_squeeze %dma_wait3A_198 : memref<1x16x64xf32, #tpu.memory_space<hbm>> -> memref<16x64xf32, #tpu.memory_space<hbm>>
      tpu.wait_dma2 semaphore(%arg10 : memref<!tpu.dma_semaphore, #tpu.memory_space<semaphore_mem>>) src(%dma_wait3A_199 : memref<16x64xf32, #tpu.memory_space<hbm>>) dst(%dma_wait3A_195 : memref<16x64xf32, #tpu.memory_space<vmem>>)
      %dma_wait3A_200 = arith.constant 0 : i32
      %dma_wait3A_201 = arith.constant 0 : i32
      %dma_wait3A_202 = arith.constant 160 : i32
      %dma_wait3A_203 = tpu.memref_slice %arg6[%dma_wait3A_201, %dma_wait3A_202] : memref<16x576xf32, #tpu.memory_space<vmem>> -> memref<16x80xf32, #tpu.memory_space<vmem>>
      %dma_wait3A_204 = arith.constant 64 : i32
      %dma_wait3A_205 = arith.constant 0 : i32
      %dma_wait3A_206 = tpu.memref_slice %arg2[%dma_wait3A_200, %dma_wait3A_204, %dma_wait3A_205] : memref<4096x128x128xf32, #tpu.memory_space<hbm>> -> memref<1x16x80xf32, #tpu.memory_space<hbm>>
      %dma_wait3A_207 = tpu.memref_squeeze %dma_wait3A_206 : memref<1x16x80xf32, #tpu.memory_space<hbm>> -> memref<16x80xf32, #tpu.memory_space<hbm>>
      %dma_wait3A_208 = arith.constant 0 : i32
      %dma_wait3A_209 = arith.constant 160 : i32
      %dma_wait3A_210 = tpu.memref_slice %arg6[%dma_wait3A_208, %dma_wait3A_209] : memref<16x576xf32, #tpu.memory_space<vmem>> -> memref<16x80xf32, #tpu.memory_space<vmem>>
      %dma_wait3A_211 = arith.constant 64 : i32
      %dma_wait3A_212 = arith.constant 0 : i32
      %dma_wait3A_213 = tpu.memref_slice %arg2[%dma_wait3A_200, %dma_wait3A_211, %dma_wait3A_212] : memref<4096x128x128xf32, #tpu.memory_space<hbm>> -> memref<1x16x80xf32, #tpu.memory_space<hbm>>
      %dma_wait3A_214 = tpu.memref_squeeze %dma_wait3A_213 : memref<1x16x80xf32, #tpu.memory_space<hbm>> -> memref<16x80xf32, #tpu.memory_space<hbm>>
      tpu.wait_dma2 semaphore(%arg10 : memref<!tpu.dma_semaphore, #tpu.memory_space<semaphore_mem>>) src(%dma_wait3A_214 : memref<16x80xf32, #tpu.memory_space<hbm>>) dst(%dma_wait3A_210 : memref<16x80xf32, #tpu.memory_space<vmem>>)
      %dma_wait3A_215 = arith.constant 0 : i32
      %dma_wait3A_216 = arith.constant 0 : i32
      %dma_wait3A_217 = arith.constant 240 : i32
      %dma_wait3A_218 = tpu.memref_slice %arg6[%dma_wait3A_216, %dma_wait3A_217] : memref<16x576xf32, #tpu.memory_space<vmem>> -> memref<16x96xf32, #tpu.memory_space<vmem>>
      %dma_wait3A_219 = arith.constant 80 : i32
      %dma_wait3A_220 = arith.constant 0 : i32
      %dma_wait3A_221 = tpu.memref_slice %arg2[%dma_wait3A_215, %dma_wait3A_219, %dma_wait3A_220] : memref<4096x128x128xf32, #tpu.memory_space<hbm>> -> memref<1x16x96xf32, #tpu.memory_space<hbm>>
      %dma_wait3A_222 = tpu.memref_squeeze %dma_wait3A_221 : memref<1x16x96xf32, #tpu.memory_space<hbm>> -> memref<16x96xf32, #tpu.memory_space<hbm>>
      %dma_wait3A_223 = arith.constant 0 : i32
      %dma_wait3A_224 = arith.constant 240 : i32
      %dma_wait3A_225 = tpu.memref_slice %arg6[%dma_wait3A_223, %dma_wait3A_224] : memref<16x576xf32, #tpu.memory_space<vmem>> -> memref<16x96xf32, #tpu.memory_space<vmem>>
      %dma_wait3A_226 = arith.constant 80 : i32
      %dma_wait3A_227 = arith.constant 0 : i32
      %dma_wait3A_228 = tpu.memref_slice %arg2[%dma_wait3A_215, %dma_wait3A_226, %dma_wait3A_227] : memref<4096x128x128xf32, #tpu.memory_space<hbm>> -> memref<1x16x96xf32, #tpu.memory_space<hbm>>
      %dma_wait3A_229 = tpu.memref_squeeze %dma_wait3A_228 : memref<1x16x96xf32, #tpu.memory_space<hbm>> -> memref<16x96xf32, #tpu.memory_space<hbm>>
      tpu.wait_dma2 semaphore(%arg10 : memref<!tpu.dma_semaphore, #tpu.memory_space<semaphore_mem>>) src(%dma_wait3A_229 : memref<16x96xf32, #tpu.memory_space<hbm>>) dst(%dma_wait3A_225 : memref<16x96xf32, #tpu.memory_space<vmem>>)
      %dma_wait3A_230 = arith.constant 0 : i32
      %dma_wait3A_231 = arith.constant 0 : i32
      %dma_wait3A_232 = arith.constant 336 : i32
      %dma_wait3A_233 = tpu.memref_slice %arg6[%dma_wait3A_231, %dma_wait3A_232] : memref<16x576xf32, #tpu.memory_space<vmem>> -> memref<16x112xf32, #tpu.memory_space<vmem>>
      %dma_wait3A_234 = arith.constant 96 : i32
      %dma_wait3A_235 = arith.constant 0 : i32
      %dma_wait3A_236 = tpu.memref_slice %arg2[%dma_wait3A_230, %dma_wait3A_234, %dma_wait3A_235] : memref<4096x128x128xf32, #tpu.memory_space<hbm>> -> memref<1x16x112xf32, #tpu.memory_space<hbm>>
      %dma_wait3A_237 = tpu.memref_squeeze %dma_wait3A_236 : memref<1x16x112xf32, #tpu.memory_space<hbm>> -> memref<16x112xf32, #tpu.memory_space<hbm>>
      %dma_wait3A_238 = arith.constant 0 : i32
      %dma_wait3A_239 = arith.constant 336 : i32
      %dma_wait3A_240 = tpu.memref_slice %arg6[%dma_wait3A_238, %dma_wait3A_239] : memref<16x576xf32, #tpu.memory_space<vmem>> -> memref<16x112xf32, #tpu.memory_space<vmem>>
      %dma_wait3A_241 = arith.constant 96 : i32
      %dma_wait3A_242 = arith.constant 0 : i32
      %dma_wait3A_243 = tpu.memref_slice %arg2[%dma_wait3A_230, %dma_wait3A_241, %dma_wait3A_242] : memref<4096x128x128xf32, #tpu.memory_space<hbm>> -> memref<1x16x112xf32, #tpu.memory_space<hbm>>
      %dma_wait3A_244 = tpu.memref_squeeze %dma_wait3A_243 : memref<1x16x112xf32, #tpu.memory_space<hbm>> -> memref<16x112xf32, #tpu.memory_space<hbm>>
      tpu.wait_dma2 semaphore(%arg10 : memref<!tpu.dma_semaphore, #tpu.memory_space<semaphore_mem>>) src(%dma_wait3A_244 : memref<16x112xf32, #tpu.memory_space<hbm>>) dst(%dma_wait3A_240 : memref<16x112xf32, #tpu.memory_space<vmem>>)
      %dma_wait3A_245 = arith.constant 0 : i32
      %dma_wait3A_246 = arith.constant 0 : i32
      %dma_wait3A_247 = arith.constant 448 : i32
      %dma_wait3A_248 = tpu.memref_slice %arg6[%dma_wait3A_246, %dma_wait3A_247] : memref<16x576xf32, #tpu.memory_space<vmem>> -> memref<16x128xf32, #tpu.memory_space<vmem>>
      %dma_wait3A_249 = arith.constant 112 : i32
      %dma_wait3A_250 = arith.constant 0 : i32
      %dma_wait3A_251 = tpu.memref_slice %arg2[%dma_wait3A_245, %dma_wait3A_249, %dma_wait3A_250] : memref<4096x128x128xf32, #tpu.memory_space<hbm>> -> memref<1x16x128xf32, #tpu.memory_space<hbm>>
      %dma_wait3A_252 = tpu.memref_squeeze %dma_wait3A_251 : memref<1x16x128xf32, #tpu.memory_space<hbm>> -> memref<16x128xf32, #tpu.memory_space<hbm>>
      %dma_wait3A_253 = arith.constant 0 : i32
      %dma_wait3A_254 = arith.constant 448 : i32
      %dma_wait3A_255 = tpu.memref_slice %arg6[%dma_wait3A_253, %dma_wait3A_254] : memref<16x576xf32, #tpu.memory_space<vmem>> -> memref<16x128xf32, #tpu.memory_space<vmem>>
      %dma_wait3A_256 = arith.constant 112 : i32
      %dma_wait3A_257 = arith.constant 0 : i32
      %dma_wait3A_258 = tpu.memref_slice %arg2[%dma_wait3A_245, %dma_wait3A_256, %dma_wait3A_257] : memref<4096x128x128xf32, #tpu.memory_space<hbm>> -> memref<1x16x128xf32, #tpu.memory_space<hbm>>
      %dma_wait3A_259 = tpu.memref_squeeze %dma_wait3A_258 : memref<1x16x128xf32, #tpu.memory_space<hbm>> -> memref<16x128xf32, #tpu.memory_space<hbm>>
      tpu.wait_dma2 semaphore(%arg10 : memref<!tpu.dma_semaphore, #tpu.memory_space<semaphore_mem>>) src(%dma_wait3A_259 : memref<16x128xf32, #tpu.memory_space<hbm>>) dst(%dma_wait3A_255 : memref<16x128xf32, #tpu.memory_space<vmem>>)
      %ge3A = arith.constant 2 : i32
      %ge3A_260 = arith.cmpi sge, %add3A_135, %ge3A : i32
      %convert_element_type3A_261 = arith.extui %ge3A_260 : i1 to i32
      %cond3A_262 = arith.constant 0 : i32
      %cond3A_263 = arith.cmpi ne, %convert_element_type3A_261, %cond3A_262 : i32
      scf.if %cond3A_263 {
        %dma_wait3A_606 = arith.constant 0 : i32
        %dma_wait3A_607 = tpu.memref_slice %arg4[%mul3A_2, %dma_wait3A_606] : memref<4096x8256xf32, #tpu.memory_space<hbm>> -> memref<1x8256xf32, #tpu.memory_space<hbm>>
        %dma_wait3A_608 = tpu.memref_squeeze %dma_wait3A_607 : memref<1x8256xf32, #tpu.memory_space<hbm>> -> memref<8256xf32, #tpu.memory_space<hbm>>
        %dma_wait3A_609 = arith.constant 0 : i32
        %dma_wait3A_610 = tpu.memref_slice %arg4[%mul3A_2, %dma_wait3A_609] : memref<4096x8256xf32, #tpu.memory_space<hbm>> -> memref<1x8256xf32, #tpu.memory_space<hbm>>
        %dma_wait3A_611 = tpu.memref_squeeze %dma_wait3A_610 : memref<1x8256xf32, #tpu.memory_space<hbm>> -> memref<8256xf32, #tpu.memory_space<hbm>>
        tpu.wait_dma2 semaphore(%arg11 : memref<!tpu.dma_semaphore, #tpu.memory_space<semaphore_mem>>) src(%arg8 : memref<8256xf32, #tpu.memory_space<vmem>>) dst(%dma_wait3A_611 : memref<8256xf32, #tpu.memory_space<hbm>>)
      } else {
      }
      %add3A_264 = arith.constant 0 : i32
      %add3A_265 = vector.broadcast %add3A_264 : i32 to vector<16xi32>
      %add3A_266 = arith.addi %iota3A, %add3A_265 : vector<16xi32>
      %gather3A = tpu.vector_load_idx %arg6[%iota3A, %add3A_266] : memref<16x576xf32, #tpu.memory_space<vmem>>[vector<16xi32>, vector<16xi32>], vector<16xf32>,
      %swap3A = arith.constant 0 : index
      %swap3A_267 = tpu.vector_load %arg8[%swap3A] {strides = array<i32>} : memref<8256xf32, #tpu.memory_space<vmem>>, vector<16xf32>,
      tpu.vector_store %arg8[%swap3A], %gather3A {strides = array<i32>} : memref<8256xf32, #tpu.memory_space<vmem>>, vector<16xf32>,
      %add3A_268 = arith.constant 32 : i32
      %add3A_269 = vector.broadcast %add3A_268 : i32 to vector<16xi32>
      %add3A_270 = arith.addi %iota3A, %add3A_269 : vector<16xi32>
      %gather3A_271 = tpu.vector_load_idx %arg6[%iota3A, %add3A_270] : memref<16x576xf32, #tpu.memory_space<vmem>>[vector<16xi32>, vector<16xi32>], vector<16xf32>,
      %swap3A_272 = arith.constant 16 : index
      %swap3A_273 = tpu.vector_load %arg8[%swap3A_272] {strides = array<i32>} : memref<8256xf32, #tpu.memory_space<vmem>>, vector<16xf32>,
      tpu.vector_store %arg8[%swap3A_272], %gather3A_271 {strides = array<i32>} : memref<8256xf32, #tpu.memory_space<vmem>>, vector<16xf32>,
      %add3A_274 = arith.constant 80 : i32
      %add3A_275 = vector.broadcast %add3A_274 : i32 to vector<16xi32>
      %add3A_276 = arith.addi %iota3A, %add3A_275 : vector<16xi32>
      %gather3A_277 = tpu.vector_load_idx %arg6[%iota3A, %add3A_276] : memref<16x576xf32, #tpu.memory_space<vmem>>[vector<16xi32>, vector<16xi32>], vector<16xf32>,
      %swap3A_278 = arith.constant 32 : index
      %swap3A_279 = tpu.vector_load %arg8[%swap3A_278] {strides = array<i32>} : memref<8256xf32, #tpu.memory_space<vmem>>, vector<16xf32>,
      tpu.vector_store %arg8[%swap3A_278], %gather3A_277 {strides = array<i32>} : memref<8256xf32, #tpu.memory_space<vmem>>, vector<16xf32>,
      %add3A_280 = arith.constant 144 : i32
      %add3A_281 = vector.broadcast %add3A_280 : i32 to vector<16xi32>
      %add3A_282 = arith.addi %iota3A, %add3A_281 : vector<16xi32>
      %gather3A_283 = tpu.vector_load_idx %arg6[%iota3A, %add3A_282] : memref<16x576xf32, #tpu.memory_space<vmem>>[vector<16xi32>, vector<16xi32>], vector<16xf32>,
      %swap3A_284 = arith.constant 48 : index
      %swap3A_285 = tpu.vector_load %arg8[%swap3A_284] {strides = array<i32>} : memref<8256xf32, #tpu.memory_space<vmem>>, vector<16xf32>,
      tpu.vector_store %arg8[%swap3A_284], %gather3A_283 {strides = array<i32>} : memref<8256xf32, #tpu.memory_space<vmem>>, vector<16xf32>,
      %add3A_286 = arith.constant 224 : i32
      %add3A_287 = vector.broadcast %add3A_286 : i32 to vector<16xi32>
      %add3A_288 = arith.addi %iota3A, %add3A_287 : vector<16xi32>
      %gather3A_289 = tpu.vector_load_idx %arg6[%iota3A, %add3A_288] : memref<16x576xf32, #tpu.memory_space<vmem>>[vector<16xi32>, vector<16xi32>], vector<16xf32>,
      %swap3A_290 = arith.constant 64 : index
      %swap3A_291 = tpu.vector_load %arg8[%swap3A_290] {strides = array<i32>} : memref<8256xf32, #tpu.memory_space<vmem>>, vector<16xf32>,
      tpu.vector_store %arg8[%swap3A_290], %gather3A_289 {strides = array<i32>} : memref<8256xf32, #tpu.memory_space<vmem>>, vector<16xf32>,
      %add3A_292 = arith.constant 320 : i32
      %add3A_293 = vector.broadcast %add3A_292 : i32 to vector<16xi32>
      %add3A_294 = arith.addi %iota3A, %add3A_293 : vector<16xi32>
      %gather3A_295 = tpu.vector_load_idx %arg6[%iota3A, %add3A_294] : memref<16x576xf32, #tpu.memory_space<vmem>>[vector<16xi32>, vector<16xi32>], vector<16xf32>,
      %swap3A_296 = arith.constant 80 : index
      %swap3A_297 = tpu.vector_load %arg8[%swap3A_296] {strides = array<i32>} : memref<8256xf32, #tpu.memory_space<vmem>>, vector<16xf32>,
      tpu.vector_store %arg8[%swap3A_296], %gather3A_295 {strides = array<i32>} : memref<8256xf32, #tpu.memory_space<vmem>>, vector<16xf32>,
      %add3A_298 = arith.constant 432 : i32
      %add3A_299 = vector.broadcast %add3A_298 : i32 to vector<16xi32>
      %add3A_300 = arith.addi %iota3A, %add3A_299 : vector<16xi32>
      %gather3A_301 = tpu.vector_load_idx %arg6[%iota3A, %add3A_300] : memref<16x576xf32, #tpu.memory_space<vmem>>[vector<16xi32>, vector<16xi32>], vector<16xf32>,
      %swap3A_302 = arith.constant 96 : index
      %swap3A_303 = tpu.vector_load %arg8[%swap3A_302] {strides = array<i32>} : memref<8256xf32, #tpu.memory_space<vmem>>, vector<16xf32>,
      tpu.vector_store %arg8[%swap3A_302], %gather3A_301 {strides = array<i32>} : memref<8256xf32, #tpu.memory_space<vmem>>, vector<16xf32>,
      %add3A_304 = arith.constant 560 : i32
      %add3A_305 = vector.broadcast %add3A_304 : i32 to vector<16xi32>
      %add3A_306 = arith.addi %iota3A, %add3A_305 : vector<16xi32>
      %gather3A_307 = tpu.vector_load_idx %arg6[%iota3A, %add3A_306] : memref<16x576xf32, #tpu.memory_space<vmem>>[vector<16xi32>, vector<16xi32>], vector<16xf32>,
      %swap3A_308 = arith.constant 112 : index
      %swap3A_309 = tpu.vector_load %arg8[%swap3A_308] {strides = array<i32>} : memref<8256xf32, #tpu.memory_space<vmem>>, vector<16xf32>,
      tpu.vector_store %arg8[%swap3A_308], %gather3A_307 {strides = array<i32>} : memref<8256xf32, #tpu.memory_space<vmem>>, vector<16xf32>,
      %parallel_loop3A = arith.constant 128 : i32
      %parallel_loop3A_310 = arith.constant 8192 : i32
      %parallel_loop3A_311 = arith.constant 16 : i32
      scf.for %parallel_loop3A_606 = %parallel_loop3A to %parallel_loop3A_310 step %parallel_loop3A_311  : i32 {
        %parallel_loop3A_607 = arith.index_cast %parallel_loop3A_606 : i32 to index
        %parallel_loop3A_608 = tpu.vector_load %arg5[%parallel_loop3A_607] {strides = array<i32>} : memref<8256xi32, #tpu.memory_space<vmem>>, vector<16xi32>,
        %parallel_loop3A_609 = arith.constant 16 : i32
        %parallel_loop3A_610 = vector.broadcast %parallel_loop3A_609 : i32 to vector<16xi32>
        %parallel_loop3A_611 = arith.shrui %parallel_loop3A_608, %parallel_loop3A_610 : vector<16xi32>
        %parallel_loop3A_612 = arith.constant 65535 : i32
        %parallel_loop3A_613 = vector.broadcast %parallel_loop3A_612 : i32 to vector<16xi32>
        %parallel_loop3A_614 = arith.andi %parallel_loop3A_608, %parallel_loop3A_613 : vector<16xi32>
        %parallel_loop3A_615 = tpu.vector_load_idx %arg6[%parallel_loop3A_611, %parallel_loop3A_614] : memref<16x576xf32, #tpu.memory_space<vmem>>[vector<16xi32>, vector<16xi32>], vector<16xf32>,
        %parallel_loop3A_616 = arith.mulf %parallel_loop3A_615, %broadcast_in_dim3A_3 : vector<16xf32>
        %parallel_loop3A_617 = arith.index_cast %parallel_loop3A_606 : i32 to index
        %parallel_loop3A_618 = tpu.vector_load %arg8[%parallel_loop3A_617] {strides = array<i32>} : memref<8256xf32, #tpu.memory_space<vmem>>, vector<16xf32>,
        tpu.vector_store %arg8[%parallel_loop3A_617], %parallel_loop3A_616 {strides = array<i32>} : memref<8256xf32, #tpu.memory_space<vmem>>, vector<16xf32>,
      } {sc.loop_unroll_factor = 8 : i64, sc.parallel_access}
      %get3A = arith.constant 8192 : index
      %get3A_312 = tpu.vector_load %arg5[%get3A] {strides = array<i32>} : memref<8256xi32, #tpu.memory_space<vmem>>, vector<16xi32>,
      %shift_right_logical3A = arith.constant 16 : i32
      %shift_right_logical3A_313 = vector.broadcast %shift_right_logical3A : i32 to vector<16xi32>
      %shift_right_logical3A_314 = arith.shrui %get3A_312, %shift_right_logical3A_313 : vector<16xi32>
      %and3A = arith.constant 65535 : i32
      %and3A_315 = vector.broadcast %and3A : i32 to vector<16xi32>
      %and3A_316 = arith.andi %get3A_312, %and3A_315 : vector<16xi32>
      %gather3A_317 = tpu.vector_load_idx %arg6[%shift_right_logical3A_314, %and3A_316] : memref<16x576xf32, #tpu.memory_space<vmem>>[vector<16xi32>, vector<16xi32>], vector<16xf32>,
      %mul3A_318 = arith.mulf %gather3A_317, %broadcast_in_dim3A_3 : vector<16xf32>
      %swap3A_319 = arith.constant 8192 : index
      %swap3A_320 = tpu.vector_load %arg8[%swap3A_319] {strides = array<i32>} : memref<8256xf32, #tpu.memory_space<vmem>>, vector<16xf32>,
      tpu.vector_store %arg8[%swap3A_319], %mul3A_318 {strides = array<i32>} : memref<8256xf32, #tpu.memory_space<vmem>>, vector<16xf32>,
      %get3A_321 = arith.constant 8208 : index
      %get3A_322 = tpu.vector_load %arg5[%get3A_321] {strides = array<i32>} : memref<8256xi32, #tpu.memory_space<vmem>>, vector<16xi32>,
      %shift_right_logical3A_323 = arith.constant 16 : i32
      %shift_right_logical3A_324 = vector.broadcast %shift_right_logical3A_323 : i32 to vector<16xi32>
      %shift_right_logical3A_325 = arith.shrui %get3A_322, %shift_right_logical3A_324 : vector<16xi32>
      %and3A_326 = arith.constant 65535 : i32
      %and3A_327 = vector.broadcast %and3A_326 : i32 to vector<16xi32>
      %and3A_328 = arith.andi %get3A_322, %and3A_327 : vector<16xi32>
      %gather3A_329 = tpu.vector_load_idx %arg6[%shift_right_logical3A_325, %and3A_328] : memref<16x576xf32, #tpu.memory_space<vmem>>[vector<16xi32>, vector<16xi32>], vector<16xf32>,
      %mul3A_330 = arith.mulf %gather3A_329, %broadcast_in_dim3A_3 : vector<16xf32>
      %swap3A_331 = arith.constant 8208 : index
      %swap3A_332 = tpu.vector_load %arg8[%swap3A_331] {strides = array<i32>} : memref<8256xf32, #tpu.memory_space<vmem>>, vector<16xf32>,
      tpu.vector_store %arg8[%swap3A_331], %mul3A_330 {strides = array<i32>} : memref<8256xf32, #tpu.memory_space<vmem>>, vector<16xf32>,
      %get3A_333 = arith.constant 8224 : index
      %get3A_334 = tpu.vector_load %arg5[%get3A_333] {strides = array<i32>} : memref<8256xi32, #tpu.memory_space<vmem>>, vector<16xi32>,
      %shift_right_logical3A_335 = arith.constant 16 : i32
      %shift_right_logical3A_336 = vector.broadcast %shift_right_logical3A_335 : i32 to vector<16xi32>
      %shift_right_logical3A_337 = arith.shrui %get3A_334, %shift_right_logical3A_336 : vector<16xi32>
      %and3A_338 = arith.constant 65535 : i32
      %and3A_339 = vector.broadcast %and3A_338 : i32 to vector<16xi32>
      %and3A_340 = arith.andi %get3A_334, %and3A_339 : vector<16xi32>
      %gather3A_341 = tpu.vector_load_idx %arg6[%shift_right_logical3A_337, %and3A_340] : memref<16x576xf32, #tpu.memory_space<vmem>>[vector<16xi32>, vector<16xi32>], vector<16xf32>,
      %mul3A_342 = arith.mulf %gather3A_341, %broadcast_in_dim3A_3 : vector<16xf32>
      %swap3A_343 = arith.constant 8224 : index
      %swap3A_344 = tpu.vector_load %arg8[%swap3A_343] {strides = array<i32>} : memref<8256xf32, #tpu.memory_space<vmem>>, vector<16xf32>,
      tpu.vector_store %arg8[%swap3A_343], %mul3A_342 {strides = array<i32>} : memref<8256xf32, #tpu.memory_space<vmem>>, vector<16xf32>,
      %get3A_345 = arith.constant 8240 : index
      %get3A_346 = tpu.vector_load %arg5[%get3A_345] {strides = array<i32>} : memref<8256xi32, #tpu.memory_space<vmem>>, vector<16xi32>,
      %shift_right_logical3A_347 = arith.constant 16 : i32
      %shift_right_logical3A_348 = vector.broadcast %shift_right_logical3A_347 : i32 to vector<16xi32>
      %shift_right_logical3A_349 = arith.shrui %get3A_346, %shift_right_logical3A_348 : vector<16xi32>
      %and3A_350 = arith.constant 65535 : i32
      %and3A_351 = vector.broadcast %and3A_350 : i32 to vector<16xi32>
      %and3A_352 = arith.andi %get3A_346, %and3A_351 : vector<16xi32>
      %gather3A_353 = tpu.vector_load_idx %arg6[%shift_right_logical3A_349, %and3A_352] : memref<16x576xf32, #tpu.memory_space<vmem>>[vector<16xi32>, vector<16xi32>], vector<16xf32>,
      %mul3A_354 = arith.mulf %gather3A_353, %broadcast_in_dim3A_3 : vector<16xf32>
      %swap3A_355 = arith.constant 8240 : index
      %swap3A_356 = tpu.vector_load %arg8[%swap3A_355] {strides = array<i32>} : memref<8256xf32, #tpu.memory_space<vmem>>, vector<16xf32>,
      tpu.vector_store %arg8[%swap3A_355], %mul3A_354 {strides = array<i32>} : memref<8256xf32, #tpu.memory_space<vmem>>, vector<16xf32>,
      %add3A_357 = arith.addi %mul3A_2, %add3A_135 : i32
      %dma_start3A_358 = arith.constant 0 : i32
      %dma_start3A_359 = tpu.memref_slice %arg4[%add3A_357, %dma_start3A_358] : memref<4096x8256xf32, #tpu.memory_space<hbm>> -> memref<1x8256xf32, #tpu.memory_space<hbm>>
      %dma_start3A_360 = tpu.memref_squeeze %dma_start3A_359 : memref<1x8256xf32, #tpu.memory_space<hbm>> -> memref<8256xf32, #tpu.memory_space<hbm>>
      %dma_start3A_361 = arith.constant 0 : i32
      %dma_start3A_362 = tpu.memref_slice %arg4[%add3A_357, %dma_start3A_361] : memref<4096x8256xf32, #tpu.memory_space<hbm>> -> memref<1x8256xf32, #tpu.memory_space<hbm>>
      %dma_start3A_363 = tpu.memref_squeeze %dma_start3A_362 : memref<1x8256xf32, #tpu.memory_space<hbm>> -> memref<8256xf32, #tpu.memory_space<hbm>>
      tpu.enqueue_dma source(%arg8 : memref<8256xf32, #tpu.memory_space<vmem>>) target(%dma_start3A_363 : memref<8256xf32, #tpu.memory_space<hbm>>) target_semaphore(%arg11 : memref<!tpu.dma_semaphore, #tpu.memory_space<semaphore_mem>>)
      %mul3A_364 = arith.constant 2 : i32
      %mul3A_365 = arith.muli %scan3A_131, %mul3A_364 : i32
      %add3A_366 = arith.constant 1 : i32
      %add3A_367 = arith.addi %mul3A_365, %add3A_366 : i32
      %add3A_368 = arith.constant 1 : i32
      %add3A_369 = arith.addi %add3A_367, %add3A_368 : i32
      %lt3A_370 = arith.constant 128 : i32
      %lt3A_371 = arith.cmpi slt, %add3A_369, %lt3A_370 : i32
      %convert_element_type3A_372 = arith.extui %lt3A_371 : i1 to i32
      %cond3A_373 = arith.constant 0 : i32
      %cond3A_374 = arith.cmpi ne, %convert_element_type3A_372, %cond3A_373 : i32
      scf.if %cond3A_374 {
        %add3A_606 = arith.addi %mul3A_2, %add3A_367 : i32
        %add3A_607 = arith.constant 1 : i32
        %add3A_608 = arith.addi %add3A_606, %add3A_607 : i32
        %dma_start3A_609 = arith.constant 0 : i32
        %dma_start3A_610 = arith.constant 0 : i32
        %dma_start3A_611 = tpu.memref_slice %arg6[%dma_start3A_609, %dma_start3A_610] : memref<16x576xf32, #tpu.memory_space<vmem>> -> memref<16x16xf32, #tpu.memory_space<vmem>>
        %dma_start3A_612 = arith.constant 0 : i32
        %dma_start3A_613 = arith.constant 0 : i32
        %dma_start3A_614 = tpu.memref_slice %arg2[%add3A_608, %dma_start3A_612, %dma_start3A_613] : memref<4096x128x128xf32, #tpu.memory_space<hbm>> -> memref<1x16x16xf32, #tpu.memory_space<hbm>>
        %dma_start3A_615 = tpu.memref_squeeze %dma_start3A_614 : memref<1x16x16xf32, #tpu.memory_space<hbm>> -> memref<16x16xf32, #tpu.memory_space<hbm>>
        %dma_start3A_616 = arith.constant 0 : i32
        %dma_start3A_617 = arith.constant 0 : i32
        %dma_start3A_618 = tpu.memref_slice %arg6[%dma_start3A_616, %dma_start3A_617] : memref<16x576xf32, #tpu.memory_space<vmem>> -> memref<16x16xf32, #tpu.memory_space<vmem>>
        %dma_start3A_619 = arith.constant 0 : i32
        %dma_start3A_620 = arith.constant 0 : i32
        %dma_start3A_621 = tpu.memref_slice %arg2[%add3A_608, %dma_start3A_619, %dma_start3A_620] : memref<4096x128x128xf32, #tpu.memory_space<hbm>> -> memref<1x16x16xf32, #tpu.memory_space<hbm>>
        %dma_start3A_622 = tpu.memref_squeeze %dma_start3A_621 : memref<1x16x16xf32, #tpu.memory_space<hbm>> -> memref<16x16xf32, #tpu.memory_space<hbm>>
        tpu.enqueue_dma source(%dma_start3A_622 : memref<16x16xf32, #tpu.memory_space<hbm>>) target(%dma_start3A_618 : memref<16x16xf32, #tpu.memory_space<vmem>>) target_semaphore(%arg10 : memref<!tpu.dma_semaphore, #tpu.memory_space<semaphore_mem>>)
        %dma_start3A_623 = arith.constant 0 : i32
        %dma_start3A_624 = arith.constant 16 : i32
        %dma_start3A_625 = tpu.memref_slice %arg6[%dma_start3A_623, %dma_start3A_624] : memref<16x576xf32, #tpu.memory_space<vmem>> -> memref<16x32xf32, #tpu.memory_space<vmem>>
        %dma_start3A_626 = arith.constant 16 : i32
        %dma_start3A_627 = arith.constant 0 : i32
        %dma_start3A_628 = tpu.memref_slice %arg2[%add3A_608, %dma_start3A_626, %dma_start3A_627] : memref<4096x128x128xf32, #tpu.memory_space<hbm>> -> memref<1x16x32xf32, #tpu.memory_space<hbm>>
        %dma_start3A_629 = tpu.memref_squeeze %dma_start3A_628 : memref<1x16x32xf32, #tpu.memory_space<hbm>> -> memref<16x32xf32, #tpu.memory_space<hbm>>
        %dma_start3A_630 = arith.constant 0 : i32
        %dma_start3A_631 = arith.constant 16 : i32
        %dma_start3A_632 = tpu.memref_slice %arg6[%dma_start3A_630, %dma_start3A_631] : memref<16x576xf32, #tpu.memory_space<vmem>> -> memref<16x32xf32, #tpu.memory_space<vmem>>
        %dma_start3A_633 = arith.constant 16 : i32
        %dma_start3A_634 = arith.constant 0 : i32
        %dma_start3A_635 = tpu.memref_slice %arg2[%add3A_608, %dma_start3A_633, %dma_start3A_634] : memref<4096x128x128xf32, #tpu.memory_space<hbm>> -> memref<1x16x32xf32, #tpu.memory_space<hbm>>
        %dma_start3A_636 = tpu.memref_squeeze %dma_start3A_635 : memref<1x16x32xf32, #tpu.memory_space<hbm>> -> memref<16x32xf32, #tpu.memory_space<hbm>>
        tpu.enqueue_dma source(%dma_start3A_636 : memref<16x32xf32, #tpu.memory_space<hbm>>) target(%dma_start3A_632 : memref<16x32xf32, #tpu.memory_space<vmem>>) target_semaphore(%arg10 : memref<!tpu.dma_semaphore, #tpu.memory_space<semaphore_mem>>)
        %dma_start3A_637 = arith.constant 0 : i32
        %dma_start3A_638 = arith.constant 48 : i32
        %dma_start3A_639 = tpu.memref_slice %arg6[%dma_start3A_637, %dma_start3A_638] : memref<16x576xf32, #tpu.memory_space<vmem>> -> memref<16x48xf32, #tpu.memory_space<vmem>>
        %dma_start3A_640 = arith.constant 32 : i32
        %dma_start3A_641 = arith.constant 0 : i32
        %dma_start3A_642 = tpu.memref_slice %arg2[%add3A_608, %dma_start3A_640, %dma_start3A_641] : memref<4096x128x128xf32, #tpu.memory_space<hbm>> -> memref<1x16x48xf32, #tpu.memory_space<hbm>>
        %dma_start3A_643 = tpu.memref_squeeze %dma_start3A_642 : memref<1x16x48xf32, #tpu.memory_space<hbm>> -> memref<16x48xf32, #tpu.memory_space<hbm>>
        %dma_start3A_644 = arith.constant 0 : i32
        %dma_start3A_645 = arith.constant 48 : i32
        %dma_start3A_646 = tpu.memref_slice %arg6[%dma_start3A_644, %dma_start3A_645] : memref<16x576xf32, #tpu.memory_space<vmem>> -> memref<16x48xf32, #tpu.memory_space<vmem>>
        %dma_start3A_647 = arith.constant 32 : i32
        %dma_start3A_648 = arith.constant 0 : i32
        %dma_start3A_649 = tpu.memref_slice %arg2[%add3A_608, %dma_start3A_647, %dma_start3A_648] : memref<4096x128x128xf32, #tpu.memory_space<hbm>> -> memref<1x16x48xf32, #tpu.memory_space<hbm>>
        %dma_start3A_650 = tpu.memref_squeeze %dma_start3A_649 : memref<1x16x48xf32, #tpu.memory_space<hbm>> -> memref<16x48xf32, #tpu.memory_space<hbm>>
        tpu.enqueue_dma source(%dma_start3A_650 : memref<16x48xf32, #tpu.memory_space<hbm>>) target(%dma_start3A_646 : memref<16x48xf32, #tpu.memory_space<vmem>>) target_semaphore(%arg10 : memref<!tpu.dma_semaphore, #tpu.memory_space<semaphore_mem>>)
        %dma_start3A_651 = arith.constant 0 : i32
        %dma_start3A_652 = arith.constant 96 : i32
        %dma_start3A_653 = tpu.memref_slice %arg6[%dma_start3A_651, %dma_start3A_652] : memref<16x576xf32, #tpu.memory_space<vmem>> -> memref<16x64xf32, #tpu.memory_space<vmem>>
        %dma_start3A_654 = arith.constant 48 : i32
        %dma_start3A_655 = arith.constant 0 : i32
        %dma_start3A_656 = tpu.memref_slice %arg2[%add3A_608, %dma_start3A_654, %dma_start3A_655] : memref<4096x128x128xf32, #tpu.memory_space<hbm>> -> memref<1x16x64xf32, #tpu.memory_space<hbm>>
        %dma_start3A_657 = tpu.memref_squeeze %dma_start3A_656 : memref<1x16x64xf32, #tpu.memory_space<hbm>> -> memref<16x64xf32, #tpu.memory_space<hbm>>
        %dma_start3A_658 = arith.constant 0 : i32
        %dma_start3A_659 = arith.constant 96 : i32
        %dma_start3A_660 = tpu.memref_slice %arg6[%dma_start3A_658, %dma_start3A_659] : memref<16x576xf32, #tpu.memory_space<vmem>> -> memref<16x64xf32, #tpu.memory_space<vmem>>
        %dma_start3A_661 = arith.constant 48 : i32
        %dma_start3A_662 = arith.constant 0 : i32
        %dma_start3A_663 = tpu.memref_slice %arg2[%add3A_608, %dma_start3A_661, %dma_start3A_662] : memref<4096x128x128xf32, #tpu.memory_space<hbm>> -> memref<1x16x64xf32, #tpu.memory_space<hbm>>
        %dma_start3A_664 = tpu.memref_squeeze %dma_start3A_663 : memref<1x16x64xf32, #tpu.memory_space<hbm>> -> memref<16x64xf32, #tpu.memory_space<hbm>>
        tpu.enqueue_dma source(%dma_start3A_664 : memref<16x64xf32, #tpu.memory_space<hbm>>) target(%dma_start3A_660 : memref<16x64xf32, #tpu.memory_space<vmem>>) target_semaphore(%arg10 : memref<!tpu.dma_semaphore, #tpu.memory_space<semaphore_mem>>)
        %dma_start3A_665 = arith.constant 0 : i32
        %dma_start3A_666 = arith.constant 160 : i32
        %dma_start3A_667 = tpu.memref_slice %arg6[%dma_start3A_665, %dma_start3A_666] : memref<16x576xf32, #tpu.memory_space<vmem>> -> memref<16x80xf32, #tpu.memory_space<vmem>>
        %dma_start3A_668 = arith.constant 64 : i32
        %dma_start3A_669 = arith.constant 0 : i32
        %dma_start3A_670 = tpu.memref_slice %arg2[%add3A_608, %dma_start3A_668, %dma_start3A_669] : memref<4096x128x128xf32, #tpu.memory_space<hbm>> -> memref<1x16x80xf32, #tpu.memory_space<hbm>>
        %dma_start3A_671 = tpu.memref_squeeze %dma_start3A_670 : memref<1x16x80xf32, #tpu.memory_space<hbm>> -> memref<16x80xf32, #tpu.memory_space<hbm>>
        %dma_start3A_672 = arith.constant 0 : i32
        %dma_start3A_673 = arith.constant 160 : i32
        %dma_start3A_674 = tpu.memref_slice %arg6[%dma_start3A_672, %dma_start3A_673] : memref<16x576xf32, #tpu.memory_space<vmem>> -> memref<16x80xf32, #tpu.memory_space<vmem>>
        %dma_start3A_675 = arith.constant 64 : i32
        %dma_start3A_676 = arith.constant 0 : i32
        %dma_start3A_677 = tpu.memref_slice %arg2[%add3A_608, %dma_start3A_675, %dma_start3A_676] : memref<4096x128x128xf32, #tpu.memory_space<hbm>> -> memref<1x16x80xf32, #tpu.memory_space<hbm>>
        %dma_start3A_678 = tpu.memref_squeeze %dma_start3A_677 : memref<1x16x80xf32, #tpu.memory_space<hbm>> -> memref<16x80xf32, #tpu.memory_space<hbm>>
        tpu.enqueue_dma source(%dma_start3A_678 : memref<16x80xf32, #tpu.memory_space<hbm>>) target(%dma_start3A_674 : memref<16x80xf32, #tpu.memory_space<vmem>>) target_semaphore(%arg10 : memref<!tpu.dma_semaphore, #tpu.memory_space<semaphore_mem>>)
        %dma_start3A_679 = arith.constant 0 : i32
        %dma_start3A_680 = arith.constant 240 : i32
        %dma_start3A_681 = tpu.memref_slice %arg6[%dma_start3A_679, %dma_start3A_680] : memref<16x576xf32, #tpu.memory_space<vmem>> -> memref<16x96xf32, #tpu.memory_space<vmem>>
        %dma_start3A_682 = arith.constant 80 : i32
        %dma_start3A_683 = arith.constant 0 : i32
        %dma_start3A_684 = tpu.memref_slice %arg2[%add3A_608, %dma_start3A_682, %dma_start3A_683] : memref<4096x128x128xf32, #tpu.memory_space<hbm>> -> memref<1x16x96xf32, #tpu.memory_space<hbm>>
        %dma_start3A_685 = tpu.memref_squeeze %dma_start3A_684 : memref<1x16x96xf32, #tpu.memory_space<hbm>> -> memref<16x96xf32, #tpu.memory_space<hbm>>
        %dma_start3A_686 = arith.constant 0 : i32
        %dma_start3A_687 = arith.constant 240 : i32
        %dma_start3A_688 = tpu.memref_slice %arg6[%dma_start3A_686, %dma_start3A_687] : memref<16x576xf32, #tpu.memory_space<vmem>> -> memref<16x96xf32, #tpu.memory_space<vmem>>
        %dma_start3A_689 = arith.constant 80 : i32
        %dma_start3A_690 = arith.constant 0 : i32
        %dma_start3A_691 = tpu.memref_slice %arg2[%add3A_608, %dma_start3A_689, %dma_start3A_690] : memref<4096x128x128xf32, #tpu.memory_space<hbm>> -> memref<1x16x96xf32, #tpu.memory_space<hbm>>
        %dma_start3A_692 = tpu.memref_squeeze %dma_start3A_691 : memref<1x16x96xf32, #tpu.memory_space<hbm>> -> memref<16x96xf32, #tpu.memory_space<hbm>>
        tpu.enqueue_dma source(%dma_start3A_692 : memref<16x96xf32, #tpu.memory_space<hbm>>) target(%dma_start3A_688 : memref<16x96xf32, #tpu.memory_space<vmem>>) target_semaphore(%arg10 : memref<!tpu.dma_semaphore, #tpu.memory_space<semaphore_mem>>)
        %dma_start3A_693 = arith.constant 0 : i32
        %dma_start3A_694 = arith.constant 336 : i32
        %dma_start3A_695 = tpu.memref_slice %arg6[%dma_start3A_693, %dma_start3A_694] : memref<16x576xf32, #tpu.memory_space<vmem>> -> memref<16x112xf32, #tpu.memory_space<vmem>>
        %dma_start3A_696 = arith.constant 96 : i32
        %dma_start3A_697 = arith.constant 0 : i32
        %dma_start3A_698 = tpu.memref_slice %arg2[%add3A_608, %dma_start3A_696, %dma_start3A_697] : memref<4096x128x128xf32, #tpu.memory_space<hbm>> -> memref<1x16x112xf32, #tpu.memory_space<hbm>>
        %dma_start3A_699 = tpu.memref_squeeze %dma_start3A_698 : memref<1x16x112xf32, #tpu.memory_space<hbm>> -> memref<16x112xf32, #tpu.memory_space<hbm>>
        %dma_start3A_700 = arith.constant 0 : i32
        %dma_start3A_701 = arith.constant 336 : i32
        %dma_start3A_702 = tpu.memref_slice %arg6[%dma_start3A_700, %dma_start3A_701] : memref<16x576xf32, #tpu.memory_space<vmem>> -> memref<16x112xf32, #tpu.memory_space<vmem>>
        %dma_start3A_703 = arith.constant 96 : i32
        %dma_start3A_704 = arith.constant 0 : i32
        %dma_start3A_705 = tpu.memref_slice %arg2[%add3A_608, %dma_start3A_703, %dma_start3A_704] : memref<4096x128x128xf32, #tpu.memory_space<hbm>> -> memref<1x16x112xf32, #tpu.memory_space<hbm>>
        %dma_start3A_706 = tpu.memref_squeeze %dma_start3A_705 : memref<1x16x112xf32, #tpu.memory_space<hbm>> -> memref<16x112xf32, #tpu.memory_space<hbm>>
        tpu.enqueue_dma source(%dma_start3A_706 : memref<16x112xf32, #tpu.memory_space<hbm>>) target(%dma_start3A_702 : memref<16x112xf32, #tpu.memory_space<vmem>>) target_semaphore(%arg10 : memref<!tpu.dma_semaphore, #tpu.memory_space<semaphore_mem>>)
        %dma_start3A_707 = arith.constant 0 : i32
        %dma_start3A_708 = arith.constant 448 : i32
        %dma_start3A_709 = tpu.memref_slice %arg6[%dma_start3A_707, %dma_start3A_708] : memref<16x576xf32, #tpu.memory_space<vmem>> -> memref<16x128xf32, #tpu.memory_space<vmem>>
        %dma_start3A_710 = arith.constant 112 : i32
        %dma_start3A_711 = arith.constant 0 : i32
        %dma_start3A_712 = tpu.memref_slice %arg2[%add3A_608, %dma_start3A_710, %dma_start3A_711] : memref<4096x128x128xf32, #tpu.memory_space<hbm>> -> memref<1x16x128xf32, #tpu.memory_space<hbm>>
        %dma_start3A_713 = tpu.memref_squeeze %dma_start3A_712 : memref<1x16x128xf32, #tpu.memory_space<hbm>> -> memref<16x128xf32, #tpu.memory_space<hbm>>
        %dma_start3A_714 = arith.constant 0 : i32
        %dma_start3A_715 = arith.constant 448 : i32
        %dma_start3A_716 = tpu.memref_slice %arg6[%dma_start3A_714, %dma_start3A_715] : memref<16x576xf32, #tpu.memory_space<vmem>> -> memref<16x128xf32, #tpu.memory_space<vmem>>
        %dma_start3A_717 = arith.constant 112 : i32
        %dma_start3A_718 = arith.constant 0 : i32
        %dma_start3A_719 = tpu.memref_slice %arg2[%add3A_608, %dma_start3A_717, %dma_start3A_718] : memref<4096x128x128xf32, #tpu.memory_space<hbm>> -> memref<1x16x128xf32, #tpu.memory_space<hbm>>
        %dma_start3A_720 = tpu.memref_squeeze %dma_start3A_719 : memref<1x16x128xf32, #tpu.memory_space<hbm>> -> memref<16x128xf32, #tpu.memory_space<hbm>>
        tpu.enqueue_dma source(%dma_start3A_720 : memref<16x128xf32, #tpu.memory_space<hbm>>) target(%dma_start3A_716 : memref<16x128xf32, #tpu.memory_space<vmem>>) target_semaphore(%arg10 : memref<!tpu.dma_semaphore, #tpu.memory_space<semaphore_mem>>)
      } else {
      }
      %dma_wait3A_375 = arith.constant 0 : i32
      %dma_wait3A_376 = arith.constant 0 : i32
      %dma_wait3A_377 = arith.constant 0 : i32
      %dma_wait3A_378 = tpu.memref_slice %arg7[%dma_wait3A_376, %dma_wait3A_377] : memref<16x576xf32, #tpu.memory_space<vmem>> -> memref<16x16xf32, #tpu.memory_space<vmem>>
      %dma_wait3A_379 = arith.constant 0 : i32
      %dma_wait3A_380 = arith.constant 0 : i32
      %dma_wait3A_381 = tpu.memref_slice %arg2[%dma_wait3A_375, %dma_wait3A_379, %dma_wait3A_380] : memref<4096x128x128xf32, #tpu.memory_space<hbm>> -> memref<1x16x16xf32, #tpu.memory_space<hbm>>
      %dma_wait3A_382 = tpu.memref_squeeze %dma_wait3A_381 : memref<1x16x16xf32, #tpu.memory_space<hbm>> -> memref<16x16xf32, #tpu.memory_space<hbm>>
      %dma_wait3A_383 = arith.constant 0 : i32
      %dma_wait3A_384 = arith.constant 0 : i32
      %dma_wait3A_385 = tpu.memref_slice %arg7[%dma_wait3A_383, %dma_wait3A_384] : memref<16x576xf32, #tpu.memory_space<vmem>> -> memref<16x16xf32, #tpu.memory_space<vmem>>
      %dma_wait3A_386 = arith.constant 0 : i32
      %dma_wait3A_387 = arith.constant 0 : i32
      %dma_wait3A_388 = tpu.memref_slice %arg2[%dma_wait3A_375, %dma_wait3A_386, %dma_wait3A_387] : memref<4096x128x128xf32, #tpu.memory_space<hbm>> -> memref<1x16x16xf32, #tpu.memory_space<hbm>>
      %dma_wait3A_389 = tpu.memref_squeeze %dma_wait3A_388 : memref<1x16x16xf32, #tpu.memory_space<hbm>> -> memref<16x16xf32, #tpu.memory_space<hbm>>
      tpu.wait_dma2 semaphore(%arg10 : memref<!tpu.dma_semaphore, #tpu.memory_space<semaphore_mem>>) src(%dma_wait3A_389 : memref<16x16xf32, #tpu.memory_space<hbm>>) dst(%dma_wait3A_385 : memref<16x16xf32, #tpu.memory_space<vmem>>)
      %dma_wait3A_390 = arith.constant 0 : i32
      %dma_wait3A_391 = arith.constant 0 : i32
      %dma_wait3A_392 = arith.constant 16 : i32
      %dma_wait3A_393 = tpu.memref_slice %arg7[%dma_wait3A_391, %dma_wait3A_392] : memref<16x576xf32, #tpu.memory_space<vmem>> -> memref<16x32xf32, #tpu.memory_space<vmem>>
      %dma_wait3A_394 = arith.constant 16 : i32
      %dma_wait3A_395 = arith.constant 0 : i32
      %dma_wait3A_396 = tpu.memref_slice %arg2[%dma_wait3A_390, %dma_wait3A_394, %dma_wait3A_395] : memref<4096x128x128xf32, #tpu.memory_space<hbm>> -> memref<1x16x32xf32, #tpu.memory_space<hbm>>
      %dma_wait3A_397 = tpu.memref_squeeze %dma_wait3A_396 : memref<1x16x32xf32, #tpu.memory_space<hbm>> -> memref<16x32xf32, #tpu.memory_space<hbm>>
      %dma_wait3A_398 = arith.constant 0 : i32
      %dma_wait3A_399 = arith.constant 16 : i32
      %dma_wait3A_400 = tpu.memref_slice %arg7[%dma_wait3A_398, %dma_wait3A_399] : memref<16x576xf32, #tpu.memory_space<vmem>> -> memref<16x32xf32, #tpu.memory_space<vmem>>
      %dma_wait3A_401 = arith.constant 16 : i32
      %dma_wait3A_402 = arith.constant 0 : i32
      %dma_wait3A_403 = tpu.memref_slice %arg2[%dma_wait3A_390, %dma_wait3A_401, %dma_wait3A_402] : memref<4096x128x128xf32, #tpu.memory_space<hbm>> -> memref<1x16x32xf32, #tpu.memory_space<hbm>>
      %dma_wait3A_404 = tpu.memref_squeeze %dma_wait3A_403 : memref<1x16x32xf32, #tpu.memory_space<hbm>> -> memref<16x32xf32, #tpu.memory_space<hbm>>
      tpu.wait_dma2 semaphore(%arg10 : memref<!tpu.dma_semaphore, #tpu.memory_space<semaphore_mem>>) src(%dma_wait3A_404 : memref<16x32xf32, #tpu.memory_space<hbm>>) dst(%dma_wait3A_400 : memref<16x32xf32, #tpu.memory_space<vmem>>)
      %dma_wait3A_405 = arith.constant 0 : i32
      %dma_wait3A_406 = arith.constant 0 : i32
      %dma_wait3A_407 = arith.constant 48 : i32
      %dma_wait3A_408 = tpu.memref_slice %arg7[%dma_wait3A_406, %dma_wait3A_407] : memref<16x576xf32, #tpu.memory_space<vmem>> -> memref<16x48xf32, #tpu.memory_space<vmem>>
      %dma_wait3A_409 = arith.constant 32 : i32
      %dma_wait3A_410 = arith.constant 0 : i32
      %dma_wait3A_411 = tpu.memref_slice %arg2[%dma_wait3A_405, %dma_wait3A_409, %dma_wait3A_410] : memref<4096x128x128xf32, #tpu.memory_space<hbm>> -> memref<1x16x48xf32, #tpu.memory_space<hbm>>
      %dma_wait3A_412 = tpu.memref_squeeze %dma_wait3A_411 : memref<1x16x48xf32, #tpu.memory_space<hbm>> -> memref<16x48xf32, #tpu.memory_space<hbm>>
      %dma_wait3A_413 = arith.constant 0 : i32
      %dma_wait3A_414 = arith.constant 48 : i32
      %dma_wait3A_415 = tpu.memref_slice %arg7[%dma_wait3A_413, %dma_wait3A_414] : memref<16x576xf32, #tpu.memory_space<vmem>> -> memref<16x48xf32, #tpu.memory_space<vmem>>
      %dma_wait3A_416 = arith.constant 32 : i32
      %dma_wait3A_417 = arith.constant 0 : i32
      %dma_wait3A_418 = tpu.memref_slice %arg2[%dma_wait3A_405, %dma_wait3A_416, %dma_wait3A_417] : memref<4096x128x128xf32, #tpu.memory_space<hbm>> -> memref<1x16x48xf32, #tpu.memory_space<hbm>>
      %dma_wait3A_419 = tpu.memref_squeeze %dma_wait3A_418 : memref<1x16x48xf32, #tpu.memory_space<hbm>> -> memref<16x48xf32, #tpu.memory_space<hbm>>
      tpu.wait_dma2 semaphore(%arg10 : memref<!tpu.dma_semaphore, #tpu.memory_space<semaphore_mem>>) src(%dma_wait3A_419 : memref<16x48xf32, #tpu.memory_space<hbm>>) dst(%dma_wait3A_415 : memref<16x48xf32, #tpu.memory_space<vmem>>)
      %dma_wait3A_420 = arith.constant 0 : i32
      %dma_wait3A_421 = arith.constant 0 : i32
      %dma_wait3A_422 = arith.constant 96 : i32
      %dma_wait3A_423 = tpu.memref_slice %arg7[%dma_wait3A_421, %dma_wait3A_422] : memref<16x576xf32, #tpu.memory_space<vmem>> -> memref<16x64xf32, #tpu.memory_space<vmem>>
      %dma_wait3A_424 = arith.constant 48 : i32
      %dma_wait3A_425 = arith.constant 0 : i32
      %dma_wait3A_426 = tpu.memref_slice %arg2[%dma_wait3A_420, %dma_wait3A_424, %dma_wait3A_425] : memref<4096x128x128xf32, #tpu.memory_space<hbm>> -> memref<1x16x64xf32, #tpu.memory_space<hbm>>
      %dma_wait3A_427 = tpu.memref_squeeze %dma_wait3A_426 : memref<1x16x64xf32, #tpu.memory_space<hbm>> -> memref<16x64xf32, #tpu.memory_space<hbm>>
      %dma_wait3A_428 = arith.constant 0 : i32
      %dma_wait3A_429 = arith.constant 96 : i32
      %dma_wait3A_430 = tpu.memref_slice %arg7[%dma_wait3A_428, %dma_wait3A_429] : memref<16x576xf32, #tpu.memory_space<vmem>> -> memref<16x64xf32, #tpu.memory_space<vmem>>
      %dma_wait3A_431 = arith.constant 48 : i32
      %dma_wait3A_432 = arith.constant 0 : i32
      %dma_wait3A_433 = tpu.memref_slice %arg2[%dma_wait3A_420, %dma_wait3A_431, %dma_wait3A_432] : memref<4096x128x128xf32, #tpu.memory_space<hbm>> -> memref<1x16x64xf32, #tpu.memory_space<hbm>>
      %dma_wait3A_434 = tpu.memref_squeeze %dma_wait3A_433 : memref<1x16x64xf32, #tpu.memory_space<hbm>> -> memref<16x64xf32, #tpu.memory_space<hbm>>
      tpu.wait_dma2 semaphore(%arg10 : memref<!tpu.dma_semaphore, #tpu.memory_space<semaphore_mem>>) src(%dma_wait3A_434 : memref<16x64xf32, #tpu.memory_space<hbm>>) dst(%dma_wait3A_430 : memref<16x64xf32, #tpu.memory_space<vmem>>)
      %dma_wait3A_435 = arith.constant 0 : i32
      %dma_wait3A_436 = arith.constant 0 : i32
      %dma_wait3A_437 = arith.constant 160 : i32
      %dma_wait3A_438 = tpu.memref_slice %arg7[%dma_wait3A_436, %dma_wait3A_437] : memref<16x576xf32, #tpu.memory_space<vmem>> -> memref<16x80xf32, #tpu.memory_space<vmem>>
      %dma_wait3A_439 = arith.constant 64 : i32
      %dma_wait3A_440 = arith.constant 0 : i32
      %dma_wait3A_441 = tpu.memref_slice %arg2[%dma_wait3A_435, %dma_wait3A_439, %dma_wait3A_440] : memref<4096x128x128xf32, #tpu.memory_space<hbm>> -> memref<1x16x80xf32, #tpu.memory_space<hbm>>
      %dma_wait3A_442 = tpu.memref_squeeze %dma_wait3A_441 : memref<1x16x80xf32, #tpu.memory_space<hbm>> -> memref<16x80xf32, #tpu.memory_space<hbm>>
      %dma_wait3A_443 = arith.constant 0 : i32
      %dma_wait3A_444 = arith.constant 160 : i32
      %dma_wait3A_445 = tpu.memref_slice %arg7[%dma_wait3A_443, %dma_wait3A_444] : memref<16x576xf32, #tpu.memory_space<vmem>> -> memref<16x80xf32, #tpu.memory_space<vmem>>
      %dma_wait3A_446 = arith.constant 64 : i32
      %dma_wait3A_447 = arith.constant 0 : i32
      %dma_wait3A_448 = tpu.memref_slice %arg2[%dma_wait3A_435, %dma_wait3A_446, %dma_wait3A_447] : memref<4096x128x128xf32, #tpu.memory_space<hbm>> -> memref<1x16x80xf32, #tpu.memory_space<hbm>>
      %dma_wait3A_449 = tpu.memref_squeeze %dma_wait3A_448 : memref<1x16x80xf32, #tpu.memory_space<hbm>> -> memref<16x80xf32, #tpu.memory_space<hbm>>
      tpu.wait_dma2 semaphore(%arg10 : memref<!tpu.dma_semaphore, #tpu.memory_space<semaphore_mem>>) src(%dma_wait3A_449 : memref<16x80xf32, #tpu.memory_space<hbm>>) dst(%dma_wait3A_445 : memref<16x80xf32, #tpu.memory_space<vmem>>)
      %dma_wait3A_450 = arith.constant 0 : i32
      %dma_wait3A_451 = arith.constant 0 : i32
      %dma_wait3A_452 = arith.constant 240 : i32
      %dma_wait3A_453 = tpu.memref_slice %arg7[%dma_wait3A_451, %dma_wait3A_452] : memref<16x576xf32, #tpu.memory_space<vmem>> -> memref<16x96xf32, #tpu.memory_space<vmem>>
      %dma_wait3A_454 = arith.constant 80 : i32
      %dma_wait3A_455 = arith.constant 0 : i32
      %dma_wait3A_456 = tpu.memref_slice %arg2[%dma_wait3A_450, %dma_wait3A_454, %dma_wait3A_455] : memref<4096x128x128xf32, #tpu.memory_space<hbm>> -> memref<1x16x96xf32, #tpu.memory_space<hbm>>
      %dma_wait3A_457 = tpu.memref_squeeze %dma_wait3A_456 : memref<1x16x96xf32, #tpu.memory_space<hbm>> -> memref<16x96xf32, #tpu.memory_space<hbm>>
      %dma_wait3A_458 = arith.constant 0 : i32
      %dma_wait3A_459 = arith.constant 240 : i32
      %dma_wait3A_460 = tpu.memref_slice %arg7[%dma_wait3A_458, %dma_wait3A_459] : memref<16x576xf32, #tpu.memory_space<vmem>> -> memref<16x96xf32, #tpu.memory_space<vmem>>
      %dma_wait3A_461 = arith.constant 80 : i32
      %dma_wait3A_462 = arith.constant 0 : i32
      %dma_wait3A_463 = tpu.memref_slice %arg2[%dma_wait3A_450, %dma_wait3A_461, %dma_wait3A_462] : memref<4096x128x128xf32, #tpu.memory_space<hbm>> -> memref<1x16x96xf32, #tpu.memory_space<hbm>>
      %dma_wait3A_464 = tpu.memref_squeeze %dma_wait3A_463 : memref<1x16x96xf32, #tpu.memory_space<hbm>> -> memref<16x96xf32, #tpu.memory_space<hbm>>
      tpu.wait_dma2 semaphore(%arg10 : memref<!tpu.dma_semaphore, #tpu.memory_space<semaphore_mem>>) src(%dma_wait3A_464 : memref<16x96xf32, #tpu.memory_space<hbm>>) dst(%dma_wait3A_460 : memref<16x96xf32, #tpu.memory_space<vmem>>)
      %dma_wait3A_465 = arith.constant 0 : i32
      %dma_wait3A_466 = arith.constant 0 : i32
      %dma_wait3A_467 = arith.constant 336 : i32
      %dma_wait3A_468 = tpu.memref_slice %arg7[%dma_wait3A_466, %dma_wait3A_467] : memref<16x576xf32, #tpu.memory_space<vmem>> -> memref<16x112xf32, #tpu.memory_space<vmem>>
      %dma_wait3A_469 = arith.constant 96 : i32
      %dma_wait3A_470 = arith.constant 0 : i32
      %dma_wait3A_471 = tpu.memref_slice %arg2[%dma_wait3A_465, %dma_wait3A_469, %dma_wait3A_470] : memref<4096x128x128xf32, #tpu.memory_space<hbm>> -> memref<1x16x112xf32, #tpu.memory_space<hbm>>
      %dma_wait3A_472 = tpu.memref_squeeze %dma_wait3A_471 : memref<1x16x112xf32, #tpu.memory_space<hbm>> -> memref<16x112xf32, #tpu.memory_space<hbm>>
      %dma_wait3A_473 = arith.constant 0 : i32
      %dma_wait3A_474 = arith.constant 336 : i32
      %dma_wait3A_475 = tpu.memref_slice %arg7[%dma_wait3A_473, %dma_wait3A_474] : memref<16x576xf32, #tpu.memory_space<vmem>> -> memref<16x112xf32, #tpu.memory_space<vmem>>
      %dma_wait3A_476 = arith.constant 96 : i32
      %dma_wait3A_477 = arith.constant 0 : i32
      %dma_wait3A_478 = tpu.memref_slice %arg2[%dma_wait3A_465, %dma_wait3A_476, %dma_wait3A_477] : memref<4096x128x128xf32, #tpu.memory_space<hbm>> -> memref<1x16x112xf32, #tpu.memory_space<hbm>>
      %dma_wait3A_479 = tpu.memref_squeeze %dma_wait3A_478 : memref<1x16x112xf32, #tpu.memory_space<hbm>> -> memref<16x112xf32, #tpu.memory_space<hbm>>
      tpu.wait_dma2 semaphore(%arg10 : memref<!tpu.dma_semaphore, #tpu.memory_space<semaphore_mem>>) src(%dma_wait3A_479 : memref<16x112xf32, #tpu.memory_space<hbm>>) dst(%dma_wait3A_475 : memref<16x112xf32, #tpu.memory_space<vmem>>)
      %dma_wait3A_480 = arith.constant 0 : i32
      %dma_wait3A_481 = arith.constant 0 : i32
      %dma_wait3A_482 = arith.constant 448 : i32
      %dma_wait3A_483 = tpu.memref_slice %arg7[%dma_wait3A_481, %dma_wait3A_482] : memref<16x576xf32, #tpu.memory_space<vmem>> -> memref<16x128xf32, #tpu.memory_space<vmem>>
      %dma_wait3A_484 = arith.constant 112 : i32
      %dma_wait3A_485 = arith.constant 0 : i32
      %dma_wait3A_486 = tpu.memref_slice %arg2[%dma_wait3A_480, %dma_wait3A_484, %dma_wait3A_485] : memref<4096x128x128xf32, #tpu.memory_space<hbm>> -> memref<1x16x128xf32, #tpu.memory_space<hbm>>
      %dma_wait3A_487 = tpu.memref_squeeze %dma_wait3A_486 : memref<1x16x128xf32, #tpu.memory_space<hbm>> -> memref<16x128xf32, #tpu.memory_space<hbm>>
      %dma_wait3A_488 = arith.constant 0 : i32
      %dma_wait3A_489 = arith.constant 448 : i32
      %dma_wait3A_490 = tpu.memref_slice %arg7[%dma_wait3A_488, %dma_wait3A_489] : memref<16x576xf32, #tpu.memory_space<vmem>> -> memref<16x128xf32, #tpu.memory_space<vmem>>
      %dma_wait3A_491 = arith.constant 112 : i32
      %dma_wait3A_492 = arith.constant 0 : i32
      %dma_wait3A_493 = tpu.memref_slice %arg2[%dma_wait3A_480, %dma_wait3A_491, %dma_wait3A_492] : memref<4096x128x128xf32, #tpu.memory_space<hbm>> -> memref<1x16x128xf32, #tpu.memory_space<hbm>>
      %dma_wait3A_494 = tpu.memref_squeeze %dma_wait3A_493 : memref<1x16x128xf32, #tpu.memory_space<hbm>> -> memref<16x128xf32, #tpu.memory_space<hbm>>
      tpu.wait_dma2 semaphore(%arg10 : memref<!tpu.dma_semaphore, #tpu.memory_space<semaphore_mem>>) src(%dma_wait3A_494 : memref<16x128xf32, #tpu.memory_space<hbm>>) dst(%dma_wait3A_490 : memref<16x128xf32, #tpu.memory_space<vmem>>)
      %ge3A_495 = arith.constant 2 : i32
      %ge3A_496 = arith.cmpi sge, %add3A_367, %ge3A_495 : i32
      %convert_element_type3A_497 = arith.extui %ge3A_496 : i1 to i32
      %cond3A_498 = arith.constant 0 : i32
      %cond3A_499 = arith.cmpi ne, %convert_element_type3A_497, %cond3A_498 : i32
      scf.if %cond3A_499 {
        %dma_wait3A_606 = arith.constant 0 : i32
        %dma_wait3A_607 = tpu.memref_slice %arg4[%mul3A_2, %dma_wait3A_606] : memref<4096x8256xf32, #tpu.memory_space<hbm>> -> memref<1x8256xf32, #tpu.memory_space<hbm>>
        %dma_wait3A_608 = tpu.memref_squeeze %dma_wait3A_607 : memref<1x8256xf32, #tpu.memory_space<hbm>> -> memref<8256xf32, #tpu.memory_space<hbm>>
        %dma_wait3A_609 = arith.constant 0 : i32
        %dma_wait3A_610 = tpu.memref_slice %arg4[%mul3A_2, %dma_wait3A_609] : memref<4096x8256xf32, #tpu.memory_space<hbm>> -> memref<1x8256xf32, #tpu.memory_space<hbm>>
        %dma_wait3A_611 = tpu.memref_squeeze %dma_wait3A_610 : memref<1x8256xf32, #tpu.memory_space<hbm>> -> memref<8256xf32, #tpu.memory_space<hbm>>
        tpu.wait_dma2 semaphore(%arg11 : memref<!tpu.dma_semaphore, #tpu.memory_space<semaphore_mem>>) src(%arg9 : memref<8256xf32, #tpu.memory_space<vmem>>) dst(%dma_wait3A_611 : memref<8256xf32, #tpu.memory_space<hbm>>)
      } else {
      }
      %add3A_500 = arith.constant 0 : i32
      %add3A_501 = vector.broadcast %add3A_500 : i32 to vector<16xi32>
      %add3A_502 = arith.addi %iota3A, %add3A_501 : vector<16xi32>
      %gather3A_503 = tpu.vector_load_idx %arg7[%iota3A, %add3A_502] : memref<16x576xf32, #tpu.memory_space<vmem>>[vector<16xi32>, vector<16xi32>], vector<16xf32>,
      %swap3A_504 = arith.constant 0 : index
      %swap3A_505 = tpu.vector_load %arg9[%swap3A_504] {strides = array<i32>} : memref<8256xf32, #tpu.memory_space<vmem>>, vector<16xf32>,
      tpu.vector_store %arg9[%swap3A_504], %gather3A_503 {strides = array<i32>} : memref<8256xf32, #tpu.memory_space<vmem>>, vector<16xf32>,
      %add3A_506 = arith.constant 32 : i32
      %add3A_507 = vector.broadcast %add3A_506 : i32 to vector<16xi32>
      %add3A_508 = arith.addi %iota3A, %add3A_507 : vector<16xi32>
      %gather3A_509 = tpu.vector_load_idx %arg7[%iota3A, %add3A_508] : memref<16x576xf32, #tpu.memory_space<vmem>>[vector<16xi32>, vector<16xi32>], vector<16xf32>,
      %swap3A_510 = arith.constant 16 : index
      %swap3A_511 = tpu.vector_load %arg9[%swap3A_510] {strides = array<i32>} : memref<8256xf32, #tpu.memory_space<vmem>>, vector<16xf32>,
      tpu.vector_store %arg9[%swap3A_510], %gather3A_509 {strides = array<i32>} : memref<8256xf32, #tpu.memory_space<vmem>>, vector<16xf32>,
      %add3A_512 = arith.constant 80 : i32
      %add3A_513 = vector.broadcast %add3A_512 : i32 to vector<16xi32>
      %add3A_514 = arith.addi %iota3A, %add3A_513 : vector<16xi32>
      %gather3A_515 = tpu.vector_load_idx %arg7[%iota3A, %add3A_514] : memref<16x576xf32, #tpu.memory_space<vmem>>[vector<16xi32>, vector<16xi32>], vector<16xf32>,
      %swap3A_516 = arith.constant 32 : index
      %swap3A_517 = tpu.vector_load %arg9[%swap3A_516] {strides = array<i32>} : memref<8256xf32, #tpu.memory_space<vmem>>, vector<16xf32>,
      tpu.vector_store %arg9[%swap3A_516], %gather3A_515 {strides = array<i32>} : memref<8256xf32, #tpu.memory_space<vmem>>, vector<16xf32>,
      %add3A_518 = arith.constant 144 : i32
      %add3A_519 = vector.broadcast %add3A_518 : i32 to vector<16xi32>
      %add3A_520 = arith.addi %iota3A, %add3A_519 : vector<16xi32>
      %gather3A_521 = tpu.vector_load_idx %arg7[%iota3A, %add3A_520] : memref<16x576xf32, #tpu.memory_space<vmem>>[vector<16xi32>, vector<16xi32>], vector<16xf32>,
      %swap3A_522 = arith.constant 48 : index
      %swap3A_523 = tpu.vector_load %arg9[%swap3A_522] {strides = array<i32>} : memref<8256xf32, #tpu.memory_space<vmem>>, vector<16xf32>,
      tpu.vector_store %arg9[%swap3A_522], %gather3A_521 {strides = array<i32>} : memref<8256xf32, #tpu.memory_space<vmem>>, vector<16xf32>,
      %add3A_524 = arith.constant 224 : i32
      %add3A_525 = vector.broadcast %add3A_524 : i32 to vector<16xi32>
      %add3A_526 = arith.addi %iota3A, %add3A_525 : vector<16xi32>
      %gather3A_527 = tpu.vector_load_idx %arg7[%iota3A, %add3A_526] : memref<16x576xf32, #tpu.memory_space<vmem>>[vector<16xi32>, vector<16xi32>], vector<16xf32>,
      %swap3A_528 = arith.constant 64 : index
      %swap3A_529 = tpu.vector_load %arg9[%swap3A_528] {strides = array<i32>} : memref<8256xf32, #tpu.memory_space<vmem>>, vector<16xf32>,
      tpu.vector_store %arg9[%swap3A_528], %gather3A_527 {strides = array<i32>} : memref<8256xf32, #tpu.memory_space<vmem>>, vector<16xf32>,
      %add3A_530 = arith.constant 320 : i32
      %add3A_531 = vector.broadcast %add3A_530 : i32 to vector<16xi32>
      %add3A_532 = arith.addi %iota3A, %add3A_531 : vector<16xi32>
      %gather3A_533 = tpu.vector_load_idx %arg7[%iota3A, %add3A_532] : memref<16x576xf32, #tpu.memory_space<vmem>>[vector<16xi32>, vector<16xi32>], vector<16xf32>,
      %swap3A_534 = arith.constant 80 : index
      %swap3A_535 = tpu.vector_load %arg9[%swap3A_534] {strides = array<i32>} : memref<8256xf32, #tpu.memory_space<vmem>>, vector<16xf32>,
      tpu.vector_store %arg9[%swap3A_534], %gather3A_533 {strides = array<i32>} : memref<8256xf32, #tpu.memory_space<vmem>>, vector<16xf32>,
      %add3A_536 = arith.constant 432 : i32
      %add3A_537 = vector.broadcast %add3A_536 : i32 to vector<16xi32>
      %add3A_538 = arith.addi %iota3A, %add3A_537 : vector<16xi32>
      %gather3A_539 = tpu.vector_load_idx %arg7[%iota3A, %add3A_538] : memref<16x576xf32, #tpu.memory_space<vmem>>[vector<16xi32>, vector<16xi32>], vector<16xf32>,
      %swap3A_540 = arith.constant 96 : index
      %swap3A_541 = tpu.vector_load %arg9[%swap3A_540] {strides = array<i32>} : memref<8256xf32, #tpu.memory_space<vmem>>, vector<16xf32>,
      tpu.vector_store %arg9[%swap3A_540], %gather3A_539 {strides = array<i32>} : memref<8256xf32, #tpu.memory_space<vmem>>, vector<16xf32>,
      %add3A_542 = arith.constant 560 : i32
      %add3A_543 = vector.broadcast %add3A_542 : i32 to vector<16xi32>
      %add3A_544 = arith.addi %iota3A, %add3A_543 : vector<16xi32>
      %gather3A_545 = tpu.vector_load_idx %arg7[%iota3A, %add3A_544] : memref<16x576xf32, #tpu.memory_space<vmem>>[vector<16xi32>, vector<16xi32>], vector<16xf32>,
      %swap3A_546 = arith.constant 112 : index
      %swap3A_547 = tpu.vector_load %arg9[%swap3A_546] {strides = array<i32>} : memref<8256xf32, #tpu.memory_space<vmem>>, vector<16xf32>,
      tpu.vector_store %arg9[%swap3A_546], %gather3A_545 {strides = array<i32>} : memref<8256xf32, #tpu.memory_space<vmem>>, vector<16xf32>,
      %parallel_loop3A_548 = arith.constant 128 : i32
      %parallel_loop3A_549 = arith.constant 8192 : i32
      %parallel_loop3A_550 = arith.constant 16 : i32
      scf.for %parallel_loop3A_606 = %parallel_loop3A_548 to %parallel_loop3A_549 step %parallel_loop3A_550  : i32 {
        %parallel_loop3A_607 = arith.index_cast %parallel_loop3A_606 : i32 to index
        %parallel_loop3A_608 = tpu.vector_load %arg5[%parallel_loop3A_607] {strides = array<i32>} : memref<8256xi32, #tpu.memory_space<vmem>>, vector<16xi32>,
        %parallel_loop3A_609 = arith.constant 16 : i32
        %parallel_loop3A_610 = vector.broadcast %parallel_loop3A_609 : i32 to vector<16xi32>
        %parallel_loop3A_611 = arith.shrui %parallel_loop3A_608, %parallel_loop3A_610 : vector<16xi32>
        %parallel_loop3A_612 = arith.constant 65535 : i32
        %parallel_loop3A_613 = vector.broadcast %parallel_loop3A_612 : i32 to vector<16xi32>
        %parallel_loop3A_614 = arith.andi %parallel_loop3A_608, %parallel_loop3A_613 : vector<16xi32>
        %parallel_loop3A_615 = tpu.vector_load_idx %arg7[%parallel_loop3A_611, %parallel_loop3A_614] : memref<16x576xf32, #tpu.memory_space<vmem>>[vector<16xi32>, vector<16xi32>], vector<16xf32>,
        %parallel_loop3A_616 = arith.mulf %parallel_loop3A_615, %broadcast_in_dim3A_3 : vector<16xf32>
        %parallel_loop3A_617 = arith.index_cast %parallel_loop3A_606 : i32 to index
        %parallel_loop3A_618 = tpu.vector_load %arg9[%parallel_loop3A_617] {strides = array<i32>} : memref<8256xf32, #tpu.memory_space<vmem>>, vector<16xf32>,
        tpu.vector_store %arg9[%parallel_loop3A_617], %parallel_loop3A_616 {strides = array<i32>} : memref<8256xf32, #tpu.memory_space<vmem>>, vector<16xf32>,
      } {sc.loop_unroll_factor = 8 : i64, sc.parallel_access}
      %get3A_551 = arith.constant 8192 : index
      %get3A_552 = tpu.vector_load %arg5[%get3A_551] {strides = array<i32>} : memref<8256xi32, #tpu.memory_space<vmem>>, vector<16xi32>,
      %shift_right_logical3A_553 = arith.constant 16 : i32
      %shift_right_logical3A_554 = vector.broadcast %shift_right_logical3A_553 : i32 to vector<16xi32>
      %shift_right_logical3A_555 = arith.shrui %get3A_552, %shift_right_logical3A_554 : vector<16xi32>
      %and3A_556 = arith.constant 65535 : i32
      %and3A_557 = vector.broadcast %and3A_556 : i32 to vector<16xi32>
      %and3A_558 = arith.andi %get3A_552, %and3A_557 : vector<16xi32>
      %gather3A_559 = tpu.vector_load_idx %arg7[%shift_right_logical3A_555, %and3A_558] : memref<16x576xf32, #tpu.memory_space<vmem>>[vector<16xi32>, vector<16xi32>], vector<16xf32>,
      %mul3A_560 = arith.mulf %gather3A_559, %broadcast_in_dim3A_3 : vector<16xf32>
      %swap3A_561 = arith.constant 8192 : index
      %swap3A_562 = tpu.vector_load %arg9[%swap3A_561] {strides = array<i32>} : memref<8256xf32, #tpu.memory_space<vmem>>, vector<16xf32>,
      tpu.vector_store %arg9[%swap3A_561], %mul3A_560 {strides = array<i32>} : memref<8256xf32, #tpu.memory_space<vmem>>, vector<16xf32>,
      %get3A_563 = arith.constant 8208 : index
      %get3A_564 = tpu.vector_load %arg5[%get3A_563] {strides = array<i32>} : memref<8256xi32, #tpu.memory_space<vmem>>, vector<16xi32>,
      %shift_right_logical3A_565 = arith.constant 16 : i32
      %shift_right_logical3A_566 = vector.broadcast %shift_right_logical3A_565 : i32 to vector<16xi32>
      %shift_right_logical3A_567 = arith.shrui %get3A_564, %shift_right_logical3A_566 : vector<16xi32>
      %and3A_568 = arith.constant 65535 : i32
      %and3A_569 = vector.broadcast %and3A_568 : i32 to vector<16xi32>
      %and3A_570 = arith.andi %get3A_564, %and3A_569 : vector<16xi32>
      %gather3A_571 = tpu.vector_load_idx %arg7[%shift_right_logical3A_567, %and3A_570] : memref<16x576xf32, #tpu.memory_space<vmem>>[vector<16xi32>, vector<16xi32>], vector<16xf32>,
      %mul3A_572 = arith.mulf %gather3A_571, %broadcast_in_dim3A_3 : vector<16xf32>
      %swap3A_573 = arith.constant 8208 : index
      %swap3A_574 = tpu.vector_load %arg9[%swap3A_573] {strides = array<i32>} : memref<8256xf32, #tpu.memory_space<vmem>>, vector<16xf32>,
      tpu.vector_store %arg9[%swap3A_573], %mul3A_572 {strides = array<i32>} : memref<8256xf32, #tpu.memory_space<vmem>>, vector<16xf32>,
      %get3A_575 = arith.constant 8224 : index
      %get3A_576 = tpu.vector_load %arg5[%get3A_575] {strides = array<i32>} : memref<8256xi32, #tpu.memory_space<vmem>>, vector<16xi32>,
      %shift_right_logical3A_577 = arith.constant 16 : i32
      %shift_right_logical3A_578 = vector.broadcast %shift_right_logical3A_577 : i32 to vector<16xi32>
      %shift_right_logical3A_579 = arith.shrui %get3A_576, %shift_right_logical3A_578 : vector<16xi32>
      %and3A_580 = arith.constant 65535 : i32
      %and3A_581 = vector.broadcast %and3A_580 : i32 to vector<16xi32>
      %and3A_582 = arith.andi %get3A_576, %and3A_581 : vector<16xi32>
      %gather3A_583 = tpu.vector_load_idx %arg7[%shift_right_logical3A_579, %and3A_582] : memref<16x576xf32, #tpu.memory_space<vmem>>[vector<16xi32>, vector<16xi32>], vector<16xf32>,
      %mul3A_584 = arith.mulf %gather3A_583, %broadcast_in_dim3A_3 : vector<16xf32>
      %swap3A_585 = arith.constant 8224 : index
      %swap3A_586 = tpu.vector_load %arg9[%swap3A_585] {strides = array<i32>} : memref<8256xf32, #tpu.memory_space<vmem>>, vector<16xf32>,
      tpu.vector_store %arg9[%swap3A_585], %mul3A_584 {strides = array<i32>} : memref<8256xf32, #tpu.memory_space<vmem>>, vector<16xf32>,
      %get3A_587 = arith.constant 8240 : index
      %get3A_588 = tpu.vector_load %arg5[%get3A_587] {strides = array<i32>} : memref<8256xi32, #tpu.memory_space<vmem>>, vector<16xi32>,
      %shift_right_logical3A_589 = arith.constant 16 : i32
      %shift_right_logical3A_590 = vector.broadcast %shift_right_logical3A_589 : i32 to vector<16xi32>
      %shift_right_logical3A_591 = arith.shrui %get3A_588, %shift_right_logical3A_590 : vector<16xi32>
      %and3A_592 = arith.constant 65535 : i32
      %and3A_593 = vector.broadcast %and3A_592 : i32 to vector<16xi32>
      %and3A_594 = arith.andi %get3A_588, %and3A_593 : vector<16xi32>
      %gather3A_595 = tpu.vector_load_idx %arg7[%shift_right_logical3A_591, %and3A_594] : memref<16x576xf32, #tpu.memory_space<vmem>>[vector<16xi32>, vector<16xi32>], vector<16xf32>,
      %mul3A_596 = arith.mulf %gather3A_595, %broadcast_in_dim3A_3 : vector<16xf32>
      %swap3A_597 = arith.constant 8240 : index
      %swap3A_598 = tpu.vector_load %arg9[%swap3A_597] {strides = array<i32>} : memref<8256xf32, #tpu.memory_space<vmem>>, vector<16xf32>,
      tpu.vector_store %arg9[%swap3A_597], %mul3A_596 {strides = array<i32>} : memref<8256xf32, #tpu.memory_space<vmem>>, vector<16xf32>,
      %add3A_599 = arith.addi %mul3A_2, %add3A_367 : i32
      %dma_start3A_600 = arith.constant 0 : i32
      %dma_start3A_601 = tpu.memref_slice %arg4[%add3A_599, %dma_start3A_600] : memref<4096x8256xf32, #tpu.memory_space<hbm>> -> memref<1x8256xf32, #tpu.memory_space<hbm>>
      %dma_start3A_602 = tpu.memref_squeeze %dma_start3A_601 : memref<1x8256xf32, #tpu.memory_space<hbm>> -> memref<8256xf32, #tpu.memory_space<hbm>>
      %dma_start3A_603 = arith.constant 0 : i32
      %dma_start3A_604 = tpu.memref_slice %arg4[%add3A_599, %dma_start3A_603] : memref<4096x8256xf32, #tpu.memory_space<hbm>> -> memref<1x8256xf32, #tpu.memory_space<hbm>>
      %dma_start3A_605 = tpu.memref_squeeze %dma_start3A_604 : memref<1x8256xf32, #tpu.memory_space<hbm>> -> memref<8256xf32, #tpu.memory_space<hbm>>
      tpu.enqueue_dma source(%arg9 : memref<8256xf32, #tpu.memory_space<vmem>>) target(%dma_start3A_605 : memref<8256xf32, #tpu.memory_space<hbm>>) target_semaphore(%arg11 : memref<!tpu.dma_semaphore, #tpu.memory_space<semaphore_mem>>)
    }
    %scan3A_119 = arith.constant 64 : i32
    %dma_wait3A = arith.constant 0 : i32
    %dma_wait3A_120 = tpu.memref_slice %arg4[%mul3A_2, %dma_wait3A] : memref<4096x8256xf32, #tpu.memory_space<hbm>> -> memref<1x8256xf32, #tpu.memory_space<hbm>>
    %dma_wait3A_121 = tpu.memref_squeeze %dma_wait3A_120 : memref<1x8256xf32, #tpu.memory_space<hbm>> -> memref<8256xf32, #tpu.memory_space<hbm>>
    %dma_wait3A_122 = arith.constant 0 : i32
    %dma_wait3A_123 = tpu.memref_slice %arg4[%mul3A_2, %dma_wait3A_122] : memref<4096x8256xf32, #tpu.memory_space<hbm>> -> memref<1x8256xf32, #tpu.memory_space<hbm>>
    %dma_wait3A_124 = tpu.memref_squeeze %dma_wait3A_123 : memref<1x8256xf32, #tpu.memory_space<hbm>> -> memref<8256xf32, #tpu.memory_space<hbm>>
    tpu.wait_dma2 semaphore(%arg11 : memref<!tpu.dma_semaphore, #tpu.memory_space<semaphore_mem>>) src(%arg8 : memref<8256xf32, #tpu.memory_space<vmem>>) dst(%dma_wait3A_124 : memref<8256xf32, #tpu.memory_space<hbm>>)
    %dma_wait3A_125 = arith.constant 0 : i32
    %dma_wait3A_126 = tpu.memref_slice %arg4[%mul3A_2, %dma_wait3A_125] : memref<4096x8256xf32, #tpu.memory_space<hbm>> -> memref<1x8256xf32, #tpu.memory_space<hbm>>
    %dma_wait3A_127 = tpu.memref_squeeze %dma_wait3A_126 : memref<1x8256xf32, #tpu.memory_space<hbm>> -> memref<8256xf32, #tpu.memory_space<hbm>>
    %dma_wait3A_128 = arith.constant 0 : i32
    %dma_wait3A_129 = tpu.memref_slice %arg4[%mul3A_2, %dma_wait3A_128] : memref<4096x8256xf32, #tpu.memory_space<hbm>> -> memref<1x8256xf32, #tpu.memory_space<hbm>>
    %dma_wait3A_130 = tpu.memref_squeeze %dma_wait3A_129 : memref<1x8256xf32, #tpu.memory_space<hbm>> -> memref<8256xf32, #tpu.memory_space<hbm>>
    tpu.wait_dma2 semaphore(%arg11 : memref<!tpu.dma_semaphore, #tpu.memory_space<semaphore_mem>>) src(%arg9 : memref<8256xf32, #tpu.memory_space<vmem>>) dst(%dma_wait3A_130 : memref<8256xf32, #tpu.memory_space<hbm>>)
    return
  }
}

</mosaic_0001>

<sc_bundles>
// kernel: kernel.3.cloned.1.call-start
scs
__scs_entry_jumppad:
0x0: {  	(pc) =	sbr.rel $0x88, $3  }
0x1: {  	(tag) =	ssettag $0x0;
	lr =	simm.s32 $0x1  }
0x2: {  	[smem:$0x3FA0] =	sst lr;
	_ =	strace $0xD0000000  }
0x3: {  	_ = 	snop  }
0x4: {  	_ = 	snop  }
0x5: {  	_ = 	snop  }
0x6: {  	_ = 	snop  }
0x7: {  	_ = 	snop  }
__scs_overlays_trampoline_lowered:
0x8: {  	[smem:$0x3FAF] =	sst s0  }
0x9: {  	[smem:$0x3FB0] =	sst s1  }
0xa: {  	[smem:$0x3FB1] =	sst s2  }
0xb: {  	[smem:$0x3FB2] =	sst s3  }
0xc: {  	[smem:$0x3FB3] =	sst s4  }
0xd: {  	[smem:$0x3FB4] =	sst s5  }
0xe: {  	[smem:$0x3FB5] =	sst s6  }
0xf: {  	[smem:$0x3FB6] =	sst s7  }
0x10: {  	[smem:$0x3FB7] =	sst s8  }
0x11: {  	[smem:$0x3FB8] =	sst s9;
	s0 =	simm.s32 @!p0 $0x0  }
0x12: {  	s1 =	sld [smem:$0x3F9E];
	s0 =	simm.s32 @p0 $0x1  }
0x13: {  	[smem:$0x3FB9] =	sst s0;
	s0 =	simm.s32 @!p1 $0x0  }
0x14: {  	s2 =	sld [smem:$0x3F9D];
	s0 =	simm.s32 @p1 $0x1  }
0x15: {  	[smem:$0x3FBA] =	sst s0;
	s0 =	simm.s32 @!p2 $0x0  }
0x16: {  	s3 =	sld [smem:$0x3FDB];
	s0 =	simm.s32 @p2 $0x1  }
0x17: {  	s4 =	simm.s32 $0x1BF5;
	[smem:$0x3FBC] =	sst s0  }
0x18: {  	s0 =	sld [smem:$0x3F9F];
	_ =	swait.ge [sflag:s4], $0x0  }
0x19: {  	s7 =	sld [smem:$0x3FA0]  }
0x1a: {  	s8 =	sadd.s32 $0xFFFFE003, lr  }
0x1b: {  	s9 =	sadd.s32 $0xFFFFFEF7, lr;
	s5 =	simm.s32 $0xFFFFFFFF;
	p2 =	slt.u32 s8, $0xFFFFF086  }
0x1c: {  	p1 =	slt.u32 s9, $0xF7A;
	s5 =	simm.s32 @!p2 $0x0  }
0x1d: {  	s5 =	simm.s32 @p1 $0x1;
	p0 =	seq.s32 s7, s2  }
0x1e: {  	s7 =	smul.u32 @!p0 $0xF7A, s2;
	p2 =	seq.s32 @!p0 s5, $0x0  }
0x1f: {  	s9 =	smul.u32 $0xF7A, s1;
	s8 =	simm.s32 @!p0 $0x1BF5;
	p2 =	por !p2, p0  }
0x20: {  	[sflag:s8] =	ssyncset.s32 @!p0 $0xFFFFF086;
	s6 =	sadd.s32 @!p0 s3, s7;
	s7 =	simm.s32 @!p0 $0x108  }
0x21: {  	s3 =	sadd.s32 s3, s9;
	s6 =	sadd.s32 @!p0 $0x88, s6;
	s7 =	simm.s32 @p2 $0x1082  }
0x22: {  	[simem:s7], [sflag:s8] =	dma.local @!p0 [hbm:s6], $0xF7A  }
0x23: {  	s9 =	sor.u32 $0xD0000000, s2;
	s6 =	simm.s32 $0x108;
	_ =	swait.ge @!p0 [sflag:s8], $0x0  }
0x24: {  	s3 =	sadd.s32 $0x88, s3;
	s6 =	simm.s32 @!p1 $0x1082;
	[sflag:s4] =	ssyncset.s32 $0xFFFFF086  }
0x25: {  	[simem:s6], [sflag:s4] =	dma.local [hbm:s3], $0xF7A  }
0x26: {  	[smem:$0x3FA0] =	sst s1;
	(tag) =	ssettag s2;
	_ =	strace s9  }
0x27: {  	s1 =	sld [smem:$0x3FB0]  }
0x28: {  	s2 =	sld [smem:$0x3FB1]  }
0x29: {  	s4 =	sld [smem:$0x3FB3]  }
0x2a: {  	p0 =	seq.s32 s5, $0x0;
	s5 =	sld [smem:$0x3FB4]  }
0x2b: {  	s6 =	sld [smem:$0x3FB5]  }
0x2c: {  	s7 =	sld [smem:$0x3FB6]  }
0x2d: {  	s3 =	simm.s32 $0x108;
	s8 =	sld [smem:$0x3FB7]  }
0x2e: {  	s3 =	simm.s32 @!p0 $0x1082;
	s9 =	sld [smem:$0x3FB8]  }
0x2f: {  	lr =	sadd.s32 s0, s3;
	s0 =	sld [smem:$0x3FAF]  }
0x30: {  	s3 =	sld [smem:$0x3FB2]  }
0x31: {  	[smem:$0x3FBB] =	sst s10  }
0x32: {  	s10 =	sld [smem:$0x3FB9];
	_ =	sdelay $0x3  }
0x33: {  	p0 =	seq.s32 s10, $0x1;
	s10 =	sld [smem:$0x3FBB];
	_ =	sdelay $0x3  }
0x34: {  	[smem:$0x3FBB] =	sst s10  }
0x35: {  	s10 =	sld [smem:$0x3FBA];
	_ =	sdelay $0x3  }
0x36: {  	p1 =	seq.s32 s10, $0x1;
	s10 =	sld [smem:$0x3FBB];
	_ =	sdelay $0x3  }
0x37: {  	[smem:$0x3FBB] =	sst s10  }
0x38: {  	s10 =	sld [smem:$0x3FBC]  }
0x39: {  	_ = 	snop;
	(pc) =	sbr.ind lr, $3  }
0x3a: {  	_ = 	snop  }
0x3b: {  	_ = 	snop  }
0x3c: {  	p2 =	seq.s32 s10, $0x1;
	s10 =	sld [smem:$0x3FBB]  }
0x3d: {  	_ =	shalt  }
0x3e: {  	_ =	shalt  }
0x3f: {  	_ =	shalt  }
0x40: {  	_ =	shalt  }
0x41: {  	_ =	shalt  }
0x42: {  	_ =	shalt  }
0x43: {  	_ =	shalt  }
0x44: {  	_ =	shalt  }
0x45: {  	_ =	shalt  }
0x46: {  	_ =	shalt  }
0x47: {  	_ =	shalt  }
0x48: {  	_ =	shalt  }
0x49: {  	_ =	shalt  }
0x4a: {  	_ =	shalt  }
0x4b: {  	_ =	shalt  }
0x4c: {  	_ =	shalt  }
0x4d: {  	_ =	shalt  }
0x4e: {  	_ =	shalt  }
0x4f: {  	_ =	shalt  }
0x50: {  	_ =	shalt  }
0x51: {  	_ =	shalt  }
0x52: {  	_ =	shalt  }
0x53: {  	_ =	shalt  }
0x54: {  	_ =	shalt  }
0x55: {  	_ =	shalt  }
0x56: {  	_ =	shalt  }
0x57: {  	_ =	shalt  }
0x58: {  	_ =	shalt  }
0x59: {  	_ =	shalt  }
0x5a: {  	_ =	shalt  }
0x5b: {  	_ =	shalt  }
0x5c: {  	_ =	shalt  }
0x5d: {  	_ =	shalt  }
0x5e: {  	_ =	shalt  }
0x5f: {  	_ =	shalt  }
0x60: {  	_ =	shalt  }
0x61: {  	_ =	shalt  }
0x62: {  	_ =	shalt  }
0x63: {  	_ =	shalt  }
0x64: {  	_ =	shalt  }
0x65: {  	_ =	shalt  }
0x66: {  	_ =	shalt  }
0x67: {  	_ =	shalt  }
0x68: {  	_ =	shalt  }
0x69: {  	_ =	shalt  }
0x6a: {  	_ =	shalt  }
0x6b: {  	_ =	shalt  }
0x6c: {  	_ =	shalt  }
0x6d: {  	_ =	shalt  }
0x6e: {  	_ =	shalt  }
0x6f: {  	_ =	shalt  }
0x70: {  	_ =	shalt  }
0x71: {  	_ =	shalt  }
0x72: {  	_ =	shalt  }
0x73: {  	_ =	shalt  }
0x74: {  	_ =	shalt  }
0x75: {  	_ =	shalt  }
0x76: {  	_ =	shalt  }
0x77: {  	_ =	shalt  }
0x78: {  	_ =	shalt  }
0x79: {  	_ =	shalt  }
0x7a: {  	_ =	shalt  }
0x7b: {  	_ =	shalt  }
0x7c: {  	_ =	shalt  }
0x7d: {  	_ =	shalt  }
0x7e: {  	_ =	shalt  }
0x7f: {  	_ =	shalt  }
0x80: {  	_ =	shalt  }
0x81: {  	_ =	shalt  }
0x82: {  	_ =	shalt  }
0x83: {  	_ =	shalt  }
0x84: {  	_ =	shalt  }
0x85: {  	_ =	shalt  }
0x86: {  	_ =	shalt  }
0x87: {  	_ =	shalt  }
.Lfunc_end0:
.L_simem_size_0:
called_computation.1_lowered:
.L_overlay_start_0:
0x88: {  	s2 =	sld [smem:$0x3FD9]  }
0x89: {  	s3 =	sld [smem:$0x3FFE];
	_ =	sdelay $0x1  }
0x8a: {  	s1 =	srdreg.scid  }
0x8b: {  	s0 =	sand.u32 $0x1, s1  }
0x8c: {  	s17 =	sshll.u32 s0, $0xA;
	s2 =	sadd.s32 s3, s2  }
0x8d: {  	s2 =	sadd.s32 s2, s17  }
0x8e: {  	[smem:$0x3FC7] =	sst s2  }
0x8f: {  	_ = 	snop  }
0x90: {  	s2 =	sld [smem:$0x3FC9]  }
0x91: {  	s18 =	sld [smem:$0x3FD0];
	(tm) =	ssettm $0x1  }
0x92: {  	s4 =	sld [smem:$0x3FFB];
	_ =	sdelay $0x3  }
0x93: {  	_ =	strace s4  }
0x94: {  	s4 =	sld [smem:$0x3FFC];
	_ =	sdelay $0x3  }
0x95: {  	_ =	strace s4  }
0x96: {  	s4 =	sld [smem:$0x3FFD];
	_ =	sdelay $0x3  }
0x97: {  	_ =	strace s4  }
0x98: {  	_ =	strace $0x8FFFFFFF  }
0x99: {  	s19 =	sld [smem:$0x3FDB];
	_ =	sdelay $0x1  }
0x9a: {  	s5 =	simm.s32 $_scs_section_size  }
0x9b: {  	s6 =	simm.s32 $_size__tile_overlayer_lowered;
	s7 =	simm.s32 $_tile_overlayer_lowered  }
0x9c: {  	s22 =	simm.s32 $0x1BFF;
	s21 =	sshll.u32 s7, $0x1;
	s4 =	sadd.s32 s5, s19  }
0x9d: {  	s8 =	simm.s32 $0x0;
	s20 =	sshll.u32 s6, $0x1;
	s6 =	sadd.s32 s21, s4  }
0x9e: {  	[timem:s8], [sflag:s22] =	dma.local [hbm:s6], s20  }
0x9f: {  	_ =	swait.ge [sflag:s22], s20  }
0xa0: {  	s5 =	ssub.s32 $0x0, s20;
	[sflag:s22] =	ssyncset.done $0x0  }
0xa1: {  	[sflag:s22] =	ssyncadd.s32 s5;
	_ =	sdelay $0x1  }
0xa2: {  	s23 =	simm.s32 $0x1B8B  }
0xa3: {  	_ =	swait.ge [sflag:s23], $0x1  }
0xa4: {  	[sflag:s23] =	ssyncset.done $0x0  }
0xa5: {  	s25 =	simm.s32 $0x1B8E;
	s24 =	sld [smem:$0x3FFE];
	[sflag:s23] =	ssyncadd.s32 $0xFFFFFFFF  }
0xa6: {  	s26 =	simm.s32 $execute0_lowered;
	[smem:$0x3FD2] =	sst s25  }
0xa7: {  	s6 =	sshll.u32 s26, $0x1;
	_ =	strace $0x80000046;
	[dreg:$0x1] =	wrdreg $0xFFFFFFFF  }
0xa8: {  	s28 =	simm.s32 $_size_execute0_lowered;
	s4 =	sadd.s32 s4, s6;
	[dreg:$0x0] =	wrdreg $0x0  }
0xa9: {  	s6 =	sshll.u32 s28, $0x1;
	[dreg:$0x2] =	wrdreg s4  }
0xaa: {  	[dreg:$0x3] =	wrdreg s6  }
0xab: {  	[dreg:$0x4] =	wrdreg $0xC0  }
0xac: {  	_ =	task [dreg:s8], $0x5FFFF  }
0xad: {  	[dreg:$0x1] =	wrdreg $0xFFFFFFFF  }
0xae: {  	[dreg:$0x0] =	wrdreg $0x60  }
0xaf: {  	[dreg:$0x2] =	wrdreg s2  }
0xb0: {  	[dreg:$0x3] =	wrdreg s24  }
0xb1: {  	[dreg:$0x4] =	wrdreg s18  }
0xb2: {  	[dreg:$0x5] =	wrdreg $0x9  }
0xb3: {  	_ =	task.clear_ibuf [dreg:s8], $0x6FFFF;
	_ =	strace $0x90000046  }
0xb4: {  	s29 =	simm.s32 $0x9;
	_ =	strace $0x80000048  }
0xb5: {  	_ =	swait.ge [sflag:s29], $0x1  }
0xb6: {  	[sflag:s29] =	ssyncadd.s32 $0xFFFFFFFF  }
0xb7: {  	_ =	strace $0x90000048  }
0xb8: {  	_ =	sfence  }
0xb9: {  	s30 =	sld [smem:$0x0];
	_ =	sdelay $0x2  }
0xba: {  	s31 =	sshll.u32 s1, $0xD;
	s1 =	sshrl.u32 s1, $0x2  }
0xbb: {  	s3 =	sand.u32 $0x4000, s31;
	s1 =	sadd.s32 s1, s30  }
0xbc: {  	s0 =	sor.u32 s3, s0;
	s1 =	sshll.u32 s1, $0x11  }
0xbd: {  	s0 =	sor.u32 s1, s0  }
0xbe: {  	s0 =	sadd.s32 $0x8F2B, s0  }
0xbf: {  	[sflag:s0] =	ssyncadd.remote.s32 $0x1  }
0xc0: {  	_ =	sfence.sel $0xFFFF  }
0xc1: {  	[dreg:$0x0] =	wrdreg $0xFFFFFFFF;
	(pc) =	sbr.abs _section_cstart, $3  }
0xc2: {  	[dreg:$0x1] =	wrdreg $0xFFFFFFFF  }
0xc3: {  	_ =	task.clear_ibuf [dreg:s8], $0x2FFFF;
	_ =	strace $0x9FFFFFFF  }
0xc4: {  	(tm) =	ssettm $0x7FFFFFFF  }
0xc5: {  	_ =	shalt  }
tec
execute0_lowered:
.L_overlay_start_1:
0x0: {  	(tag) =	ssettag $0x1  }
0x1: {  	s7 =	rddreg [dreg:$0x0]  }
0x2: {  	s0 =	srdreg.scid;
	s1 =	rddreg [dreg:$0x1]  }
0x3: {  	s2 =	stileid.u32;
	s3 =	rddreg [dreg:$0x2]  }
0x4: {  	s4 =	simm.s32 $0x0;
	s8 =	simm.s32 $0x5800;
	s9 =	simm.s32 $0x5A40  }
0x5: {  	s10 =	simm.s32 $0x5C80;
	s11 =	simm.s32 $0x5EC0;
	s12 =	simm.s32 $0x6100  }
0x6: {  	s13 =	simm.s32 $0x6340;
	s14 =	simm.s32 $0x6580;
	s0 =	sand.u32 $0x1, s0  }
0x7: {  	s2 =	sshll.u32 s2, $0x8;
	s5 =	sshll.u32 s0, $0x7;
	s0 =	ssub.s32 $0x2, s0  }
0x8: {  	[smem:$0x7FF] =	sst s4;
	s1 =	sadd.s32 $0x800, s1;
	s6 =	sshrl.u32 s0, $0x1  }
0x9: {  	_ =	strace $0x80000047;
	s5 =	sor.u32 s5, s2;
	s0 =	ssub.s32 s0, s6  }
0xa: {  	[dreg:$0x5] =	wrdreg s1;
	s2 =	sshll.u32 s5, $0xB;
	s0 =	smax.u32 s0, $0x1  }
0xb: {  	s29 =	simm.s32 $0x1;
	s2 =	sadd.s32 s7, s2;
	[dreg:$0xd] =	wrdreg s0  }
0xc: {  	s15 =	sadd.s32 $0x800, s7;
	s21 =	sadd.s32 $0x100, s2;
	[dreg:$0x4] =	wrdreg s2  }
0xd: {  	s16 =	sadd.s32 $0x900, s7;
	s22 =	sadd.s32 $0x200, s2;
	[dreg:$0x6] =	wrdreg s21  }
0xe: {  	s17 =	sadd.s32 $0xA00, s7;
	s23 =	sadd.s32 $0x300, s2;
	[dreg:$0x7] =	wrdreg s22  }
0xf: {  	s18 =	sadd.s32 $0xB00, s7;
	s24 =	sadd.s32 $0x400, s2;
	[dreg:$0x8] =	wrdreg s23  }
0x10: {  	s19 =	sadd.s32 $0xC00, s7;
	s25 =	sadd.s32 $0x500, s2;
	[dreg:$0x9] =	wrdreg s24  }
0x11: {  	v0 =	vlaneseq.u32;
	s20 =	sadd.s32 $0xD00, s7;
	s26 =	sadd.s32 $0x600, s2;
	[dreg:$0xa] =	wrdreg s25  }
0x12: {  	v0 =	vmul.u32 $0x241, v0;
	s1 =	simm.s32 $0x8880;
	s28 =	sadd.s32 $0x700, s2;
	[dreg:$0xb] =	wrdreg s26  }
0x13: {  	s6 =	simm.s32 $0x0;
	s30 =	sadd.s32 $0x10, s2;
	[dreg:$0xc] =	wrdreg s28  }
0x14: {  	v1 =	vadd.s32 $0x20, v0;
	s31 =	sadd.s32 $0x20, s2;
	s21 =	sadd.s32 $0xE00, s7;
	[dreg:$0xe] =	wrdreg s30  }
0x15: {  	v2 =	vadd.s32 $0x50, v0;
	v3 =	vadd.s32 $0x90, v0;
	v4 =	vadd.s32 $0xE0, v0;
	s22 =	sadd.s32 $0xF00, s7;
	s25 =	simm.s32 $0x2040;
	[dreg:$0xf] =	wrdreg s31  }
0x16: {  	v5 =	vadd.s32 $0x140, v0;
	v6 =	vadd.s32 $0x1B0, v0;
	v7 =	vadd.s32 $0x230, v0;
	s23 =	simm.s32 $0x4440;
	s26 =	simm.s32 $0x67C0;
	s24 =	simm.s32 $0x6840  }
.LBB2_1:
0x17: {  	[dreg:$0x10] =	wrdreg s6  }
0x18: {  	s0 =	rddreg [dreg:$0x5];
	s2 =	simm.s32 $0x3  }
0x19: {  	[tilespmem:s4], [sflag:$0x3] =	stream.linear.gather [hbm4b:s0+s4], $0x2040, $0x38;
	[tilespmem:$0xA8C0] =	vst v63  }
0x1a: {  	_ =	swait.ge [sflag:s2], $0x2040  }
0x1b: {  	[sflag:s2] =	ssyncset.done $0x0  }
0x1c: {  	[sflag:s2] =	ssyncadd.s32 $0xFFFFDFC0;
	s2 =	rddreg [dreg:$0x4]  }
0x1d: {  	[tilespmem:s25], [sflag:$0x1] =	stream.linear.gather [hbm4b:s2+s4], $0x10, $0x38;
	[tilespmem:$0xA8C0] =	vst v63  }
0x1e: {  	s7 =	simm.s32 $0x2280;
	s6 =	rddreg [dreg:$0xe]  }
0x1f: {  	[tilespmem:s7], [sflag:$0x1] =	stream.linear.gather [hbm4b:s6+s4], $0x10, $0x38;
	[tilespmem:$0xA8C0] =	vst v63  }
0x20: {  	s31 =	simm.s32 $0x24C0;
	s30 =	rddreg [dreg:$0xf]  }
0x21: {  	[tilespmem:s31], [sflag:$0x1] =	stream.linear.gather [hbm4b:s30+s4], $0x10, $0x38;
	[tilespmem:$0xA8C0] =	vst v63  }
0x22: {  	s6 =	sadd.s32 $0x30, s2;
	s7 =	simm.s32 $0x2700  }
0x23: {  	[tilespmem:s7], [sflag:$0x1] =	stream.linear.gather [hbm4b:s6+s4], $0x10, $0x38;
	[tilespmem:$0xA8C0] =	vst v63  }
0x24: {  	s30 =	sadd.s32 $0x40, s2;
	s31 =	simm.s32 $0x2940  }
0x25: {  	[tilespmem:s31], [sflag:$0x1] =	stream.linear.gather [hbm4b:s30+s4], $0x10, $0x38;
	[tilespmem:$0xA8C0] =	vst v63  }
0x26: {  	s6 =	sadd.s32 $0x50, s2;
	s7 =	simm.s32 $0x2B80  }
0x27: {  	[tilespmem:s7], [sflag:$0x1] =	stream.linear.gather [hbm4b:s6+s4], $0x10, $0x38;
	[tilespmem:$0xA8C0] =	vst v63  }
0x28: {  	s30 =	sadd.s32 $0x60, s2;
	s31 =	simm.s32 $0x2DC0  }
0x29: {  	[tilespmem:s31], [sflag:$0x1] =	stream.linear.gather [hbm4b:s30+s4], $0x10, $0x38;
	[tilespmem:$0xA8C0] =	vst v63  }
0x2a: {  	s6 =	sadd.s32 $0x70, s2;
	s7 =	simm.s32 $0x3000  }
0x2b: {  	[tilespmem:s7], [sflag:$0x1] =	stream.linear.gather [hbm4b:s6+s4], $0x10, $0x38;
	[tilespmem:$0xA8C0] =	vst v63  }
0x2c: {  	s30 =	sadd.s32 $0x80, s2;
	s31 =	simm.s32 $0x3240  }
0x2d: {  	[tilespmem:s31], [sflag:$0x1] =	stream.linear.gather [hbm4b:s30+s4], $0x10, $0x38;
	[tilespmem:$0xA8C0] =	vst v63  }
0x2e: {  	s6 =	sadd.s32 $0x90, s2;
	s7 =	simm.s32 $0x3480  }
0x2f: {  	[tilespmem:s7], [sflag:$0x1] =	stream.linear.gather [hbm4b:s6+s4], $0x10, $0x38;
	[tilespmem:$0xA8C0] =	vst v63  }
0x30: {  	s30 =	sadd.s32 $0xA0, s2;
	s31 =	simm.s32 $0x36C0  }
0x31: {  	[tilespmem:s31], [sflag:$0x1] =	stream.linear.gather [hbm4b:s30+s4], $0x10, $0x38;
	[tilespmem:$0xA8C0] =	vst v63  }
0x32: {  	s6 =	sadd.s32 $0xB0, s2;
	s7 =	simm.s32 $0x3900  }
0x33: {  	[tilespmem:s7], [sflag:$0x1] =	stream.linear.gather [hbm4b:s6+s4], $0x10, $0x38;
	[tilespmem:$0xA8C0] =	vst v63  }
0x34: {  	s30 =	sadd.s32 $0xC0, s2;
	s31 =	simm.s32 $0x3B40  }
0x35: {  	[tilespmem:s31], [sflag:$0x1] =	stream.linear.gather [hbm4b:s30+s4], $0x10, $0x38;
	[tilespmem:$0xA8C0] =	vst v63  }
0x36: {  	s6 =	sadd.s32 $0xD0, s2;
	s7 =	simm.s32 $0x3D80  }
0x37: {  	[tilespmem:s7], [sflag:$0x1] =	stream.linear.gather [hbm4b:s6+s4], $0x10, $0x38;
	[tilespmem:$0xA8C0] =	vst v63  }
0x38: {  	s30 =	sadd.s32 $0xE0, s2;
	s31 =	simm.s32 $0x3FC0  }
0x39: {  	[tilespmem:s31], [sflag:$0x1] =	stream.linear.gather [hbm4b:s30+s4], $0x10, $0x38;
	[tilespmem:$0xA8C0] =	vst v63  }
0x3a: {  	s7 =	sadd.s32 $0xF0, s2;
	s30 =	simm.s32 $0x4200  }
0x3b: {  	[tilespmem:s30], [sflag:$0x1] =	stream.linear.gather [hbm4b:s7+s4], $0x10, $0x38;
	[tilespmem:$0xA8C0] =	vst v63  }
0x3c: {  	s2 =	rddreg [dreg:$0x6];
	s31 =	simm.s32 $0x2050  }
0x3d: {  	[tilespmem:s31], [sflag:$0x1] =	stream.linear.gather [hbm4b:s2+s4], $0x20, $0x38;
	[tilespmem:$0xA8C0] =	vst v63  }
0x3e: {  	s6 =	sadd.s32 $0x10, s2;
	s7 =	simm.s32 $0x2290  }
0x3f: {  	[tilespmem:s7], [sflag:$0x1] =	stream.linear.gather [hbm4b:s6+s4], $0x20, $0x38;
	[tilespmem:$0xA8C0] =	vst v63  }
0x40: {  	s30 =	sadd.s32 $0x20, s2;
	s31 =	simm.s32 $0x24D0  }
0x41: {  	[tilespmem:s31], [sflag:$0x1] =	stream.linear.gather [hbm4b:s30+s4], $0x20, $0x38;
	[tilespmem:$0xA8C0] =	vst v63  }
0x42: {  	s6 =	sadd.s32 $0x30, s2;
	s7 =	simm.s32 $0x2710  }
0x43: {  	[tilespmem:s7], [sflag:$0x1] =	stream.linear.gather [hbm4b:s6+s4], $0x20, $0x38;
	[tilespmem:$0xA8C0] =	vst v63  }
0x44: {  	s30 =	sadd.s32 $0x40, s2;
	s31 =	simm.s32 $0x2950  }
0x45: {  	[tilespmem:s31], [sflag:$0x1] =	stream.linear.gather [hbm4b:s30+s4], $0x20, $0x38;
	[tilespmem:$0xA8C0] =	vst v63  }
0x46: {  	s6 =	sadd.s32 $0x50, s2;
	s7 =	simm.s32 $0x2B90  }
0x47: {  	[tilespmem:s7], [sflag:$0x1] =	stream.linear.gather [hbm4b:s6+s4], $0x20, $0x38;
	[tilespmem:$0xA8C0] =	vst v63  }
0x48: {  	s30 =	sadd.s32 $0x60, s2;
	s31 =	simm.s32 $0x2DD0  }
0x49: {  	[tilespmem:s31], [sflag:$0x1] =	stream.linear.gather [hbm4b:s30+s4], $0x20, $0x38;
	[tilespmem:$0xA8C0] =	vst v63  }
0x4a: {  	s6 =	sadd.s32 $0x70, s2;
	s7 =	simm.s32 $0x3010  }
0x4b: {  	[tilespmem:s7], [sflag:$0x1] =	stream.linear.gather [hbm4b:s6+s4], $0x20, $0x38;
	[tilespmem:$0xA8C0] =	vst v63  }
0x4c: {  	s30 =	sadd.s32 $0x80, s2;
	s31 =	simm.s32 $0x3250  }
0x4d: {  	[tilespmem:s31], [sflag:$0x1] =	stream.linear.gather [hbm4b:s30+s4], $0x20, $0x38;
	[tilespmem:$0xA8C0] =	vst v63  }
0x4e: {  	s6 =	sadd.s32 $0x90, s2;
	s7 =	simm.s32 $0x3490  }
0x4f: {  	[tilespmem:s7], [sflag:$0x1] =	stream.linear.gather [hbm4b:s6+s4], $0x20, $0x38;
	[tilespmem:$0xA8C0] =	vst v63  }
0x50: {  	s30 =	sadd.s32 $0xA0, s2;
	s31 =	simm.s32 $0x36D0  }
0x51: {  	[tilespmem:s31], [sflag:$0x1] =	stream.linear.gather [hbm4b:s30+s4], $0x20, $0x38;
	[tilespmem:$0xA8C0] =	vst v63  }
0x52: {  	s6 =	sadd.s32 $0xB0, s2;
	s7 =	simm.s32 $0x3910  }
0x53: {  	[tilespmem:s7], [sflag:$0x1] =	stream.linear.gather [hbm4b:s6+s4], $0x20, $0x38;
	[tilespmem:$0xA8C0] =	vst v63  }
0x54: {  	s30 =	sadd.s32 $0xC0, s2;
	s31 =	simm.s32 $0x3B50  }
0x55: {  	[tilespmem:s31], [sflag:$0x1] =	stream.linear.gather [hbm4b:s30+s4], $0x20, $0x38;
	[tilespmem:$0xA8C0] =	vst v63  }
0x56: {  	s6 =	sadd.s32 $0xD0, s2;
	s7 =	simm.s32 $0x3D90  }
0x57: {  	[tilespmem:s7], [sflag:$0x1] =	stream.linear.gather [hbm4b:s6+s4], $0x20, $0x38;
	[tilespmem:$0xA8C0] =	vst v63  }
0x58: {  	s30 =	sadd.s32 $0xE0, s2;
	s31 =	simm.s32 $0x3FD0  }
0x59: {  	[tilespmem:s31], [sflag:$0x1] =	stream.linear.gather [hbm4b:s30+s4], $0x20, $0x38;
	[tilespmem:$0xA8C0] =	vst v63  }
0x5a: {  	s7 =	sadd.s32 $0xF0, s2;
	s30 =	simm.s32 $0x4210  }
0x5b: {  	[tilespmem:s30], [sflag:$0x1] =	stream.linear.gather [hbm4b:s7+s4], $0x20, $0x38;
	[tilespmem:$0xA8C0] =	vst v63  }
0x5c: {  	s2 =	rddreg [dreg:$0x7];
	s31 =	simm.s32 $0x2070  }
0x5d: {  	[tilespmem:s31], [sflag:$0x1] =	stream.linear.gather [hbm4b:s2+s4], $0x30, $0x38;
	[tilespmem:$0xA8C0] =	vst v63  }
0x5e: {  	s6 =	sadd.s32 $0x10, s2;
	s7 =	simm.s32 $0x22B0  }
0x5f: {  	[tilespmem:s7], [sflag:$0x1] =	stream.linear.gather [hbm4b:s6+s4], $0x30, $0x38;
	[tilespmem:$0xA8C0] =	vst v63  }
0x60: {  	s30 =	sadd.s32 $0x20, s2;
	s31 =	simm.s32 $0x24F0  }
0x61: {  	[tilespmem:s31], [sflag:$0x1] =	stream.linear.gather [hbm4b:s30+s4], $0x30, $0x38;
	[tilespmem:$0xA8C0] =	vst v63  }
0x62: {  	s6 =	sadd.s32 $0x30, s2;
	s7 =	simm.s32 $0x2730  }
0x63: {  	[tilespmem:s7], [sflag:$0x1] =	stream.linear.gather [hbm4b:s6+s4], $0x30, $0x38;
	[tilespmem:$0xA8C0] =	vst v63  }
0x64: {  	s30 =	sadd.s32 $0x40, s2;
	s31 =	simm.s32 $0x2970  }
0x65: {  	[tilespmem:s31], [sflag:$0x1] =	stream.linear.gather [hbm4b:s30+s4], $0x30, $0x38;
	[tilespmem:$0xA8C0] =	vst v63  }
0x66: {  	s6 =	sadd.s32 $0x50, s2;
	s7 =	simm.s32 $0x2BB0  }
0x67: {  	[tilespmem:s7], [sflag:$0x1] =	stream.linear.gather [hbm4b:s6+s4], $0x30, $0x38;
	[tilespmem:$0xA8C0] =	vst v63  }
0x68: {  	s30 =	sadd.s32 $0x60, s2;
	s31 =	simm.s32 $0x2DF0  }
0x69: {  	[tilespmem:s31], [sflag:$0x1] =	stream.linear.gather [hbm4b:s30+s4], $0x30, $0x38;
	[tilespmem:$0xA8C0] =	vst v63  }
0x6a: {  	s6 =	sadd.s32 $0x70, s2;
	s7 =	simm.s32 $0x3030  }
0x6b: {  	[tilespmem:s7], [sflag:$0x1] =	stream.linear.gather [hbm4b:s6+s4], $0x30, $0x38;
	[tilespmem:$0xA8C0] =	vst v63  }
0x6c: {  	s30 =	sadd.s32 $0x80, s2;
	s31 =	simm.s32 $0x3270  }
0x6d: {  	[tilespmem:s31], [sflag:$0x1] =	stream.linear.gather [hbm4b:s30+s4], $0x30, $0x38;
	[tilespmem:$0xA8C0] =	vst v63  }
0x6e: {  	s6 =	sadd.s32 $0x90, s2;
	s7 =	simm.s32 $0x34B0  }
0x6f: {  	[tilespmem:s7], [sflag:$0x1] =	stream.linear.gather [hbm4b:s6+s4], $0x30, $0x38;
	[tilespmem:$0xA8C0] =	vst v63  }
0x70: {  	s30 =	sadd.s32 $0xA0, s2;
	s31 =	simm.s32 $0x36F0  }
0x71: {  	[tilespmem:s31], [sflag:$0x1] =	stream.linear.gather [hbm4b:s30+s4], $0x30, $0x38;
	[tilespmem:$0xA8C0] =	vst v63  }
0x72: {  	s6 =	sadd.s32 $0xB0, s2;
	s7 =	simm.s32 $0x3930  }
0x73: {  	[tilespmem:s7], [sflag:$0x1] =	stream.linear.gather [hbm4b:s6+s4], $0x30, $0x38;
	[tilespmem:$0xA8C0] =	vst v63  }
0x74: {  	s30 =	sadd.s32 $0xC0, s2;
	s31 =	simm.s32 $0x3B70  }
0x75: {  	[tilespmem:s31], [sflag:$0x1] =	stream.linear.gather [hbm4b:s30+s4], $0x30, $0x38;
	[tilespmem:$0xA8C0] =	vst v63  }
0x76: {  	s6 =	sadd.s32 $0xD0, s2;
	s7 =	simm.s32 $0x3DB0  }
0x77: {  	[tilespmem:s7], [sflag:$0x1] =	stream.linear.gather [hbm4b:s6+s4], $0x30, $0x38;
	[tilespmem:$0xA8C0] =	vst v63  }
0x78: {  	s30 =	sadd.s32 $0xE0, s2;
	s31 =	simm.s32 $0x3FF0  }
0x79: {  	[tilespmem:s31], [sflag:$0x1] =	stream.linear.gather [hbm4b:s30+s4], $0x30, $0x38;
	[tilespmem:$0xA8C0] =	vst v63  }
0x7a: {  	s7 =	sadd.s32 $0xF0, s2;
	s30 =	simm.s32 $0x4230  }
0x7b: {  	[tilespmem:s30], [sflag:$0x1] =	stream.linear.gather [hbm4b:s7+s4], $0x30, $0x38;
	[tilespmem:$0xA8C0] =	vst v63  }
0x7c: {  	s2 =	rddreg [dreg:$0x8];
	s31 =	simm.s32 $0x20A0  }
0x7d: {  	[tilespmem:s31], [sflag:$0x1] =	stream.linear.gather [hbm4b:s2+s4], $0x40, $0x38;
	[tilespmem:$0xA8C0] =	vst v63  }
0x7e: {  	s6 =	sadd.s32 $0x10, s2;
	s7 =	simm.s32 $0x22E0  }
0x7f: {  	[tilespmem:s7], [sflag:$0x1] =	stream.linear.gather [hbm4b:s6+s4], $0x40, $0x38;
	[tilespmem:$0xA8C0] =	vst v63  }
0x80: {  	s30 =	sadd.s32 $0x20, s2;
	s31 =	simm.s32 $0x2520  }
0x81: {  	[tilespmem:s31], [sflag:$0x1] =	stream.linear.gather [hbm4b:s30+s4], $0x40, $0x38;
	[tilespmem:$0xA8C0] =	vst v63  }
0x82: {  	s6 =	sadd.s32 $0x30, s2;
	s7 =	simm.s32 $0x2760  }
0x83: {  	[tilespmem:s7], [sflag:$0x1] =	stream.linear.gather [hbm4b:s6+s4], $0x40, $0x38;
	[tilespmem:$0xA8C0] =	vst v63  }
0x84: {  	s30 =	sadd.s32 $0x40, s2;
	s31 =	simm.s32 $0x29A0  }
0x85: {  	[tilespmem:s31], [sflag:$0x1] =	stream.linear.gather [hbm4b:s30+s4], $0x40, $0x38;
	[tilespmem:$0xA8C0] =	vst v63  }
0x86: {  	s6 =	sadd.s32 $0x50, s2;
	s7 =	simm.s32 $0x2BE0  }
0x87: {  	[tilespmem:s7], [sflag:$0x1] =	stream.linear.gather [hbm4b:s6+s4], $0x40, $0x38;
	[tilespmem:$0xA8C0] =	vst v63  }
0x88: {  	s30 =	sadd.s32 $0x60, s2;
	s31 =	simm.s32 $0x2E20  }
0x89: {  	[tilespmem:s31], [sflag:$0x1] =	stream.linear.gather [hbm4b:s30+s4], $0x40, $0x38;
	[tilespmem:$0xA8C0] =	vst v63  }
0x8a: {  	s6 =	sadd.s32 $0x70, s2;
	s7 =	simm.s32 $0x3060  }
0x8b: {  	[tilespmem:s7], [sflag:$0x1] =	stream.linear.gather [hbm4b:s6+s4], $0x40, $0x38;
	[tilespmem:$0xA8C0] =	vst v63  }
0x8c: {  	s30 =	sadd.s32 $0x80, s2;
	s31 =	simm.s32 $0x32A0  }
0x8d: {  	[tilespmem:s31], [sflag:$0x1] =	stream.linear.gather [hbm4b:s30+s4], $0x40, $0x38;
	[tilespmem:$0xA8C0] =	vst v63  }
0x8e: {  	s6 =	sadd.s32 $0x90, s2;
	s7 =	simm.s32 $0x34E0  }
0x8f: {  	[tilespmem:s7], [sflag:$0x1] =	stream.linear.gather [hbm4b:s6+s4], $0x40, $0x38;
	[tilespmem:$0xA8C0] =	vst v63  }
0x90: {  	s30 =	sadd.s32 $0xA0, s2;
	s31 =	simm.s32 $0x3720  }
0x91: {  	[tilespmem:s31], [sflag:$0x1] =	stream.linear.gather [hbm4b:s30+s4], $0x40, $0x38;
	[tilespmem:$0xA8C0] =	vst v63  }
0x92: {  	s6 =	sadd.s32 $0xB0, s2;
	s7 =	simm.s32 $0x3960  }
0x93: {  	[tilespmem:s7], [sflag:$0x1] =	stream.linear.gather [hbm4b:s6+s4], $0x40, $0x38;
	[tilespmem:$0xA8C0] =	vst v63  }
0x94: {  	s30 =	sadd.s32 $0xC0, s2;
	s31 =	simm.s32 $0x3BA0  }
0x95: {  	[tilespmem:s31], [sflag:$0x1] =	stream.linear.gather [hbm4b:s30+s4], $0x40, $0x38;
	[tilespmem:$0xA8C0] =	vst v63  }
0x96: {  	s6 =	sadd.s32 $0xD0, s2;
	s7 =	simm.s32 $0x3DE0  }
0x97: {  	[tilespmem:s7], [sflag:$0x1] =	stream.linear.gather [hbm4b:s6+s4], $0x40, $0x38;
	[tilespmem:$0xA8C0] =	vst v63  }
0x98: {  	s30 =	sadd.s32 $0xE0, s2;
	s31 =	simm.s32 $0x4020  }
0x99: {  	[tilespmem:s31], [sflag:$0x1] =	stream.linear.gather [hbm4b:s30+s4], $0x40, $0x38;
	[tilespmem:$0xA8C0] =	vst v63  }
0x9a: {  	s7 =	sadd.s32 $0xF0, s2;
	s30 =	simm.s32 $0x4260  }
0x9b: {  	[tilespmem:s30], [sflag:$0x1] =	stream.linear.gather [hbm4b:s7+s4], $0x40, $0x38;
	[tilespmem:$0xA8C0] =	vst v63  }
0x9c: {  	s2 =	rddreg [dreg:$0x9];
	s31 =	simm.s32 $0x20E0  }
0x9d: {  	[tilespmem:s31], [sflag:$0x1] =	stream.linear.gather [hbm4b:s2+s4], $0x50, $0x38;
	[tilespmem:$0xA8C0] =	vst v63  }
0x9e: {  	s6 =	sadd.s32 $0x10, s2;
	s7 =	simm.s32 $0x2320  }
0x9f: {  	[tilespmem:s7], [sflag:$0x1] =	stream.linear.gather [hbm4b:s6+s4], $0x50, $0x38;
	[tilespmem:$0xA8C0] =	vst v63  }
0xa0: {  	s30 =	sadd.s32 $0x20, s2;
	s31 =	simm.s32 $0x2560  }
0xa1: {  	[tilespmem:s31], [sflag:$0x1] =	stream.linear.gather [hbm4b:s30+s4], $0x50, $0x38;
	[tilespmem:$0xA8C0] =	vst v63  }
0xa2: {  	s6 =	sadd.s32 $0x30, s2;
	s7 =	simm.s32 $0x27A0  }
0xa3: {  	[tilespmem:s7], [sflag:$0x1] =	stream.linear.gather [hbm4b:s6+s4], $0x50, $0x38;
	[tilespmem:$0xA8C0] =	vst v63  }
0xa4: {  	s30 =	sadd.s32 $0x40, s2;
	s31 =	simm.s32 $0x29E0  }
0xa5: {  	[tilespmem:s31], [sflag:$0x1] =	stream.linear.gather [hbm4b:s30+s4], $0x50, $0x38;
	[tilespmem:$0xA8C0] =	vst v63  }
0xa6: {  	s6 =	sadd.s32 $0x50, s2;
	s7 =	simm.s32 $0x2C20  }
0xa7: {  	[tilespmem:s7], [sflag:$0x1] =	stream.linear.gather [hbm4b:s6+s4], $0x50, $0x38;
	[tilespmem:$0xA8C0] =	vst v63  }
0xa8: {  	s30 =	sadd.s32 $0x60, s2;
	s31 =	simm.s32 $0x2E60  }
0xa9: {  	[tilespmem:s31], [sflag:$0x1] =	stream.linear.gather [hbm4b:s30+s4], $0x50, $0x38;
	[tilespmem:$0xA8C0] =	vst v63  }
0xaa: {  	s6 =	sadd.s32 $0x70, s2;
	s7 =	simm.s32 $0x30A0  }
0xab: {  	[tilespmem:s7], [sflag:$0x1] =	stream.linear.gather [hbm4b:s6+s4], $0x50, $0x38;
	[tilespmem:$0xA8C0] =	vst v63  }
0xac: {  	s30 =	sadd.s32 $0x80, s2;
	s31 =	simm.s32 $0x32E0  }
0xad: {  	[tilespmem:s31], [sflag:$0x1] =	stream.linear.gather [hbm4b:s30+s4], $0x50, $0x38;
	[tilespmem:$0xA8C0] =	vst v63  }
0xae: {  	s6 =	sadd.s32 $0x90, s2;
	s7 =	simm.s32 $0x3520  }
0xaf: {  	[tilespmem:s7], [sflag:$0x1] =	stream.linear.gather [hbm4b:s6+s4], $0x50, $0x38;
	[tilespmem:$0xA8C0] =	vst v63  }
0xb0: {  	s30 =	sadd.s32 $0xA0, s2;
	s31 =	simm.s32 $0x3760  }
0xb1: {  	[tilespmem:s31], [sflag:$0x1] =	stream.linear.gather [hbm4b:s30+s4], $0x50, $0x38;
	[tilespmem:$0xA8C0] =	vst v63  }
0xb2: {  	s6 =	sadd.s32 $0xB0, s2;
	s7 =	simm.s32 $0x39A0  }
0xb3: {  	[tilespmem:s7], [sflag:$0x1] =	stream.linear.gather [hbm4b:s6+s4], $0x50, $0x38;
	[tilespmem:$0xA8C0] =	vst v63  }
0xb4: {  	s30 =	sadd.s32 $0xC0, s2;
	s31 =	simm.s32 $0x3BE0  }
0xb5: {  	[tilespmem:s31], [sflag:$0x1] =	stream.linear.gather [hbm4b:s30+s4], $0x50, $0x38;
	[tilespmem:$0xA8C0] =	vst v63  }
0xb6: {  	s6 =	sadd.s32 $0xD0, s2;
	s7 =	simm.s32 $0x3E20  }
0xb7: {  	[tilespmem:s7], [sflag:$0x1] =	stream.linear.gather [hbm4b:s6+s4], $0x50, $0x38;
	[tilespmem:$0xA8C0] =	vst v63  }
0xb8: {  	s30 =	sadd.s32 $0xE0, s2;
	s31 =	simm.s32 $0x4060  }
0xb9: {  	[tilespmem:s31], [sflag:$0x1] =	stream.linear.gather [hbm4b:s30+s4], $0x50, $0x38;
	[tilespmem:$0xA8C0] =	vst v63  }
0xba: {  	s7 =	sadd.s32 $0xF0, s2;
	s30 =	simm.s32 $0x42A0  }
0xbb: {  	[tilespmem:s30], [sflag:$0x1] =	stream.linear.gather [hbm4b:s7+s4], $0x50, $0x38;
	[tilespmem:$0xA8C0] =	vst v63  }
0xbc: {  	s2 =	rddreg [dreg:$0xa];
	s31 =	simm.s32 $0x2130  }
0xbd: {  	[tilespmem:s31], [sflag:$0x1] =	stream.linear.gather [hbm4b:s2+s4], $0x60, $0x38;
	[tilespmem:$0xA8C0] =	vst v63  }
0xbe: {  	s6 =	sadd.s32 $0x10, s2;
	s7 =	simm.s32 $0x2370  }
0xbf: {  	[tilespmem:s7], [sflag:$0x1] =	stream.linear.gather [hbm4b:s6+s4], $0x60, $0x38;
	[tilespmem:$0xA8C0] =	vst v63  }
0xc0: {  	s30 =	sadd.s32 $0x20, s2;
	s31 =	simm.s32 $0x25B0  }
0xc1: {  	[tilespmem:s31], [sflag:$0x1] =	stream.linear.gather [hbm4b:s30+s4], $0x60, $0x38;
	[tilespmem:$0xA8C0] =	vst v63  }
0xc2: {  	s6 =	sadd.s32 $0x30, s2;
	s7 =	simm.s32 $0x27F0  }
0xc3: {  	[tilespmem:s7], [sflag:$0x1] =	stream.linear.gather [hbm4b:s6+s4], $0x60, $0x38;
	[tilespmem:$0xA8C0] =	vst v63  }
0xc4: {  	s30 =	sadd.s32 $0x40, s2;
	s31 =	simm.s32 $0x2A30  }
0xc5: {  	[tilespmem:s31], [sflag:$0x1] =	stream.linear.gather [hbm4b:s30+s4], $0x60, $0x38;
	[tilespmem:$0xA8C0] =	vst v63  }
0xc6: {  	s6 =	sadd.s32 $0x50, s2;
	s7 =	simm.s32 $0x2C70  }
0xc7: {  	[tilespmem:s7], [sflag:$0x1] =	stream.linear.gather [hbm4b:s6+s4], $0x60, $0x38;
	[tilespmem:$0xA8C0] =	vst v63  }
0xc8: {  	s30 =	sadd.s32 $0x60, s2;
	s31 =	simm.s32 $0x2EB0  }
0xc9: {  	[tilespmem:s31], [sflag:$0x1] =	stream.linear.gather [hbm4b:s30+s4], $0x60, $0x38;
	[tilespmem:$0xA8C0] =	vst v63  }
0xca: {  	s6 =	sadd.s32 $0x70, s2;
	s7 =	simm.s32 $0x30F0  }
0xcb: {  	[tilespmem:s7], [sflag:$0x1] =	stream.linear.gather [hbm4b:s6+s4], $0x60, $0x38;
	[tilespmem:$0xA8C0] =	vst v63  }
0xcc: {  	s30 =	sadd.s32 $0x80, s2;
	s31 =	simm.s32 $0x3330  }
0xcd: {  	[tilespmem:s31], [sflag:$0x1] =	stream.linear.gather [hbm4b:s30+s4], $0x60, $0x38;
	[tilespmem:$0xA8C0] =	vst v63  }
0xce: {  	s6 =	sadd.s32 $0x90, s2;
	s7 =	simm.s32 $0x3570  }
0xcf: {  	[tilespmem:s7], [sflag:$0x1] =	stream.linear.gather [hbm4b:s6+s4], $0x60, $0x38;
	[tilespmem:$0xA8C0] =	vst v63  }
0xd0: {  	s30 =	sadd.s32 $0xA0, s2;
	s31 =	simm.s32 $0x37B0  }
0xd1: {  	[tilespmem:s31], [sflag:$0x1] =	stream.linear.gather [hbm4b:s30+s4], $0x60, $0x38;
	[tilespmem:$0xA8C0] =	vst v63  }
0xd2: {  	s6 =	sadd.s32 $0xB0, s2;
	s7 =	simm.s32 $0x39F0  }
0xd3: {  	[tilespmem:s7], [sflag:$0x1] =	stream.linear.gather [hbm4b:s6+s4], $0x60, $0x38;
	[tilespmem:$0xA8C0] =	vst v63  }
0xd4: {  	s30 =	sadd.s32 $0xC0, s2;
	s31 =	simm.s32 $0x3C30  }
0xd5: {  	[tilespmem:s31], [sflag:$0x1] =	stream.linear.gather [hbm4b:s30+s4], $0x60, $0x38;
	[tilespmem:$0xA8C0] =	vst v63  }
0xd6: {  	s6 =	sadd.s32 $0xD0, s2;
	s7 =	simm.s32 $0x3E70  }
0xd7: {  	[tilespmem:s7], [sflag:$0x1] =	stream.linear.gather [hbm4b:s6+s4], $0x60, $0x38;
	[tilespmem:$0xA8C0] =	vst v63  }
0xd8: {  	s30 =	sadd.s32 $0xE0, s2;
	s31 =	simm.s32 $0x40B0  }
0xd9: {  	[tilespmem:s31], [sflag:$0x1] =	stream.linear.gather [hbm4b:s30+s4], $0x60, $0x38;
	[tilespmem:$0xA8C0] =	vst v63  }
0xda: {  	s7 =	sadd.s32 $0xF0, s2;
	s30 =	simm.s32 $0x42F0  }
0xdb: {  	[tilespmem:s30], [sflag:$0x1] =	stream.linear.gather [hbm4b:s7+s4], $0x60, $0x38;
	[tilespmem:$0xA8C0] =	vst v63  }
0xdc: {  	s2 =	rddreg [dreg:$0xb];
	s31 =	simm.s32 $0x2190  }
0xdd: {  	[tilespmem:s31], [sflag:$0x1] =	stream.linear.gather [hbm4b:s2+s4], $0x70, $0x38;
	[tilespmem:$0xA8C0] =	vst v63  }
0xde: {  	s6 =	sadd.s32 $0x10, s2;
	s7 =	simm.s32 $0x23D0  }
0xdf: {  	[tilespmem:s7], [sflag:$0x1] =	stream.linear.gather [hbm4b:s6+s4], $0x70, $0x38;
	[tilespmem:$0xA8C0] =	vst v63  }
0xe0: {  	s30 =	sadd.s32 $0x20, s2;
	s31 =	simm.s32 $0x2610  }
0xe1: {  	[tilespmem:s31], [sflag:$0x1] =	stream.linear.gather [hbm4b:s30+s4], $0x70, $0x38;
	[tilespmem:$0xA8C0] =	vst v63  }
0xe2: {  	s6 =	sadd.s32 $0x30, s2;
	s7 =	simm.s32 $0x2850  }
0xe3: {  	[tilespmem:s7], [sflag:$0x1] =	stream.linear.gather [hbm4b:s6+s4], $0x70, $0x38;
	[tilespmem:$0xA8C0] =	vst v63  }
0xe4: {  	s30 =	sadd.s32 $0x40, s2;
	s31 =	simm.s32 $0x2A90  }
0xe5: {  	[tilespmem:s31], [sflag:$0x1] =	stream.linear.gather [hbm4b:s30+s4], $0x70, $0x38;
	[tilespmem:$0xA8C0] =	vst v63  }
0xe6: {  	s6 =	sadd.s32 $0x50, s2;
	s7 =	simm.s32 $0x2CD0  }
0xe7: {  	[tilespmem:s7], [sflag:$0x1] =	stream.linear.gather [hbm4b:s6+s4], $0x70, $0x38;
	[tilespmem:$0xA8C0] =	vst v63  }
0xe8: {  	s30 =	sadd.s32 $0x60, s2;
	s31 =	simm.s32 $0x2F10  }
0xe9: {  	[tilespmem:s31], [sflag:$0x1] =	stream.linear.gather [hbm4b:s30+s4], $0x70, $0x38;
	[tilespmem:$0xA8C0] =	vst v63  }
0xea: {  	s6 =	sadd.s32 $0x70, s2;
	s7 =	simm.s32 $0x3150  }
0xeb: {  	[tilespmem:s7], [sflag:$0x1] =	stream.linear.gather [hbm4b:s6+s4], $0x70, $0x38;
	[tilespmem:$0xA8C0] =	vst v63  }
0xec: {  	s30 =	sadd.s32 $0x80, s2;
	s31 =	simm.s32 $0x3390  }
0xed: {  	[tilespmem:s31], [sflag:$0x1] =	stream.linear.gather [hbm4b:s30+s4], $0x70, $0x38;
	[tilespmem:$0xA8C0] =	vst v63  }
0xee: {  	s6 =	sadd.s32 $0x90, s2;
	s7 =	simm.s32 $0x35D0  }
0xef: {  	[tilespmem:s7], [sflag:$0x1] =	stream.linear.gather [hbm4b:s6+s4], $0x70, $0x38;
	[tilespmem:$0xA8C0] =	vst v63  }
0xf0: {  	s30 =	sadd.s32 $0xA0, s2;
	s31 =	simm.s32 $0x3810  }
0xf1: {  	[tilespmem:s31], [sflag:$0x1] =	stream.linear.gather [hbm4b:s30+s4], $0x70, $0x38;
	[tilespmem:$0xA8C0] =	vst v63  }
0xf2: {  	s6 =	sadd.s32 $0xB0, s2;
	s7 =	simm.s32 $0x3A50  }
0xf3: {  	[tilespmem:s7], [sflag:$0x1] =	stream.linear.gather [hbm4b:s6+s4], $0x70, $0x38;
	[tilespmem:$0xA8C0] =	vst v63  }
0xf4: {  	s30 =	sadd.s32 $0xC0, s2;
	s31 =	simm.s32 $0x3C90  }
0xf5: {  	[tilespmem:s31], [sflag:$0x1] =	stream.linear.gather [hbm4b:s30+s4], $0x70, $0x38;
	[tilespmem:$0xA8C0] =	vst v63  }
0xf6: {  	s6 =	sadd.s32 $0xD0, s2;
	s7 =	simm.s32 $0x3ED0  }
0xf7: {  	[tilespmem:s7], [sflag:$0x1] =	stream.linear.gather [hbm4b:s6+s4], $0x70, $0x38;
	[tilespmem:$0xA8C0] =	vst v63  }
0xf8: {  	s30 =	sadd.s32 $0xE0, s2;
	s31 =	simm.s32 $0x4110  }
0xf9: {  	[tilespmem:s31], [sflag:$0x1] =	stream.linear.gather [hbm4b:s30+s4], $0x70, $0x38;
	[tilespmem:$0xA8C0] =	vst v63  }
0xfa: {  	s2 =	sadd.s32 $0xF0, s2;
	s6 =	simm.s32 $0x4350  }
0xfb: {  	[tilespmem:s6], [sflag:$0x1] =	stream.linear.gather [hbm4b:s2+s4], $0x70, $0x38;
	[tilespmem:$0xA8C0] =	vst v63  }
0xfc: {  	s7 =	simm.s32 $0x2200;
	s2 =	rddreg [dreg:$0xc]  }
0xfd: {  	[tilespmem:s7], [sflag:$0x1] =	stream.linear.gather [hbm4b:s2+s4], $0x80, $0x38;
	[tilespmem:$0xA8C0] =	vst v63  }
0xfe: {  	s31 =	simm.s32 $0x2440;
	s30 =	sadd.s32 $0x10, s2  }
0xff: {  	[tilespmem:s31], [sflag:$0x1] =	stream.linear.gather [hbm4b:s30+s4], $0x80, $0x38;
	[tilespmem:$0xA8C0] =	vst v63  }
0x100: {  	s6 =	sadd.s32 $0x20, s2;
	s7 =	simm.s32 $0x2680  }
0x101: {  	[tilespmem:s7], [sflag:$0x1] =	stream.linear.gather [hbm4b:s6+s4], $0x80, $0x38;
	[tilespmem:$0xA8C0] =	vst v63  }
0x102: {  	s30 =	sadd.s32 $0x30, s2;
	s31 =	simm.s32 $0x28C0  }
0x103: {  	[tilespmem:s31], [sflag:$0x1] =	stream.linear.gather [hbm4b:s30+s4], $0x80, $0x38;
	[tilespmem:$0xA8C0] =	vst v63  }
0x104: {  	s6 =	sadd.s32 $0x40, s2;
	s7 =	simm.s32 $0x2B00  }
0x105: {  	[tilespmem:s7], [sflag:$0x1] =	stream.linear.gather [hbm4b:s6+s4], $0x80, $0x38;
	[tilespmem:$0xA8C0] =	vst v63  }
0x106: {  	s30 =	sadd.s32 $0x50, s2;
	s31 =	simm.s32 $0x2D40  }
0x107: {  	[tilespmem:s31], [sflag:$0x1] =	stream.linear.gather [hbm4b:s30+s4], $0x80, $0x38;
	[tilespmem:$0xA8C0] =	vst v63  }
0x108: {  	s6 =	sadd.s32 $0x60, s2;
	s7 =	simm.s32 $0x2F80  }
0x109: {  	[tilespmem:s7], [sflag:$0x1] =	stream.linear.gather [hbm4b:s6+s4], $0x80, $0x38;
	[tilespmem:$0xA8C0] =	vst v63  }
0x10a: {  	s30 =	sadd.s32 $0x70, s2;
	s31 =	simm.s32 $0x31C0  }
0x10b: {  	[tilespmem:s31], [sflag:$0x1] =	stream.linear.gather [hbm4b:s30+s4], $0x80, $0x38;
	[tilespmem:$0xA8C0] =	vst v63  }
0x10c: {  	s6 =	sadd.s32 $0x80, s2;
	s7 =	simm.s32 $0x3400  }
0x10d: {  	[tilespmem:s7], [sflag:$0x1] =	stream.linear.gather [hbm4b:s6+s4], $0x80, $0x38;
	[tilespmem:$0xA8C0] =	vst v63  }
0x10e: {  	s30 =	sadd.s32 $0x90, s2;
	s31 =	simm.s32 $0x3640  }
0x10f: {  	[tilespmem:s31], [sflag:$0x1] =	stream.linear.gather [hbm4b:s30+s4], $0x80, $0x38;
	[tilespmem:$0xA8C0] =	vst v63  }
0x110: {  	s6 =	sadd.s32 $0xA0, s2;
	s7 =	simm.s32 $0x3880  }
0x111: {  	[tilespmem:s7], [sflag:$0x1] =	stream.linear.gather [hbm4b:s6+s4], $0x80, $0x38;
	[tilespmem:$0xA8C0] =	vst v63  }
0x112: {  	s30 =	sadd.s32 $0xB0, s2;
	s31 =	simm.s32 $0x3AC0  }
0x113: {  	[tilespmem:s31], [sflag:$0x1] =	stream.linear.gather [hbm4b:s30+s4], $0x80, $0x38;
	[tilespmem:$0xA8C0] =	vst v63  }
0x114: {  	s6 =	sadd.s32 $0xC0, s2;
	s7 =	simm.s32 $0x3D00  }
0x115: {  	[tilespmem:s7], [sflag:$0x1] =	stream.linear.gather [hbm4b:s6+s4], $0x80, $0x38;
	[tilespmem:$0xA8C0] =	vst v63  }
0x116: {  	s30 =	sadd.s32 $0xD0, s2;
	s31 =	simm.s32 $0x3F40  }
0x117: {  	[tilespmem:s31], [sflag:$0x1] =	stream.linear.gather [hbm4b:s30+s4], $0x80, $0x38;
	[tilespmem:$0xA8C0] =	vst v63  }
0x118: {  	s6 =	sadd.s32 $0xE0, s2;
	s7 =	simm.s32 $0x4180  }
0x119: {  	[tilespmem:s7], [sflag:$0x1] =	stream.linear.gather [hbm4b:s6+s4], $0x80, $0x38;
	[tilespmem:$0xA8C0] =	vst v63  }
0x11a: {  	s28 =	simm.s32 $0x0;
	s30 =	sadd.s32 $0xF0, s2;
	s31 =	simm.s32 $0x43C0  }
0x11b: {  	[tilespmem:s31], [sflag:$0x1] =	stream.linear.gather [hbm4b:s30+s4], $0x80, $0x38;
	[tilespmem:$0xA8C0] =	vst v63  }
.LBB2_2:
0x11c: {  	s0 =	sshll.u32 s28, $0x1  }
0x11d: {  	s31 =	sor.u32 s5, s0  }
0x11e: {  	s30 =	sshll.u32 s31, $0xB  }
0x11f: {  	s0 =	sadd.s32 s30, s15  }
0x120: {  	[tilespmem:s23], [sflag:$0x1] =	stream.linear.gather [hbm4b:s0+s4], $0x10, $0x38;
	[tilespmem:$0xA8C0] =	vst v63  }
0x121: {  	s6 =	simm.s32 $0x4680;
	s2 =	sadd.s32 $0x10, s0  }
0x122: {  	[tilespmem:s6], [sflag:$0x1] =	stream.linear.gather [hbm4b:s2+s4], $0x10, $0x38;
	[tilespmem:$0xA8C0] =	vst v63  }
0x123: {  	s7 =	simm.s32 $0x48C0;
	s6 =	sadd.s32 $0x20, s0  }
0x124: {  	[tilespmem:s7], [sflag:$0x1] =	stream.linear.gather [hbm4b:s6+s4], $0x10, $0x38;
	[tilespmem:$0xA8C0] =	vst v63  }
0x125: {  	s6 =	sadd.s32 $0x30, s0;
	s7 =	simm.s32 $0x4B00  }
0x126: {  	[tilespmem:s7], [sflag:$0x1] =	stream.linear.gather [hbm4b:s6+s4], $0x10, $0x38;
	[tilespmem:$0xA8C0] =	vst v63  }
0x127: {  	s6 =	sadd.s32 $0x40, s0;
	s7 =	simm.s32 $0x4D40  }
0x128: {  	[tilespmem:s7], [sflag:$0x1] =	stream.linear.gather [hbm4b:s6+s4], $0x10, $0x38;
	[tilespmem:$0xA8C0] =	vst v63  }
0x129: {  	s6 =	sadd.s32 $0x50, s0;
	s7 =	simm.s32 $0x4F80  }
0x12a: {  	[tilespmem:s7], [sflag:$0x1] =	stream.linear.gather [hbm4b:s6+s4], $0x10, $0x38;
	[tilespmem:$0xA8C0] =	vst v63  }
0x12b: {  	s6 =	sadd.s32 $0x60, s0;
	s7 =	simm.s32 $0x51C0  }
0x12c: {  	[tilespmem:s7], [sflag:$0x1] =	stream.linear.gather [hbm4b:s6+s4], $0x10, $0x38;
	[tilespmem:$0xA8C0] =	vst v63  }
0x12d: {  	s6 =	sadd.s32 $0x70, s0;
	s7 =	simm.s32 $0x5400  }
0x12e: {  	[tilespmem:s7], [sflag:$0x1] =	stream.linear.gather [hbm4b:s6+s4], $0x10, $0x38;
	[tilespmem:$0xA8C0] =	vst v63  }
0x12f: {  	s6 =	sadd.s32 $0x80, s0;
	s7 =	simm.s32 $0x5640  }
0x130: {  	[tilespmem:s7], [sflag:$0x1] =	stream.linear.gather [hbm4b:s6+s4], $0x10, $0x38;
	[tilespmem:$0xA8C0] =	vst v63  }
0x131: {  	s6 =	sadd.s32 $0x90, s0;
	s7 =	simm.s32 $0x5880  }
0x132: {  	[tilespmem:s7], [sflag:$0x1] =	stream.linear.gather [hbm4b:s6+s4], $0x10, $0x38;
	[tilespmem:$0xA8C0] =	vst v63  }
0x133: {  	s6 =	sadd.s32 $0xA0, s0;
	s7 =	simm.s32 $0x5AC0  }
0x134: {  	[tilespmem:s7], [sflag:$0x1] =	stream.linear.gather [hbm4b:s6+s4], $0x10, $0x38;
	[tilespmem:$0xA8C0] =	vst v63  }
0x135: {  	s6 =	sadd.s32 $0xB0, s0;
	s7 =	simm.s32 $0x5D00  }
0x136: {  	[tilespmem:s7], [sflag:$0x1] =	stream.linear.gather [hbm4b:s6+s4], $0x10, $0x38;
	[tilespmem:$0xA8C0] =	vst v63  }
0x137: {  	s6 =	sadd.s32 $0xC0, s0;
	s7 =	simm.s32 $0x5F40  }
0x138: {  	[tilespmem:s7], [sflag:$0x1] =	stream.linear.gather [hbm4b:s6+s4], $0x10, $0x38;
	[tilespmem:$0xA8C0] =	vst v63  }
0x139: {  	s6 =	sadd.s32 $0xD0, s0;
	s7 =	simm.s32 $0x6180  }
0x13a: {  	[tilespmem:s7], [sflag:$0x1] =	stream.linear.gather [hbm4b:s6+s4], $0x10, $0x38;
	[tilespmem:$0xA8C0] =	vst v63  }
0x13b: {  	s6 =	sadd.s32 $0xE0, s0;
	s7 =	simm.s32 $0x63C0  }
0x13c: {  	[tilespmem:s7], [sflag:$0x1] =	stream.linear.gather [hbm4b:s6+s4], $0x10, $0x38;
	[tilespmem:$0xA8C0] =	vst v63  }
0x13d: {  	s0 =	sadd.s32 $0xF0, s0;
	s6 =	simm.s32 $0x6600  }
0x13e: {  	[tilespmem:s6], [sflag:$0x1] =	stream.linear.gather [hbm4b:s0+s4], $0x10, $0x38;
	[tilespmem:$0xA8C0] =	vst v63  }
0x13f: {  	s7 =	simm.s32 $0x4450;
	s0 =	sadd.s32 s30, s16  }
0x140: {  	[tilespmem:s7], [sflag:$0x1] =	stream.linear.gather [hbm4b:s0+s4], $0x20, $0x38;
	[tilespmem:$0xA8C0] =	vst v63  }
0x141: {  	s6 =	sadd.s32 $0x10, s0;
	s7 =	simm.s32 $0x4690  }
0x142: {  	[tilespmem:s7], [sflag:$0x1] =	stream.linear.gather [hbm4b:s6+s4], $0x20, $0x38;
	[tilespmem:$0xA8C0] =	vst v63  }
0x143: {  	s6 =	sadd.s32 $0x20, s0;
	s7 =	simm.s32 $0x48D0  }
0x144: {  	[tilespmem:s7], [sflag:$0x1] =	stream.linear.gather [hbm4b:s6+s4], $0x20, $0x38;
	[tilespmem:$0xA8C0] =	vst v63  }
0x145: {  	s6 =	sadd.s32 $0x30, s0;
	s7 =	simm.s32 $0x4B10  }
0x146: {  	[tilespmem:s7], [sflag:$0x1] =	stream.linear.gather [hbm4b:s6+s4], $0x20, $0x38;
	[tilespmem:$0xA8C0] =	vst v63  }
0x147: {  	s6 =	sadd.s32 $0x40, s0;
	s7 =	simm.s32 $0x4D50  }
0x148: {  	[tilespmem:s7], [sflag:$0x1] =	stream.linear.gather [hbm4b:s6+s4], $0x20, $0x38;
	[tilespmem:$0xA8C0] =	vst v63  }
0x149: {  	s6 =	sadd.s32 $0x50, s0;
	s7 =	simm.s32 $0x4F90  }
0x14a: {  	[tilespmem:s7], [sflag:$0x1] =	stream.linear.gather [hbm4b:s6+s4], $0x20, $0x38;
	[tilespmem:$0xA8C0] =	vst v63  }
0x14b: {  	s6 =	sadd.s32 $0x60, s0;
	s7 =	simm.s32 $0x51D0  }
0x14c: {  	[tilespmem:s7], [sflag:$0x1] =	stream.linear.gather [hbm4b:s6+s4], $0x20, $0x38;
	[tilespmem:$0xA8C0] =	vst v63  }
0x14d: {  	s6 =	sadd.s32 $0x70, s0;
	s7 =	simm.s32 $0x5410  }
0x14e: {  	[tilespmem:s7], [sflag:$0x1] =	stream.linear.gather [hbm4b:s6+s4], $0x20, $0x38;
	[tilespmem:$0xA8C0] =	vst v63  }
0x14f: {  	s6 =	sadd.s32 $0x80, s0;
	s7 =	simm.s32 $0x5650  }
0x150: {  	[tilespmem:s7], [sflag:$0x1] =	stream.linear.gather [hbm4b:s6+s4], $0x20, $0x38;
	[tilespmem:$0xA8C0] =	vst v63  }
0x151: {  	s6 =	sadd.s32 $0x90, s0;
	s7 =	simm.s32 $0x5890  }
0x152: {  	[tilespmem:s7], [sflag:$0x1] =	stream.linear.gather [hbm4b:s6+s4], $0x20, $0x38;
	[tilespmem:$0xA8C0] =	vst v63  }
0x153: {  	s6 =	sadd.s32 $0xA0, s0;
	s7 =	simm.s32 $0x5AD0  }
0x154: {  	[tilespmem:s7], [sflag:$0x1] =	stream.linear.gather [hbm4b:s6+s4], $0x20, $0x38;
	[tilespmem:$0xA8C0] =	vst v63  }
0x155: {  	s6 =	sadd.s32 $0xB0, s0;
	s7 =	simm.s32 $0x5D10  }
0x156: {  	[tilespmem:s7], [sflag:$0x1] =	stream.linear.gather [hbm4b:s6+s4], $0x20, $0x38;
	[tilespmem:$0xA8C0] =	vst v63  }
0x157: {  	s6 =	sadd.s32 $0xC0, s0;
	s7 =	simm.s32 $0x5F50  }
0x158: {  	[tilespmem:s7], [sflag:$0x1] =	stream.linear.gather [hbm4b:s6+s4], $0x20, $0x38;
	[tilespmem:$0xA8C0] =	vst v63  }
0x159: {  	s6 =	sadd.s32 $0xD0, s0;
	s7 =	simm.s32 $0x6190  }
0x15a: {  	[tilespmem:s7], [sflag:$0x1] =	stream.linear.gather [hbm4b:s6+s4], $0x20, $0x38;
	[tilespmem:$0xA8C0] =	vst v63  }
0x15b: {  	s6 =	sadd.s32 $0xE0, s0;
	s7 =	simm.s32 $0x63D0  }
0x15c: {  	[tilespmem:s7], [sflag:$0x1] =	stream.linear.gather [hbm4b:s6+s4], $0x20, $0x38;
	[tilespmem:$0xA8C0] =	vst v63  }
0x15d: {  	s0 =	sadd.s32 $0xF0, s0;
	s6 =	simm.s32 $0x6610  }
0x15e: {  	[tilespmem:s6], [sflag:$0x1] =	stream.linear.gather [hbm4b:s0+s4], $0x20, $0x38;
	[tilespmem:$0xA8C0] =	vst v63  }
0x15f: {  	s7 =	simm.s32 $0x4470;
	s0 =	sadd.s32 s30, s17  }
0x160: {  	[tilespmem:s7], [sflag:$0x1] =	stream.linear.gather [hbm4b:s0+s4], $0x30, $0x38;
	[tilespmem:$0xA8C0] =	vst v63  }
0x161: {  	s6 =	sadd.s32 $0x10, s0;
	s7 =	simm.s32 $0x46B0  }
0x162: {  	[tilespmem:s7], [sflag:$0x1] =	stream.linear.gather [hbm4b:s6+s4], $0x30, $0x38;
	[tilespmem:$0xA8C0] =	vst v63  }
0x163: {  	s6 =	sadd.s32 $0x20, s0;
	s7 =	simm.s32 $0x48F0  }
0x164: {  	[tilespmem:s7], [sflag:$0x1] =	stream.linear.gather [hbm4b:s6+s4], $0x30, $0x38;
	[tilespmem:$0xA8C0] =	vst v63  }
0x165: {  	s6 =	sadd.s32 $0x30, s0;
	s7 =	simm.s32 $0x4B30  }
0x166: {  	[tilespmem:s7], [sflag:$0x1] =	stream.linear.gather [hbm4b:s6+s4], $0x30, $0x38;
	[tilespmem:$0xA8C0] =	vst v63  }
0x167: {  	s6 =	sadd.s32 $0x40, s0;
	s7 =	simm.s32 $0x4D70  }
0x168: {  	[tilespmem:s7], [sflag:$0x1] =	stream.linear.gather [hbm4b:s6+s4], $0x30, $0x38;
	[tilespmem:$0xA8C0] =	vst v63  }
0x169: {  	s6 =	sadd.s32 $0x50, s0;
	s7 =	simm.s32 $0x4FB0  }
0x16a: {  	[tilespmem:s7], [sflag:$0x1] =	stream.linear.gather [hbm4b:s6+s4], $0x30, $0x38;
	[tilespmem:$0xA8C0] =	vst v63  }
0x16b: {  	s6 =	sadd.s32 $0x60, s0;
	s7 =	simm.s32 $0x51F0  }
0x16c: {  	[tilespmem:s7], [sflag:$0x1] =	stream.linear.gather [hbm4b:s6+s4], $0x30, $0x38;
	[tilespmem:$0xA8C0] =	vst v63  }
0x16d: {  	s6 =	sadd.s32 $0x70, s0;
	s7 =	simm.s32 $0x5430  }
0x16e: {  	[tilespmem:s7], [sflag:$0x1] =	stream.linear.gather [hbm4b:s6+s4], $0x30, $0x38;
	[tilespmem:$0xA8C0] =	vst v63  }
0x16f: {  	s6 =	sadd.s32 $0x80, s0;
	s7 =	simm.s32 $0x5670  }
0x170: {  	[tilespmem:s7], [sflag:$0x1] =	stream.linear.gather [hbm4b:s6+s4], $0x30, $0x38;
	[tilespmem:$0xA8C0] =	vst v63  }
0x171: {  	s6 =	sadd.s32 $0x90, s0;
	s7 =	simm.s32 $0x58B0  }
0x172: {  	[tilespmem:s7], [sflag:$0x1] =	stream.linear.gather [hbm4b:s6+s4], $0x30, $0x38;
	[tilespmem:$0xA8C0] =	vst v63  }
0x173: {  	s6 =	sadd.s32 $0xA0, s0;
	s7 =	simm.s32 $0x5AF0  }
0x174: {  	[tilespmem:s7], [sflag:$0x1] =	stream.linear.gather [hbm4b:s6+s4], $0x30, $0x38;
	[tilespmem:$0xA8C0] =	vst v63  }
0x175: {  	s6 =	sadd.s32 $0xB0, s0;
	s7 =	simm.s32 $0x5D30  }
0x176: {  	[tilespmem:s7], [sflag:$0x1] =	stream.linear.gather [hbm4b:s6+s4], $0x30, $0x38;
	[tilespmem:$0xA8C0] =	vst v63  }
0x177: {  	s6 =	sadd.s32 $0xC0, s0;
	s7 =	simm.s32 $0x5F70  }
0x178: {  	[tilespmem:s7], [sflag:$0x1] =	stream.linear.gather [hbm4b:s6+s4], $0x30, $0x38;
	[tilespmem:$0xA8C0] =	vst v63  }
0x179: {  	s6 =	sadd.s32 $0xD0, s0;
	s7 =	simm.s32 $0x61B0  }
0x17a: {  	[tilespmem:s7], [sflag:$0x1] =	stream.linear.gather [hbm4b:s6+s4], $0x30, $0x38;
	[tilespmem:$0xA8C0] =	vst v63  }
0x17b: {  	s6 =	sadd.s32 $0xE0, s0;
	s7 =	simm.s32 $0x63F0  }
0x17c: {  	[tilespmem:s7], [sflag:$0x1] =	stream.linear.gather [hbm4b:s6+s4], $0x30, $0x38;
	[tilespmem:$0xA8C0] =	vst v63  }
0x17d: {  	s0 =	sadd.s32 $0xF0, s0;
	s6 =	simm.s32 $0x6630  }
0x17e: {  	[tilespmem:s6], [sflag:$0x1] =	stream.linear.gather [hbm4b:s0+s4], $0x30, $0x38;
	[tilespmem:$0xA8C0] =	vst v63  }
0x17f: {  	s7 =	simm.s32 $0x44A0;
	s0 =	sadd.s32 s30, s18  }
0x180: {  	[tilespmem:s7], [sflag:$0x1] =	stream.linear.gather [hbm4b:s0+s4], $0x40, $0x38;
	[tilespmem:$0xA8C0] =	vst v63  }
0x181: {  	s6 =	sadd.s32 $0x10, s0;
	s7 =	simm.s32 $0x46E0  }
0x182: {  	[tilespmem:s7], [sflag:$0x1] =	stream.linear.gather [hbm4b:s6+s4], $0x40, $0x38;
	[tilespmem:$0xA8C0] =	vst v63  }
0x183: {  	s6 =	sadd.s32 $0x20, s0;
	s7 =	simm.s32 $0x4920  }
0x184: {  	[tilespmem:s7], [sflag:$0x1] =	stream.linear.gather [hbm4b:s6+s4], $0x40, $0x38;
	[tilespmem:$0xA8C0] =	vst v63  }
0x185: {  	s6 =	sadd.s32 $0x30, s0;
	s7 =	simm.s32 $0x4B60  }
0x186: {  	[tilespmem:s7], [sflag:$0x1] =	stream.linear.gather [hbm4b:s6+s4], $0x40, $0x38;
	[tilespmem:$0xA8C0] =	vst v63  }
0x187: {  	s6 =	sadd.s32 $0x40, s0;
	s7 =	simm.s32 $0x4DA0  }
0x188: {  	[tilespmem:s7], [sflag:$0x1] =	stream.linear.gather [hbm4b:s6+s4], $0x40, $0x38;
	[tilespmem:$0xA8C0] =	vst v63  }
0x189: {  	s6 =	sadd.s32 $0x50, s0;
	s7 =	simm.s32 $0x4FE0  }
0x18a: {  	[tilespmem:s7], [sflag:$0x1] =	stream.linear.gather [hbm4b:s6+s4], $0x40, $0x38;
	[tilespmem:$0xA8C0] =	vst v63  }
0x18b: {  	s6 =	sadd.s32 $0x60, s0;
	s7 =	simm.s32 $0x5220  }
0x18c: {  	[tilespmem:s7], [sflag:$0x1] =	stream.linear.gather [hbm4b:s6+s4], $0x40, $0x38;
	[tilespmem:$0xA8C0] =	vst v63  }
0x18d: {  	s6 =	sadd.s32 $0x70, s0;
	s7 =	simm.s32 $0x5460  }
0x18e: {  	[tilespmem:s7], [sflag:$0x1] =	stream.linear.gather [hbm4b:s6+s4], $0x40, $0x38;
	[tilespmem:$0xA8C0] =	vst v63  }
0x18f: {  	s6 =	sadd.s32 $0x80, s0;
	s7 =	simm.s32 $0x56A0  }
0x190: {  	[tilespmem:s7], [sflag:$0x1] =	stream.linear.gather [hbm4b:s6+s4], $0x40, $0x38;
	[tilespmem:$0xA8C0] =	vst v63  }
0x191: {  	s6 =	sadd.s32 $0x90, s0;
	s7 =	simm.s32 $0x58E0  }
0x192: {  	[tilespmem:s7], [sflag:$0x1] =	stream.linear.gather [hbm4b:s6+s4], $0x40, $0x38;
	[tilespmem:$0xA8C0] =	vst v63  }
0x193: {  	s6 =	sadd.s32 $0xA0, s0;
	s7 =	simm.s32 $0x5B20  }
0x194: {  	[tilespmem:s7], [sflag:$0x1] =	stream.linear.gather [hbm4b:s6+s4], $0x40, $0x38;
	[tilespmem:$0xA8C0] =	vst v63  }
0x195: {  	s6 =	sadd.s32 $0xB0, s0;
	s7 =	simm.s32 $0x5D60  }
0x196: {  	[tilespmem:s7], [sflag:$0x1] =	stream.linear.gather [hbm4b:s6+s4], $0x40, $0x38;
	[tilespmem:$0xA8C0] =	vst v63  }
0x197: {  	s6 =	sadd.s32 $0xC0, s0;
	s7 =	simm.s32 $0x5FA0  }
0x198: {  	[tilespmem:s7], [sflag:$0x1] =	stream.linear.gather [hbm4b:s6+s4], $0x40, $0x38;
	[tilespmem:$0xA8C0] =	vst v63  }
0x199: {  	s6 =	sadd.s32 $0xD0, s0;
	s7 =	simm.s32 $0x61E0  }
0x19a: {  	[tilespmem:s7], [sflag:$0x1] =	stream.linear.gather [hbm4b:s6+s4], $0x40, $0x38;
	[tilespmem:$0xA8C0] =	vst v63  }
0x19b: {  	s6 =	sadd.s32 $0xE0, s0;
	s7 =	simm.s32 $0x6420  }
0x19c: {  	[tilespmem:s7], [sflag:$0x1] =	stream.linear.gather [hbm4b:s6+s4], $0x40, $0x38;
	[tilespmem:$0xA8C0] =	vst v63  }
0x19d: {  	s0 =	sadd.s32 $0xF0, s0;
	s6 =	simm.s32 $0x6660  }
0x19e: {  	[tilespmem:s6], [sflag:$0x1] =	stream.linear.gather [hbm4b:s0+s4], $0x40, $0x38;
	[tilespmem:$0xA8C0] =	vst v63  }
0x19f: {  	s7 =	simm.s32 $0x44E0;
	s0 =	sadd.s32 s30, s19  }
0x1a0: {  	[tilespmem:s7], [sflag:$0x1] =	stream.linear.gather [hbm4b:s0+s4], $0x50, $0x38;
	[tilespmem:$0xA8C0] =	vst v63  }
0x1a1: {  	s6 =	sadd.s32 $0x10, s0;
	s7 =	simm.s32 $0x4720  }
0x1a2: {  	[tilespmem:s7], [sflag:$0x1] =	stream.linear.gather [hbm4b:s6+s4], $0x50, $0x38;
	[tilespmem:$0xA8C0] =	vst v63  }
0x1a3: {  	s6 =	sadd.s32 $0x20, s0;
	s7 =	simm.s32 $0x4960  }
0x1a4: {  	[tilespmem:s7], [sflag:$0x1] =	stream.linear.gather [hbm4b:s6+s4], $0x50, $0x38;
	[tilespmem:$0xA8C0] =	vst v63  }
0x1a5: {  	s6 =	sadd.s32 $0x30, s0;
	s7 =	simm.s32 $0x4BA0  }
0x1a6: {  	[tilespmem:s7], [sflag:$0x1] =	stream.linear.gather [hbm4b:s6+s4], $0x50, $0x38;
	[tilespmem:$0xA8C0] =	vst v63  }
0x1a7: {  	s6 =	sadd.s32 $0x40, s0;
	s7 =	simm.s32 $0x4DE0  }
0x1a8: {  	[tilespmem:s7], [sflag:$0x1] =	stream.linear.gather [hbm4b:s6+s4], $0x50, $0x38;
	[tilespmem:$0xA8C0] =	vst v63  }
0x1a9: {  	s6 =	sadd.s32 $0x50, s0;
	s7 =	simm.s32 $0x5020  }
0x1aa: {  	[tilespmem:s7], [sflag:$0x1] =	stream.linear.gather [hbm4b:s6+s4], $0x50, $0x38;
	[tilespmem:$0xA8C0] =	vst v63  }
0x1ab: {  	s6 =	sadd.s32 $0x60, s0;
	s7 =	simm.s32 $0x5260  }
0x1ac: {  	[tilespmem:s7], [sflag:$0x1] =	stream.linear.gather [hbm4b:s6+s4], $0x50, $0x38;
	[tilespmem:$0xA8C0] =	vst v63  }
0x1ad: {  	s6 =	sadd.s32 $0x70, s0;
	s7 =	simm.s32 $0x54A0  }
0x1ae: {  	[tilespmem:s7], [sflag:$0x1] =	stream.linear.gather [hbm4b:s6+s4], $0x50, $0x38;
	[tilespmem:$0xA8C0] =	vst v63  }
0x1af: {  	s6 =	sadd.s32 $0x80, s0;
	s7 =	simm.s32 $0x56E0  }
0x1b0: {  	[tilespmem:s7], [sflag:$0x1] =	stream.linear.gather [hbm4b:s6+s4], $0x50, $0x38;
	[tilespmem:$0xA8C0] =	vst v63  }
0x1b1: {  	s6 =	sadd.s32 $0x90, s0;
	s7 =	simm.s32 $0x5920  }
0x1b2: {  	[tilespmem:s7], [sflag:$0x1] =	stream.linear.gather [hbm4b:s6+s4], $0x50, $0x38;
	[tilespmem:$0xA8C0] =	vst v63  }
0x1b3: {  	s6 =	sadd.s32 $0xA0, s0;
	s7 =	simm.s32 $0x5B60  }
0x1b4: {  	[tilespmem:s7], [sflag:$0x1] =	stream.linear.gather [hbm4b:s6+s4], $0x50, $0x38;
	[tilespmem:$0xA8C0] =	vst v63  }
0x1b5: {  	s6 =	sadd.s32 $0xB0, s0;
	s7 =	simm.s32 $0x5DA0  }
0x1b6: {  	[tilespmem:s7], [sflag:$0x1] =	stream.linear.gather [hbm4b:s6+s4], $0x50, $0x38;
	[tilespmem:$0xA8C0] =	vst v63  }
0x1b7: {  	s6 =	sadd.s32 $0xC0, s0;
	s7 =	simm.s32 $0x5FE0  }
0x1b8: {  	[tilespmem:s7], [sflag:$0x1] =	stream.linear.gather [hbm4b:s6+s4], $0x50, $0x38;
	[tilespmem:$0xA8C0] =	vst v63  }
0x1b9: {  	s6 =	sadd.s32 $0xD0, s0;
	s7 =	simm.s32 $0x6220  }
0x1ba: {  	[tilespmem:s7], [sflag:$0x1] =	stream.linear.gather [hbm4b:s6+s4], $0x50, $0x38;
	[tilespmem:$0xA8C0] =	vst v63  }
0x1bb: {  	s6 =	sadd.s32 $0xE0, s0;
	s7 =	simm.s32 $0x6460  }
0x1bc: {  	[tilespmem:s7], [sflag:$0x1] =	stream.linear.gather [hbm4b:s6+s4], $0x50, $0x38;
	[tilespmem:$0xA8C0] =	vst v63  }
0x1bd: {  	s0 =	sadd.s32 $0xF0, s0;
	s6 =	simm.s32 $0x66A0  }
0x1be: {  	[tilespmem:s6], [sflag:$0x1] =	stream.linear.gather [hbm4b:s0+s4], $0x50, $0x38;
	[tilespmem:$0xA8C0] =	vst v63  }
0x1bf: {  	s7 =	simm.s32 $0x4530;
	s0 =	sadd.s32 s30, s20  }
0x1c0: {  	[tilespmem:s7], [sflag:$0x1] =	stream.linear.gather [hbm4b:s0+s4], $0x60, $0x38;
	[tilespmem:$0xA8C0] =	vst v63  }
0x1c1: {  	s6 =	sadd.s32 $0x10, s0;
	s7 =	simm.s32 $0x4770  }
0x1c2: {  	[tilespmem:s7], [sflag:$0x1] =	stream.linear.gather [hbm4b:s6+s4], $0x60, $0x38;
	[tilespmem:$0xA8C0] =	vst v63  }
0x1c3: {  	s6 =	sadd.s32 $0x20, s0;
	s7 =	simm.s32 $0x49B0  }
0x1c4: {  	[tilespmem:s7], [sflag:$0x1] =	stream.linear.gather [hbm4b:s6+s4], $0x60, $0x38;
	[tilespmem:$0xA8C0] =	vst v63  }
0x1c5: {  	s6 =	sadd.s32 $0x30, s0;
	s7 =	simm.s32 $0x4BF0  }
0x1c6: {  	[tilespmem:s7], [sflag:$0x1] =	stream.linear.gather [hbm4b:s6+s4], $0x60, $0x38;
	[tilespmem:$0xA8C0] =	vst v63  }
0x1c7: {  	s6 =	sadd.s32 $0x40, s0;
	s7 =	simm.s32 $0x4E30  }
0x1c8: {  	[tilespmem:s7], [sflag:$0x1] =	stream.linear.gather [hbm4b:s6+s4], $0x60, $0x38;
	[tilespmem:$0xA8C0] =	vst v63  }
0x1c9: {  	s6 =	sadd.s32 $0x50, s0;
	s7 =	simm.s32 $0x5070  }
0x1ca: {  	[tilespmem:s7], [sflag:$0x1] =	stream.linear.gather [hbm4b:s6+s4], $0x60, $0x38;
	[tilespmem:$0xA8C0] =	vst v63  }
0x1cb: {  	s6 =	sadd.s32 $0x60, s0;
	s7 =	simm.s32 $0x52B0  }
0x1cc: {  	[tilespmem:s7], [sflag:$0x1] =	stream.linear.gather [hbm4b:s6+s4], $0x60, $0x38;
	[tilespmem:$0xA8C0] =	vst v63  }
0x1cd: {  	s6 =	sadd.s32 $0x70, s0;
	s7 =	simm.s32 $0x54F0  }
0x1ce: {  	[tilespmem:s7], [sflag:$0x1] =	stream.linear.gather [hbm4b:s6+s4], $0x60, $0x38;
	[tilespmem:$0xA8C0] =	vst v63  }
0x1cf: {  	s6 =	sadd.s32 $0x80, s0;
	s7 =	simm.s32 $0x5730  }
0x1d0: {  	[tilespmem:s7], [sflag:$0x1] =	stream.linear.gather [hbm4b:s6+s4], $0x60, $0x38;
	[tilespmem:$0xA8C0] =	vst v63  }
0x1d1: {  	s6 =	sadd.s32 $0x90, s0;
	s7 =	simm.s32 $0x5970  }
0x1d2: {  	[tilespmem:s7], [sflag:$0x1] =	stream.linear.gather [hbm4b:s6+s4], $0x60, $0x38;
	[tilespmem:$0xA8C0] =	vst v63  }
0x1d3: {  	s6 =	sadd.s32 $0xA0, s0;
	s7 =	simm.s32 $0x5BB0  }
0x1d4: {  	[tilespmem:s7], [sflag:$0x1] =	stream.linear.gather [hbm4b:s6+s4], $0x60, $0x38;
	[tilespmem:$0xA8C0] =	vst v63  }
0x1d5: {  	s6 =	sadd.s32 $0xB0, s0;
	s7 =	simm.s32 $0x5DF0  }
0x1d6: {  	[tilespmem:s7], [sflag:$0x1] =	stream.linear.gather [hbm4b:s6+s4], $0x60, $0x38;
	[tilespmem:$0xA8C0] =	vst v63  }
0x1d7: {  	s6 =	sadd.s32 $0xC0, s0;
	s7 =	simm.s32 $0x6030  }
0x1d8: {  	[tilespmem:s7], [sflag:$0x1] =	stream.linear.gather [hbm4b:s6+s4], $0x60, $0x38;
	[tilespmem:$0xA8C0] =	vst v63  }
0x1d9: {  	s6 =	sadd.s32 $0xD0, s0;
	s7 =	simm.s32 $0x6270  }
0x1da: {  	[tilespmem:s7], [sflag:$0x1] =	stream.linear.gather [hbm4b:s6+s4], $0x60, $0x38;
	[tilespmem:$0xA8C0] =	vst v63  }
0x1db: {  	s6 =	sadd.s32 $0xE0, s0;
	s7 =	simm.s32 $0x64B0  }
0x1dc: {  	[tilespmem:s7], [sflag:$0x1] =	stream.linear.gather [hbm4b:s6+s4], $0x60, $0x38;
	[tilespmem:$0xA8C0] =	vst v63  }
0x1dd: {  	s0 =	sadd.s32 $0xF0, s0;
	s6 =	simm.s32 $0x66F0  }
0x1de: {  	[tilespmem:s6], [sflag:$0x1] =	stream.linear.gather [hbm4b:s0+s4], $0x60, $0x38;
	[tilespmem:$0xA8C0] =	vst v63  }
0x1df: {  	s7 =	simm.s32 $0x4590;
	s0 =	sadd.s32 s30, s21  }
0x1e0: {  	[tilespmem:s7], [sflag:$0x1] =	stream.linear.gather [hbm4b:s0+s4], $0x70, $0x38;
	[tilespmem:$0xA8C0] =	vst v63  }
0x1e1: {  	s6 =	sadd.s32 $0x10, s0;
	s7 =	simm.s32 $0x47D0  }
0x1e2: {  	[tilespmem:s7], [sflag:$0x1] =	stream.linear.gather [hbm4b:s6+s4], $0x70, $0x38;
	[tilespmem:$0xA8C0] =	vst v63  }
0x1e3: {  	s6 =	sadd.s32 $0x20, s0;
	s7 =	simm.s32 $0x4A10  }
0x1e4: {  	[tilespmem:s7], [sflag:$0x1] =	stream.linear.gather [hbm4b:s6+s4], $0x70, $0x38;
	[tilespmem:$0xA8C0] =	vst v63  }
0x1e5: {  	s6 =	sadd.s32 $0x30, s0;
	s7 =	simm.s32 $0x4C50  }
0x1e6: {  	[tilespmem:s7], [sflag:$0x1] =	stream.linear.gather [hbm4b:s6+s4], $0x70, $0x38;
	[tilespmem:$0xA8C0] =	vst v63  }
0x1e7: {  	s6 =	sadd.s32 $0x40, s0;
	s7 =	simm.s32 $0x4E90  }
0x1e8: {  	[tilespmem:s7], [sflag:$0x1] =	stream.linear.gather [hbm4b:s6+s4], $0x70, $0x38;
	[tilespmem:$0xA8C0] =	vst v63  }
0x1e9: {  	s6 =	sadd.s32 $0x50, s0;
	s7 =	simm.s32 $0x50D0  }
0x1ea: {  	[tilespmem:s7], [sflag:$0x1] =	stream.linear.gather [hbm4b:s6+s4], $0x70, $0x38;
	[tilespmem:$0xA8C0] =	vst v63  }
0x1eb: {  	s6 =	sadd.s32 $0x60, s0;
	s7 =	simm.s32 $0x5310  }
0x1ec: {  	[tilespmem:s7], [sflag:$0x1] =	stream.linear.gather [hbm4b:s6+s4], $0x70, $0x38;
	[tilespmem:$0xA8C0] =	vst v63  }
0x1ed: {  	s6 =	sadd.s32 $0x70, s0;
	s7 =	simm.s32 $0x5550  }
0x1ee: {  	[tilespmem:s7], [sflag:$0x1] =	stream.linear.gather [hbm4b:s6+s4], $0x70, $0x38;
	[tilespmem:$0xA8C0] =	vst v63  }
0x1ef: {  	s6 =	sadd.s32 $0x80, s0;
	s7 =	simm.s32 $0x5790  }
0x1f0: {  	[tilespmem:s7], [sflag:$0x1] =	stream.linear.gather [hbm4b:s6+s4], $0x70, $0x38;
	[tilespmem:$0xA8C0] =	vst v63  }
0x1f1: {  	s6 =	sadd.s32 $0x90, s0;
	s7 =	simm.s32 $0x59D0  }
0x1f2: {  	[tilespmem:s7], [sflag:$0x1] =	stream.linear.gather [hbm4b:s6+s4], $0x70, $0x38;
	[tilespmem:$0xA8C0] =	vst v63  }
0x1f3: {  	s6 =	sadd.s32 $0xA0, s0;
	s7 =	simm.s32 $0x5C10  }
0x1f4: {  	[tilespmem:s7], [sflag:$0x1] =	stream.linear.gather [hbm4b:s6+s4], $0x70, $0x38;
	[tilespmem:$0xA8C0] =	vst v63  }
0x1f5: {  	s6 =	sadd.s32 $0xB0, s0;
	s7 =	simm.s32 $0x5E50  }
0x1f6: {  	[tilespmem:s7], [sflag:$0x1] =	stream.linear.gather [hbm4b:s6+s4], $0x70, $0x38;
	[tilespmem:$0xA8C0] =	vst v63  }
0x1f7: {  	s6 =	sadd.s32 $0xC0, s0;
	s7 =	simm.s32 $0x6090  }
0x1f8: {  	[tilespmem:s7], [sflag:$0x1] =	stream.linear.gather [hbm4b:s6+s4], $0x70, $0x38;
	[tilespmem:$0xA8C0] =	vst v63  }
0x1f9: {  	s6 =	sadd.s32 $0xD0, s0;
	s7 =	simm.s32 $0x62D0  }
0x1fa: {  	[tilespmem:s7], [sflag:$0x1] =	stream.linear.gather [hbm4b:s6+s4], $0x70, $0x38;
	[tilespmem:$0xA8C0] =	vst v63  }
0x1fb: {  	s6 =	sadd.s32 $0xE0, s0;
	s7 =	simm.s32 $0x6510  }
0x1fc: {  	[tilespmem:s7], [sflag:$0x1] =	stream.linear.gather [hbm4b:s6+s4], $0x70, $0x38;
	[tilespmem:$0xA8C0] =	vst v63  }
0x1fd: {  	s0 =	sadd.s32 $0xF0, s0;
	s6 =	simm.s32 $0x6750  }
0x1fe: {  	[tilespmem:s6], [sflag:$0x1] =	stream.linear.gather [hbm4b:s0+s4], $0x70, $0x38;
	[tilespmem:$0xA8C0] =	vst v63  }
0x1ff: {  	s7 =	simm.s32 $0x4600;
	s0 =	sadd.s32 s30, s22  }
0x200: {  	[tilespmem:s7], [sflag:$0x1] =	stream.linear.gather [hbm4b:s0+s4], $0x80, $0x38;
	[tilespmem:$0xA8C0] =	vst v63  }
0x201: {  	s6 =	sadd.s32 $0x10, s0;
	s7 =	simm.s32 $0x4840  }
0x202: {  	[tilespmem:s7], [sflag:$0x1] =	stream.linear.gather [hbm4b:s6+s4], $0x80, $0x38;
	[tilespmem:$0xA8C0] =	vst v63  }
0x203: {  	s6 =	sadd.s32 $0x20, s0;
	s7 =	simm.s32 $0x4A80  }
0x204: {  	[tilespmem:s7], [sflag:$0x1] =	stream.linear.gather [hbm4b:s6+s4], $0x80, $0x38;
	[tilespmem:$0xA8C0] =	vst v63  }
0x205: {  	s6 =	sadd.s32 $0x30, s0;
	s7 =	simm.s32 $0x4CC0  }
0x206: {  	[tilespmem:s7], [sflag:$0x1] =	stream.linear.gather [hbm4b:s6+s4], $0x80, $0x38;
	[tilespmem:$0xA8C0] =	vst v63  }
0x207: {  	s6 =	sadd.s32 $0x40, s0;
	s7 =	simm.s32 $0x4F00  }
0x208: {  	[tilespmem:s7], [sflag:$0x1] =	stream.linear.gather [hbm4b:s6+s4], $0x80, $0x38;
	[tilespmem:$0xA8C0] =	vst v63  }
0x209: {  	s6 =	sadd.s32 $0x50, s0;
	s7 =	simm.s32 $0x5140  }
0x20a: {  	[tilespmem:s7], [sflag:$0x1] =	stream.linear.gather [hbm4b:s6+s4], $0x80, $0x38;
	[tilespmem:$0xA8C0] =	vst v63  }
0x20b: {  	s6 =	sadd.s32 $0x60, s0;
	s7 =	simm.s32 $0x5380  }
0x20c: {  	[tilespmem:s7], [sflag:$0x1] =	stream.linear.gather [hbm4b:s6+s4], $0x80, $0x38;
	[tilespmem:$0xA8C0] =	vst v63  }
0x20d: {  	s6 =	sadd.s32 $0x70, s0;
	s7 =	simm.s32 $0x55C0  }
0x20e: {  	[tilespmem:s7], [sflag:$0x1] =	stream.linear.gather [hbm4b:s6+s4], $0x80, $0x38;
	[tilespmem:$0xA8C0] =	vst v63  }
0x20f: {  	s7 =	sadd.s32 $0x80, s0  }
0x210: {  	[tilespmem:s8], [sflag:$0x1] =	stream.linear.gather [hbm4b:s7+s4], $0x80, $0x38;
	[tilespmem:$0xA8C0] =	vst v63  }
0x211: {  	s6 =	sadd.s32 $0x90, s0  }
0x212: {  	[tilespmem:s9], [sflag:$0x1] =	stream.linear.gather [hbm4b:s6+s4], $0x80, $0x38;
	[tilespmem:$0xA8C0] =	vst v63  }
0x213: {  	s7 =	sadd.s32 $0xA0, s0  }
0x214: {  	[tilespmem:s10], [sflag:$0x1] =	stream.linear.gather [hbm4b:s7+s4], $0x80, $0x38;
	[tilespmem:$0xA8C0] =	vst v63  }
0x215: {  	s6 =	sadd.s32 $0xB0, s0  }
0x216: {  	[tilespmem:s11], [sflag:$0x1] =	stream.linear.gather [hbm4b:s6+s4], $0x80, $0x38;
	[tilespmem:$0xA8C0] =	vst v63  }
0x217: {  	s7 =	sadd.s32 $0xC0, s0  }
0x218: {  	[tilespmem:s12], [sflag:$0x1] =	stream.linear.gather [hbm4b:s7+s4], $0x80, $0x38;
	[tilespmem:$0xA8C0] =	vst v63  }
0x219: {  	s6 =	sadd.s32 $0xD0, s0  }
0x21a: {  	[tilespmem:s13], [sflag:$0x1] =	stream.linear.gather [hbm4b:s6+s4], $0x80, $0x38;
	[tilespmem:$0xA8C0] =	vst v63  }
0x21b: {  	s7 =	sadd.s32 $0xE0, s0  }
0x21c: {  	[tilespmem:s14], [sflag:$0x1] =	stream.linear.gather [hbm4b:s7+s4], $0x80, $0x38;
	[tilespmem:$0xA8C0] =	vst v63  }
0x21d: {  	s0 =	sadd.s32 $0xF0, s0  }
0x21e: {  	[tilespmem:s26], [sflag:$0x1] =	stream.linear.gather [hbm4b:s0+s4], $0x80, $0x38;
	[tilespmem:$0xA8C0] =	vst v63  }
0x21f: {  	_ =	swait.ge [sflag:s29], $0x100  }
0x220: {  	[sflag:s29] =	ssyncset.done $0x0  }
0x221: {  	[sflag:s29] =	ssyncadd.s32 $0xFFFFFF00  }
0x222: {  	_ =	swait.ge [sflag:s29], $0x200  }
0x223: {  	[sflag:s29] =	ssyncset.done $0x0  }
0x224: {  	[sflag:s29] =	ssyncadd.s32 $0xFFFFFE00  }
0x225: {  	_ =	swait.ge [sflag:s29], $0x300  }
0x226: {  	[sflag:s29] =	ssyncset.done $0x0  }
0x227: {  	[sflag:s29] =	ssyncadd.s32 $0xFFFFFD00  }
0x228: {  	_ =	swait.ge [sflag:s29], $0x400  }
0x229: {  	[sflag:s29] =	ssyncset.done $0x0  }
0x22a: {  	[sflag:s29] =	ssyncadd.s32 $0xFFFFFC00  }
0x22b: {  	_ =	swait.ge [sflag:s29], $0x500  }
0x22c: {  	[sflag:s29] =	ssyncset.done $0x0  }
0x22d: {  	[sflag:s29] =	ssyncadd.s32 $0xFFFFFB00  }
0x22e: {  	_ =	swait.ge [sflag:s29], $0x600  }
0x22f: {  	[sflag:s29] =	ssyncset.done $0x0  }
0x230: {  	[sflag:s29] =	ssyncadd.s32 $0xFFFFFA00  }
0x231: {  	_ =	swait.ge [sflag:s29], $0x700  }
0x232: {  	[sflag:s29] =	ssyncset.done $0x0  }
0x233: {  	[sflag:s29] =	ssyncadd.s32 $0xFFFFF900  }
0x234: {  	_ =	swait.ge [sflag:s29], $0x800  }
0x235: {  	p0 =	seq.s32 s28, $0x0;
	[sflag:s29] =	ssyncset.done $0x0  }
0x236: {  	s0 =	simm.s32 @!p0 $0x2;
	[sflag:s29] =	ssyncadd.s32 $0xFFFFF800  }
0x237: {  	_ =	swait.ge @!p0 [sflag:s0], $0x2040  }
0x238: {  	[sflag:s0] =	ssyncset.done @!p0 $0x0  }
0x239: {  	[sflag:s0] =	ssyncadd.s32 @!p0 $0xFFFFDFC0  }
0x23a: {  	v8 =	vld.idx.msk [tilespmem:v0+s25+$0x0], $0xffff;
	_ =	sdelay $0x4  }
0x23b: {  	[tilespmem:$0x6840] =	vst v8  }
0x23c: {  	v8 =	vld.idx.msk [tilespmem:v1+s25+$0x0], $0xffff;
	_ =	sdelay $0x4  }
0x23d: {  	[tilespmem:$0x6850] =	vst v8  }
0x23e: {  	v8 =	vld.idx.msk [tilespmem:v2+s25+$0x0], $0xffff;
	_ =	sdelay $0x4  }
0x23f: {  	[tilespmem:$0x6860] =	vst v8  }
0x240: {  	v8 =	vld.idx.msk [tilespmem:v3+s25+$0x0], $0xffff;
	_ =	sdelay $0x4  }
0x241: {  	[tilespmem:$0x6870] =	vst v8  }
0x242: {  	v8 =	vld.idx.msk [tilespmem:v4+s25+$0x0], $0xffff;
	_ =	sdelay $0x4  }
0x243: {  	[tilespmem:$0x6880] =	vst v8  }
0x244: {  	v8 =	vld.idx.msk [tilespmem:v5+s25+$0x0], $0xffff;
	_ =	sdelay $0x4  }
0x245: {  	[tilespmem:$0x6890] =	vst v8  }
0x246: {  	v8 =	vld.idx.msk [tilespmem:v6+s25+$0x0], $0xffff;
	_ =	sdelay $0x4  }
0x247: {  	[tilespmem:$0x68A0] =	vst v8  }
0x248: {  	v8 =	vld.idx.msk [tilespmem:v7+s25+$0x0], $0xffff;
	_ =	sdelay $0x4  }
0x249: {  	s6 =	simm.s32 $0xF0;
	[tilespmem:$0x68B0] =	vst v8  }
0x24a: {  	v8 =	vld [tilespmem:s6+$0xFFFFFFD0]  }
0x24b: {  	v9 =	vld [tilespmem:s6+$0xFFFFFFB0]  }
0x24c: {  	v10 =	vld [tilespmem:s6+$0xFFFFFFE0]  }
0x24d: {  	v11 =	vld [tilespmem:s6+$0xFFFFFFC0]  }
0x24e: {  	v12 =	vld [tilespmem:s6+$0xFFFFFFA0]  }
0x24f: {  	s7 =	simm.s32 $0x170  }
0x250: {  	v25 =	vld [tilespmem:s7+$0xFFFFFFD0]  }
0x251: {  	v13 =	vand.u32 $0x7, v9;
	v14 =	vshrl.u32 v8, $0x10  }
0x252: {  	v15 =	vand.u32 $0xFFF8, v8;
	v8 =	vand.u32 $0x7, v8;
	v17 =	vshrl.u32 v10, $0x10  }
0x253: {  	v16 =	vld [tilespmem:s6+$0x0];
	v19 =	vshrl.u32 v11, $0x10;
	v20 =	vshrl.u32 v12, $0x10;
	v22 =	vand.u32 $0xFFF8, v10  }
0x254: {  	v10 =	vand.u32 $0x7, v10;
	v23 =	vshrl.u32 v9, $0x10;
	v9 =	vand.u32 $0xFFF8, v9  }
0x255: {  	v18 =	vld [tilespmem:s6+$0xFFFFFF90];
	v27 =	vshrl.u32 v25, $0x10;
	v28 =	vand.u32 $0xFFF8, v25;
	v17 =	vmul.u32 $0x240, v17  }
0x256: {  	v21 =	vld [tilespmem:s6+$0xFFFFFFF0];
	v20 =	vmul.u32 $0x240, v20;
	v14 =	vmul.u32 $0x240, v14;
	v19 =	vmul.u32 $0x240, v19  }
0x257: {  	v17 =	vadd.s32 v22, v17;
	v22 =	vmul.u32 $0x240, v23;
	v23 =	vand.u32 $0xFFF8, v12  }
0x258: {  	v14 =	vadd.s32 v15, v14;
	v10 =	vor.u32 v10, v17;
	v17 =	vshrl.u32 v16, $0x10  }
0x259: {  	v20 =	vadd.s32 v23, v20;
	v26 =	vor.u32 v8, v14;
	v9 =	vadd.s32 v9, v22  }
0x25a: {  	v17 =	vmul.u32 $0x240, v17;
	v13 =	vor.u32 v13, v9;
	v9 =	vshrl.u32 v18, $0x10  }
0x25b: {  	v23 =	vld [tilespmem:s7+$0xFFFFFFB0];
	v8 =	vand.u32 $0xFFF8, v16;
	v22 =	vshrl.u32 v21, $0x10;
	v9 =	vmul.u32 $0x240, v9  }
0x25c: {  	v15 =	vmul.u32 $0x240, v22;
	v22 =	vand.u32 $0xFFF8, v18;
	v17 =	vadd.s32 v8, v17;
	v8 =	vld [tilespmem:s7+$0x0]  }
0x25d: {  	v27 =	vmul.u32 $0x240, v27;
	v24 =	vld.idx.msk [tilespmem:v10+s25+$0x0], $0xffff;
	v10 =	vand.u32 $0xFFF8, v21;
	v22 =	vadd.s32 v22, v9  }
0x25e: {  	v21 =	vand.u32 $0x7, v21;
	v9 =	vadd.s32 v10, v15;
	v10 =	vand.u32 $0xFFF8, v11;
	v15 =	vld [tilespmem:s7+$0xFFFFFFE0]  }
0x25f: {  	v11 =	vand.u32 $0x7, v11;
	v10 =	vadd.s32 v10, v19;
	v21 =	vor.u32 v21, v9;
	v9 =	vld [tilespmem:s7+$0xFFFFFFC0]  }
0x260: {  	v12 =	vand.u32 $0x7, v12;
	v16 =	vand.u32 $0x7, v16;
	v19 =	vor.u32 v11, v10;
	v10 =	vld [tilespmem:s7+$0xFFFFFFA0]  }
0x261: {  	v29 =	vor.u32 v12, v20;
	v12 =	vld [tilespmem:s7+$0xFFFFFFF0];
	v18 =	vand.u32 $0x7, v18;
	v17 =	vor.u32 v16, v17  }
0x262: {  	v18 =	vor.u32 v18, v22;
	v22 =	vand.u32 $0x7, v23;
	v14 =	vld.idx.msk [tilespmem:v13+s25+$0x0], $0xffff;
	v13 =	vand.u32 $0x7, v25  }
0x263: {  	v16 =	vld.idx.msk [tilespmem:v26+s25+$0x0], $0xffff;
	v63 =	vshrl.u32 v8, $0x10;
	v24 =	vmul.f32 $1.414213540e+00, v24;
	v25 =	vshrl.u32 v15, $0x10  }
0x264: {  	v11 =	vld [tilespmem:s7+$0xFFFFFF90];
	v30 =	vand.u32 $0xFFF8, v15;
	v31 =	vand.u32 $0x7, v15;
	v25 =	vmul.u32 $0x240, v25  }
0x265: {  	v20 =	vshrl.u32 v9, $0x10;
	v26 =	vshrl.u32 v10, $0x10;
	v15 =	vld.idx.msk [tilespmem:v19+s25+$0x0], $0xffff;
	v19 =	vshrl.u32 v23, $0x10  }
0x266: {  	v20 =	vmul.u32 $0x240, v20;
	v30 =	vadd.s32 v30, v25;
	v25 =	vld.idx.msk [tilespmem:v21+s25+$0x0], $0xffff;
	v19 =	vmul.u32 $0x240, v19  }
0x267: {  	s2 =	simm.s32 $0x6930;
	v32 =	vmul.u32 $0x240, v26;
	v26 =	vld.idx.msk [tilespmem:v18+s25+$0x0], $0xffff;
	v18 =	vand.u32 $0xFFF8, v23;
	v23 =	vor.u32 v31, v30  }
0x268: {  	s30 =	sshllo.u32 s28, $0x1;
	[tilespmem:s2+$0xFFFFFFE0] =	vst v24;
	v21 =	vand.u32 $0xFFF8, v10;
	v24 =	vadd.s32 v18, v19;
	v18 =	vmul.u32 $0x240, v63;
	v19 =	vld.idx.msk [tilespmem:v17+s25+$0x0], $0xffff  }
0x269: {  	s0 =	simm.s32 $0x6930;
	s6 =	simm.s32 $0x1F0;
	s7 =	simm.s32 $0x100;
	v17 =	vadd.s32 v21, v32;
	v21 =	vld.idx.msk [tilespmem:v29+s25+$0x0], $0xffff;
	v24 =	vor.u32 v22, v24;
	v22 =	vadd.s32 v28, v27  }
.LBB2_3:
0x26a: {  	v27 =	vld [tilespmem:s6+$0xFFFFFFD0];
	s7 =	sadd.s32 $0x80, s7;
	v28 =	vshrl.u32 v11, $0x10;
	v29 =	vshrl.u32 v12, $0x10;
	v14 =	vmul.f32 $1.414213540e+00, v14;
	s2 =	sadd.s32 $0x80, s2  }
0x26b: {  	v25 =	vmul.f32 $1.414213540e+00, v25;
	v30 =	vld [tilespmem:s6+$0xFFFFFFB0];
	p1 =	slt.u32 s7, $0x1F80;
	v28 =	vmul.u32 $0x240, v28;
	v29 =	vmul.u32 $0x240, v29  }
0x26c: {  	v31 =	vand.u32 $0xFFF8, v11;
	v32 =	vand.u32 $0xFFF8, v12;
	v26 =	vmul.f32 $1.414213540e+00, v26;
	v23 =	vld.idx.msk [tilespmem:v23+s25+$0x0], $0xffff;
	[tilespmem:s0+$0xFFFFFFB0] =	vst v14  }
0x26d: {  	v34 =	vand.u32 $0x7, v11;
	v33 =	vld [tilespmem:s6+$0xFFFFFFE0];
	v28 =	vadd.s32 v31, v28;
	v29 =	vadd.s32 v32, v29;
	[tilespmem:s0+$0xFFFFFFF0] =	vst v25  }
0x26e: {  	v25 =	vand.u32 $0x7, v12;
	v14 =	vld.idx.msk [tilespmem:v24+s25+$0x0], $0xffff;
	v24 =	vand.u32 $0xFFF8, v9;
	v9 =	vand.u32 $0x7, v9;
	[tilespmem:s0+$0xFFFFFF90] =	vst v26  }
0x26f: {  	v16 =	vmul.f32 $1.414213540e+00, v16;
	v21 =	vmul.f32 $1.414213540e+00, v21;
	v11 =	vld [tilespmem:s6+$0xFFFFFF90];
	v20 =	vadd.s32 v24, v20  }
0x270: {  	v22 =	vor.u32 v13, v22;
	v24 =	vor.u32 v25, v29;
	v12 =	vld [tilespmem:s6+$0xFFFFFFF0];
	v20 =	vor.u32 v9, v20  }
0x271: {  	v13 =	vmul.f32 $1.414213540e+00, v15;
	v15 =	vmul.f32 $1.414213540e+00, v19;
	v26 =	vor.u32 v34, v28;
	v9 =	vld [tilespmem:s6+$0xFFFFFFC0];
	[tilespmem:s0+$0xFFFFFFD0] =	vst v16  }
0x272: {  	v28 =	vand.u32 $0x7, v30;
	v16 =	vand.u32 $0xFFF8, v8;
	v19 =	vld [tilespmem:s6+$0xFFFFFFA0];
	[tilespmem:s0+$0xFFFFFFA0] =	vst v21  }
0x273: {  	v21 =	vmul.f32 $1.414213540e+00, v23;
	v23 =	vand.u32 $0x7, v8;
	v18 =	vadd.s32 v16, v18;
	[tilespmem:s0+$0xFFFFFFC0] =	vst v13  }
0x274: {  	v10 =	vand.u32 $0x7, v10;
	v29 =	vshrl.u32 v27, $0x10;
	v31 =	vand.u32 $0xFFF8, v27;
	v8 =	vld [tilespmem:s6+$0x0];
	[tilespmem:s0+$0x0] =	vst v15;
	s0 =	smov.u32 s2  }
0x275: {  	v13 =	vand.u32 $0x7, v27;
	v27 =	vor.u32 v10, v17;
	v15 =	vshrl.u32 v33, $0x10;
	[tilespmem:s2+$0xFFFFFFE0] =	vst v21  }
0x276: {  	v21 =	vmul.u32 $0x240, v15;
	v17 =	vshrl.u32 v9, $0x10;
	v16 =	vld.idx.msk [tilespmem:v22+s25+$0x0], $0xffff;
	v22 =	vor.u32 v23, v18  }
0x277: {  	v32 =	vand.u32 $0x7, v33;
	v23 =	vand.u32 $0xFFF8, v33;
	v18 =	vshrl.u32 v19, $0x10;
	v15 =	vld.idx.msk [tilespmem:v20+s25+$0x0], $0xffff;
	v10 =	vmovc v19  }
.Ltmp0:
0x278: {  	v19 =	vadd.s32 v23, v21;
	v33 =	vmul.u32 $0x240, v18;
	v18 =	vshrl.u32 v30, $0x10;
	v25 =	vld.idx.msk [tilespmem:v24+s25+$0x0], $0xffff;
	(pc) =	sbr.rel @p1 .LBB2_3-.Ltmp0, $4  }
0x279: {  	v29 =	vmul.u32 $0x240, v29;
	v21 =	vand.u32 $0xFFF8, v10;
	v18 =	vmul.u32 $0x240, v18;
	v26 =	vld.idx.msk [tilespmem:v26+s25+$0x0], $0xffff  }
0x27a: {  	v20 =	vand.u32 $0xFFF8, v30;
	v23 =	vor.u32 v32, v19;
	v19 =	vshrl.u32 v8, $0x10  }
0x27b: {  	v24 =	vadd.s32 v20, v18;
	v20 =	vmul.u32 $0x240, v17;
	v18 =	vmul.u32 $0x240, v19;
	v19 =	vld.idx.msk [tilespmem:v22+s25+$0x0], $0xffff  }
0x27c: {  	s6 =	sadd.s32 $0x80, s6;
	v17 =	vadd.s32 v21, v33;
	v22 =	vadd.s32 v31, v29;
	v24 =	vor.u32 v28, v24;
	v21 =	vld.idx.msk [tilespmem:v27+s25+$0x0], $0xffff  }
0x27d: {  	v27 =	vshrl.u32 v11, $0x10;
	v28 =	vshrl.u32 v12, $0x10  }
0x27e: {  	v14 =	vmul.f32 $1.414213540e+00, v14;
	v25 =	vmul.f32 $1.414213540e+00, v25;
	v29 =	vand.u32 $0xFFF8, v11  }
0x27f: {  	v30 =	vand.u32 $0xFFF8, v12;
	v41 =	vand.u32 $0x7, v12;
	v43 =	vand.u32 $0xFFF8, v9  }
0x280: {  	v44 =	vand.u32 $0x7, v9;
	v13 =	vor.u32 v13, v22;
	v10 =	vand.u32 $0x7, v10  }
0x281: {  	v46 =	vmul.f32 $1.414213540e+00, v16;
	v47 =	vand.u32 $0xFFF8, v8;
	v8 =	vand.u32 $0x7, v8  }
0x282: {  	v28 =	vmul.u32 $0x240, v28;
	v20 =	vadd.s32 v43, v20;
	v10 =	vor.u32 v10, v17  }
0x283: {  	v27 =	vmul.u32 $0x240, v27;
	v16 =	vadd.s32 v47, v18;
	v9 =	vor.u32 v44, v20  }
0x284: {  	v42 =	vand.u32 $0x7, v11;
	v45 =	vld.idx.msk [tilespmem:v23+s25+$0x0], $0xffff;
	[tilespmem:s0+$0xFFFFFFB0] =	vst v14;
	v8 =	vor.u32 v8, v16;
	v28 =	vadd.s32 v30, v28  }
0x285: {  	v48 =	vld.idx.msk [tilespmem:v24+s25+$0x0], $0xffff;
	v15 =	vmul.f32 $1.414213540e+00, v15;
	[tilespmem:s0+$0xFFFFFFF0] =	vst v25;
	v27 =	vadd.s32 v29, v27;
	v12 =	vor.u32 v41, v28  }
0x286: {  	v26 =	vmul.f32 $1.414213540e+00, v26;
	[tilespmem:s0+$0xFFFFFFD0] =	vst v46;
	v11 =	vor.u32 v42, v27;
	v13 =	vld.idx.msk [tilespmem:v13+s25+$0x0], $0xffff  }
0x287: {  	[tilespmem:s0+$0xFFFFFFC0] =	vst v15;
	v50 =	vmul.f32 $1.414213540e+00, v19;
	v10 =	vld.idx.msk [tilespmem:v10+s25+$0x0], $0xffff  }
0x288: {  	[tilespmem:s0+$0xFFFFFF90] =	vst v26;
	v49 =	vmul.f32 $1.414213540e+00, v21;
	v9 =	vld.idx.msk [tilespmem:v9+s25+$0x0], $0xffff  }
0x289: {  	v51 =	vmul.f32 $1.414213540e+00, v45;
	[tilespmem:s0+$0x0] =	vst v50;
	v8 =	vld.idx.msk [tilespmem:v8+s25+$0x0], $0xffff  }
0x28a: {  	s2 =	sadd.s32 $0x80, s2;
	v52 =	vmul.f32 $1.414213540e+00, v48;
	[tilespmem:s0+$0xFFFFFFA0] =	vst v49;
	v12 =	vld.idx.msk [tilespmem:v12+s25+$0x0], $0xffff  }
0x28b: {  	[tilespmem:s2+$0xFFFFFFE0] =	vst v51;
	v11 =	vld.idx.msk [tilespmem:v11+s25+$0x0], $0xffff;
	v53 =	vmul.f32 $1.414213540e+00, v13  }
0x28c: {  	[tilespmem:s2+$0xFFFFFFB0] =	vst v52;
	v10 =	vmul.f32 $1.414213540e+00, v10  }
0x28d: {  	v9 =	vmul.f32 $1.414213540e+00, v9;
	[tilespmem:s2+$0xFFFFFFD0] =	vst v53  }
0x28e: {  	v8 =	vmul.f32 $1.414213540e+00, v8;
	[tilespmem:s2+$0xFFFFFFA0] =	vst v10  }
0x28f: {  	v12 =	vmul.f32 $1.414213540e+00, v12;
	[tilespmem:s2+$0xFFFFFFC0] =	vst v9  }
0x290: {  	v11 =	vmul.f32 $1.414213540e+00, v11;
	[tilespmem:s2+$0x0] =	vst v8  }
0x291: {  	[tilespmem:s2+$0xFFFFFFF0] =	vst v12  }
0x292: {  	[tilespmem:s2+$0xFFFFFF90] =	vst v11  }
0x293: {  	v8 =	vld [tilespmem:$0x2000];
	_ =	sdelay $0x4  }
0x294: {  	v54 =	vshrl.u32 v8, $0x10  }
0x295: {  	v9 =	vmul.u32 $0x240, v54  }
0x296: {  	v55 =	vand.u32 $0xFFF8, v8  }
0x297: {  	v56 =	vld [tilespmem:$0x2010];
	v8 =	vand.u32 $0x7, v8;
	v9 =	vadd.s32 v55, v9  }
0x298: {  	v8 =	vor.u32 v8, v9;
	_ =	sdelay $0x3  }
0x299: {  	v57 =	vshrl.u32 v56, $0x10  }
0x29a: {  	v9 =	vmul.u32 $0x240, v57;
	v8 =	vld.idx.msk [tilespmem:v8+s25+$0x0], $0xffff  }
0x29b: {  	v58 =	vand.u32 $0xFFF8, v56  }
0x29c: {  	v59 =	vld [tilespmem:$0x2020];
	v10 =	vand.u32 $0x7, v56;
	v9 =	vadd.s32 v58, v9  }
0x29d: {  	v9 =	vor.u32 v10, v9;
	_ =	sdelay $0x1  }
0x29e: {  	v8 =	vmul.f32 $1.414213540e+00, v8;
	_ =	sdelay $0x1  }
0x29f: {  	[tilespmem:$0x8840] =	vst v8;
	v8 =	vshrl.u32 v59, $0x10  }
0x2a0: {  	v9 =	vld.idx.msk [tilespmem:v9+s25+$0x0], $0xffff;
	v8 =	vmul.u32 $0x240, v8  }
0x2a1: {  	v60 =	vand.u32 $0xFFF8, v59  }
0x2a2: {  	v61 =	vld [tilespmem:$0x2030];
	v11 =	vand.u32 $0x7, v59;
	v8 =	vadd.s32 v60, v8  }
0x2a3: {  	v8 =	vor.u32 v11, v8;
	_ =	sdelay $0x1  }
0x2a4: {  	v9 =	vmul.f32 $1.414213540e+00, v9;
	_ =	sdelay $0x1  }
0x2a5: {  	v62 =	vshrl.u32 v61, $0x10;
	[tilespmem:$0x8850] =	vst v9  }
0x2a6: {  	v9 =	vmul.u32 $0x240, v62;
	v8 =	vld.idx.msk [tilespmem:v8+s25+$0x0], $0xffff  }
0x2a7: {  	v63 =	vand.u32 $0xFFF8, v61  }
0x2a8: {  	v10 =	vand.u32 $0x7, v61;
	v9 =	vadd.s32 v63, v9  }
0x2a9: {  	v9 =	vor.u32 v10, v9;
	_ =	sdelay $0x1  }
0x2aa: {  	v8 =	vmul.f32 $1.414213540e+00, v8;
	_ =	sdelay $0x1  }
0x2ab: {  	[tilespmem:$0x8860] =	vst v8  }
0x2ac: {  	v8 =	vld.idx.msk [tilespmem:v9+s25+$0x0], $0xffff;
	_ =	sdelay $0x2  }
0x2ad: {  	p1 =	seq.s32 s28, $0x3F  }
.Ltmp1:
0x2ae: {  	_ = 	snop;
	(pc) =	sbr.rel @p1 .LBB2_6-.Ltmp1, $3  }
0x2af: {  	s31 =	smul.u32 $0x408, s31;
	v8 =	vmul.f32 $1.414213540e+00, v8;
	_ =	sdelay $0x1  }
0x2b0: {  	s0 =	sadd.s32 s3, s31;
	[tilespmem:$0x8870] =	vst v8  }
0x2b1: {  	[hbm4b:s0+s4] =	stream.linear.scatter [tilespmem:s24], [sflag:$0x2], $0x2040, $0x38;
	[tilespmem:$0xA8C0] =	vst v63  }
0x2b2: {  	s0 =	sor.u32 s5, s30  }
0x2b3: {  	s0 =	sshll.u32 s0, $0xB  }
0x2b4: {  	s2 =	rddreg [dreg:$0x0];
	s0 =	sand.u32 $0x1FFFF800, s0  }
0x2b5: {  	s31 =	sadd.s32 s2, s0  }
0x2b6: {  	s0 =	sadd.s32 $0x800, s31  }
0x2b7: {  	[tilespmem:s25], [sflag:$0x1] =	stream.linear.gather [hbm4b:s0+s4], $0x10, $0x38;
	[tilespmem:$0xA8C0] =	vst v63  }
0x2b8: {  	s7 =	simm.s32 $0x2280;
	s6 =	sadd.s32 $0x810, s31  }
0x2b9: {  	[tilespmem:s7], [sflag:$0x1] =	stream.linear.gather [hbm4b:s6+s4], $0x10, $0x38;
	[tilespmem:$0xA8C0] =	vst v63  }
0x2ba: {  	s6 =	sadd.s32 $0x820, s31;
	s7 =	simm.s32 $0x24C0  }
0x2bb: {  	[tilespmem:s7], [sflag:$0x1] =	stream.linear.gather [hbm4b:s6+s4], $0x10, $0x38;
	[tilespmem:$0xA8C0] =	vst v63  }
0x2bc: {  	s6 =	sadd.s32 $0x830, s31;
	s7 =	simm.s32 $0x2700  }
0x2bd: {  	[tilespmem:s7], [sflag:$0x1] =	stream.linear.gather [hbm4b:s6+s4], $0x10, $0x38;
	[tilespmem:$0xA8C0] =	vst v63  }
0x2be: {  	s6 =	sadd.s32 $0x840, s31;
	s7 =	simm.s32 $0x2940  }
0x2bf: {  	[tilespmem:s7], [sflag:$0x1] =	stream.linear.gather [hbm4b:s6+s4], $0x10, $0x38;
	[tilespmem:$0xA8C0] =	vst v63  }
0x2c0: {  	s6 =	sadd.s32 $0x850, s31;
	s7 =	simm.s32 $0x2B80  }
0x2c1: {  	[tilespmem:s7], [sflag:$0x1] =	stream.linear.gather [hbm4b:s6+s4], $0x10, $0x38;
	[tilespmem:$0xA8C0] =	vst v63  }
0x2c2: {  	s6 =	sadd.s32 $0x860, s31;
	s7 =	simm.s32 $0x2DC0  }
0x2c3: {  	[tilespmem:s7], [sflag:$0x1] =	stream.linear.gather [hbm4b:s6+s4], $0x10, $0x38;
	[tilespmem:$0xA8C0] =	vst v63  }
0x2c4: {  	s6 =	sadd.s32 $0x870, s31;
	s7 =	simm.s32 $0x3000  }
0x2c5: {  	[tilespmem:s7], [sflag:$0x1] =	stream.linear.gather [hbm4b:s6+s4], $0x10, $0x38;
	[tilespmem:$0xA8C0] =	vst v63  }
0x2c6: {  	s6 =	sadd.s32 $0x880, s31;
	s7 =	simm.s32 $0x3240  }
0x2c7: {  	[tilespmem:s7], [sflag:$0x1] =	stream.linear.gather [hbm4b:s6+s4], $0x10, $0x38;
	[tilespmem:$0xA8C0] =	vst v63  }
0x2c8: {  	s6 =	sadd.s32 $0x890, s31;
	s7 =	simm.s32 $0x3480  }
0x2c9: {  	[tilespmem:s7], [sflag:$0x1] =	stream.linear.gather [hbm4b:s6+s4], $0x10, $0x38;
	[tilespmem:$0xA8C0] =	vst v63  }
0x2ca: {  	s6 =	sadd.s32 $0x8A0, s31;
	s7 =	simm.s32 $0x36C0  }
0x2cb: {  	[tilespmem:s7], [sflag:$0x1] =	stream.linear.gather [hbm4b:s6+s4], $0x10, $0x38;
	[tilespmem:$0xA8C0] =	vst v63  }
0x2cc: {  	s6 =	sadd.s32 $0x8B0, s31;
	s7 =	simm.s32 $0x3900  }
0x2cd: {  	[tilespmem:s7], [sflag:$0x1] =	stream.linear.gather [hbm4b:s6+s4], $0x10, $0x38;
	[tilespmem:$0xA8C0] =	vst v63  }
0x2ce: {  	s6 =	sadd.s32 $0x8C0, s31;
	s7 =	simm.s32 $0x3B40  }
0x2cf: {  	[tilespmem:s7], [sflag:$0x1] =	stream.linear.gather [hbm4b:s6+s4], $0x10, $0x38;
	[tilespmem:$0xA8C0] =	vst v63  }
0x2d0: {  	s6 =	sadd.s32 $0x8D0, s31;
	s7 =	simm.s32 $0x3D80  }
0x2d1: {  	[tilespmem:s7], [sflag:$0x1] =	stream.linear.gather [hbm4b:s6+s4], $0x10, $0x38;
	[tilespmem:$0xA8C0] =	vst v63  }
0x2d2: {  	s6 =	sadd.s32 $0x8E0, s31;
	s7 =	simm.s32 $0x3FC0  }
0x2d3: {  	[tilespmem:s7], [sflag:$0x1] =	stream.linear.gather [hbm4b:s6+s4], $0x10, $0x38;
	[tilespmem:$0xA8C0] =	vst v63  }
0x2d4: {  	s6 =	sadd.s32 $0x8F0, s31;
	s7 =	simm.s32 $0x4200  }
0x2d5: {  	[tilespmem:s7], [sflag:$0x1] =	stream.linear.gather [hbm4b:s6+s4], $0x10, $0x38;
	[tilespmem:$0xA8C0] =	vst v63  }
0x2d6: {  	s6 =	sadd.s32 $0x900, s31;
	s7 =	simm.s32 $0x2050  }
0x2d7: {  	[tilespmem:s7], [sflag:$0x1] =	stream.linear.gather [hbm4b:s6+s4], $0x20, $0x38;
	[tilespmem:$0xA8C0] =	vst v63  }
0x2d8: {  	s6 =	sadd.s32 $0x910, s31;
	s7 =	simm.s32 $0x2290  }
0x2d9: {  	[tilespmem:s7], [sflag:$0x1] =	stream.linear.gather [hbm4b:s6+s4], $0x20, $0x38;
	[tilespmem:$0xA8C0] =	vst v63  }
0x2da: {  	s6 =	sadd.s32 $0x920, s31;
	s7 =	simm.s32 $0x24D0  }
0x2db: {  	[tilespmem:s7], [sflag:$0x1] =	stream.linear.gather [hbm4b:s6+s4], $0x20, $0x38;
	[tilespmem:$0xA8C0] =	vst v63  }
0x2dc: {  	s6 =	sadd.s32 $0x930, s31;
	s7 =	simm.s32 $0x2710  }
0x2dd: {  	[tilespmem:s7], [sflag:$0x1] =	stream.linear.gather [hbm4b:s6+s4], $0x20, $0x38;
	[tilespmem:$0xA8C0] =	vst v63  }
0x2de: {  	s6 =	sadd.s32 $0x940, s31;
	s7 =	simm.s32 $0x2950  }
0x2df: {  	[tilespmem:s7], [sflag:$0x1] =	stream.linear.gather [hbm4b:s6+s4], $0x20, $0x38;
	[tilespmem:$0xA8C0] =	vst v63  }
0x2e0: {  	s6 =	sadd.s32 $0x950, s31;
	s7 =	simm.s32 $0x2B90  }
0x2e1: {  	[tilespmem:s7], [sflag:$0x1] =	stream.linear.gather [hbm4b:s6+s4], $0x20, $0x38;
	[tilespmem:$0xA8C0] =	vst v63  }
0x2e2: {  	s6 =	sadd.s32 $0x960, s31;
	s7 =	simm.s32 $0x2DD0  }
0x2e3: {  	[tilespmem:s7], [sflag:$0x1] =	stream.linear.gather [hbm4b:s6+s4], $0x20, $0x38;
	[tilespmem:$0xA8C0] =	vst v63  }
0x2e4: {  	s6 =	sadd.s32 $0x970, s31;
	s7 =	simm.s32 $0x3010  }
0x2e5: {  	[tilespmem:s7], [sflag:$0x1] =	stream.linear.gather [hbm4b:s6+s4], $0x20, $0x38;
	[tilespmem:$0xA8C0] =	vst v63  }
0x2e6: {  	s6 =	sadd.s32 $0x980, s31;
	s7 =	simm.s32 $0x3250  }
0x2e7: {  	[tilespmem:s7], [sflag:$0x1] =	stream.linear.gather [hbm4b:s6+s4], $0x20, $0x38;
	[tilespmem:$0xA8C0] =	vst v63  }
0x2e8: {  	s6 =	sadd.s32 $0x990, s31;
	s7 =	simm.s32 $0x3490  }
0x2e9: {  	[tilespmem:s7], [sflag:$0x1] =	stream.linear.gather [hbm4b:s6+s4], $0x20, $0x38;
	[tilespmem:$0xA8C0] =	vst v63  }
0x2ea: {  	s6 =	sadd.s32 $0x9A0, s31;
	s7 =	simm.s32 $0x36D0  }
0x2eb: {  	[tilespmem:s7], [sflag:$0x1] =	stream.linear.gather [hbm4b:s6+s4], $0x20, $0x38;
	[tilespmem:$0xA8C0] =	vst v63  }
0x2ec: {  	s6 =	sadd.s32 $0x9B0, s31;
	s7 =	simm.s32 $0x3910  }
0x2ed: {  	[tilespmem:s7], [sflag:$0x1] =	stream.linear.gather [hbm4b:s6+s4], $0x20, $0x38;
	[tilespmem:$0xA8C0] =	vst v63  }
0x2ee: {  	s6 =	sadd.s32 $0x9C0, s31;
	s7 =	simm.s32 $0x3B50  }
0x2ef: {  	[tilespmem:s7], [sflag:$0x1] =	stream.linear.gather [hbm4b:s6+s4], $0x20, $0x38;
	[tilespmem:$0xA8C0] =	vst v63  }
0x2f0: {  	s6 =	sadd.s32 $0x9D0, s31;
	s7 =	simm.s32 $0x3D90  }
0x2f1: {  	[tilespmem:s7], [sflag:$0x1] =	stream.linear.gather [hbm4b:s6+s4], $0x20, $0x38;
	[tilespmem:$0xA8C0] =	vst v63  }
0x2f2: {  	s6 =	sadd.s32 $0x9E0, s31;
	s7 =	simm.s32 $0x3FD0  }
0x2f3: {  	[tilespmem:s7], [sflag:$0x1] =	stream.linear.gather [hbm4b:s6+s4], $0x20, $0x38;
	[tilespmem:$0xA8C0] =	vst v63  }
0x2f4: {  	s6 =	sadd.s32 $0x9F0, s31;
	s7 =	simm.s32 $0x4210  }
0x2f5: {  	[tilespmem:s7], [sflag:$0x1] =	stream.linear.gather [hbm4b:s6+s4], $0x20, $0x38;
	[tilespmem:$0xA8C0] =	vst v63  }
0x2f6: {  	s6 =	sadd.s32 $0xA00, s31;
	s7 =	simm.s32 $0x2070  }
0x2f7: {  	[tilespmem:s7], [sflag:$0x1] =	stream.linear.gather [hbm4b:s6+s4], $0x30, $0x38;
	[tilespmem:$0xA8C0] =	vst v63  }
0x2f8: {  	s6 =	sadd.s32 $0xA10, s31;
	s7 =	simm.s32 $0x22B0  }
0x2f9: {  	[tilespmem:s7], [sflag:$0x1] =	stream.linear.gather [hbm4b:s6+s4], $0x30, $0x38;
	[tilespmem:$0xA8C0] =	vst v63  }
0x2fa: {  	s6 =	sadd.s32 $0xA20, s31;
	s7 =	simm.s32 $0x24F0  }
0x2fb: {  	[tilespmem:s7], [sflag:$0x1] =	stream.linear.gather [hbm4b:s6+s4], $0x30, $0x38;
	[tilespmem:$0xA8C0] =	vst v63  }
0x2fc: {  	s6 =	sadd.s32 $0xA30, s31;
	s7 =	simm.s32 $0x2730  }
0x2fd: {  	[tilespmem:s7], [sflag:$0x1] =	stream.linear.gather [hbm4b:s6+s4], $0x30, $0x38;
	[tilespmem:$0xA8C0] =	vst v63  }
0x2fe: {  	s6 =	sadd.s32 $0xA40, s31;
	s7 =	simm.s32 $0x2970  }
0x2ff: {  	[tilespmem:s7], [sflag:$0x1] =	stream.linear.gather [hbm4b:s6+s4], $0x30, $0x38;
	[tilespmem:$0xA8C0] =	vst v63  }
0x300: {  	s6 =	sadd.s32 $0xA50, s31;
	s7 =	simm.s32 $0x2BB0  }
0x301: {  	[tilespmem:s7], [sflag:$0x1] =	stream.linear.gather [hbm4b:s6+s4], $0x30, $0x38;
	[tilespmem:$0xA8C0] =	vst v63  }
0x302: {  	s6 =	sadd.s32 $0xA60, s31;
	s7 =	simm.s32 $0x2DF0  }
0x303: {  	[tilespmem:s7], [sflag:$0x1] =	stream.linear.gather [hbm4b:s6+s4], $0x30, $0x38;
	[tilespmem:$0xA8C0] =	vst v63  }
0x304: {  	s6 =	sadd.s32 $0xA70, s31;
	s7 =	simm.s32 $0x3030  }
0x305: {  	[tilespmem:s7], [sflag:$0x1] =	stream.linear.gather [hbm4b:s6+s4], $0x30, $0x38;
	[tilespmem:$0xA8C0] =	vst v63  }
0x306: {  	s6 =	sadd.s32 $0xA80, s31;
	s7 =	simm.s32 $0x3270  }
0x307: {  	[tilespmem:s7], [sflag:$0x1] =	stream.linear.gather [hbm4b:s6+s4], $0x30, $0x38;
	[tilespmem:$0xA8C0] =	vst v63  }
0x308: {  	s6 =	sadd.s32 $0xA90, s31;
	s7 =	simm.s32 $0x34B0  }
0x309: {  	[tilespmem:s7], [sflag:$0x1] =	stream.linear.gather [hbm4b:s6+s4], $0x30, $0x38;
	[tilespmem:$0xA8C0] =	vst v63  }
0x30a: {  	s6 =	sadd.s32 $0xAA0, s31;
	s7 =	simm.s32 $0x36F0  }
0x30b: {  	[tilespmem:s7], [sflag:$0x1] =	stream.linear.gather [hbm4b:s6+s4], $0x30, $0x38;
	[tilespmem:$0xA8C0] =	vst v63  }
0x30c: {  	s6 =	sadd.s32 $0xAB0, s31;
	s7 =	simm.s32 $0x3930  }
0x30d: {  	[tilespmem:s7], [sflag:$0x1] =	stream.linear.gather [hbm4b:s6+s4], $0x30, $0x38;
	[tilespmem:$0xA8C0] =	vst v63  }
0x30e: {  	s6 =	sadd.s32 $0xAC0, s31;
	s7 =	simm.s32 $0x3B70  }
0x30f: {  	[tilespmem:s7], [sflag:$0x1] =	stream.linear.gather [hbm4b:s6+s4], $0x30, $0x38;
	[tilespmem:$0xA8C0] =	vst v63  }
0x310: {  	s6 =	sadd.s32 $0xAD0, s31;
	s7 =	simm.s32 $0x3DB0  }
0x311: {  	[tilespmem:s7], [sflag:$0x1] =	stream.linear.gather [hbm4b:s6+s4], $0x30, $0x38;
	[tilespmem:$0xA8C0] =	vst v63  }
0x312: {  	s6 =	sadd.s32 $0xAE0, s31;
	s7 =	simm.s32 $0x3FF0  }
0x313: {  	[tilespmem:s7], [sflag:$0x1] =	stream.linear.gather [hbm4b:s6+s4], $0x30, $0x38;
	[tilespmem:$0xA8C0] =	vst v63  }
0x314: {  	s6 =	sadd.s32 $0xAF0, s31;
	s7 =	simm.s32 $0x4230  }
0x315: {  	[tilespmem:s7], [sflag:$0x1] =	stream.linear.gather [hbm4b:s6+s4], $0x30, $0x38;
	[tilespmem:$0xA8C0] =	vst v63  }
0x316: {  	s6 =	sadd.s32 $0xB00, s31;
	s7 =	simm.s32 $0x20A0  }
0x317: {  	[tilespmem:s7], [sflag:$0x1] =	stream.linear.gather [hbm4b:s6+s4], $0x40, $0x38;
	[tilespmem:$0xA8C0] =	vst v63  }
0x318: {  	s6 =	sadd.s32 $0xB10, s31;
	s7 =	simm.s32 $0x22E0  }
0x319: {  	[tilespmem:s7], [sflag:$0x1] =	stream.linear.gather [hbm4b:s6+s4], $0x40, $0x38;
	[tilespmem:$0xA8C0] =	vst v63  }
0x31a: {  	s6 =	sadd.s32 $0xB20, s31;
	s7 =	simm.s32 $0x2520  }
0x31b: {  	[tilespmem:s7], [sflag:$0x1] =	stream.linear.gather [hbm4b:s6+s4], $0x40, $0x38;
	[tilespmem:$0xA8C0] =	vst v63  }
0x31c: {  	s6 =	sadd.s32 $0xB30, s31;
	s7 =	simm.s32 $0x2760  }
0x31d: {  	[tilespmem:s7], [sflag:$0x1] =	stream.linear.gather [hbm4b:s6+s4], $0x40, $0x38;
	[tilespmem:$0xA8C0] =	vst v63  }
0x31e: {  	s6 =	sadd.s32 $0xB40, s31;
	s7 =	simm.s32 $0x29A0  }
0x31f: {  	[tilespmem:s7], [sflag:$0x1] =	stream.linear.gather [hbm4b:s6+s4], $0x40, $0x38;
	[tilespmem:$0xA8C0] =	vst v63  }
0x320: {  	s6 =	sadd.s32 $0xB50, s31;
	s7 =	simm.s32 $0x2BE0  }
0x321: {  	[tilespmem:s7], [sflag:$0x1] =	stream.linear.gather [hbm4b:s6+s4], $0x40, $0x38;
	[tilespmem:$0xA8C0] =	vst v63  }
0x322: {  	s6 =	sadd.s32 $0xB60, s31;
	s7 =	simm.s32 $0x2E20  }
0x323: {  	[tilespmem:s7], [sflag:$0x1] =	stream.linear.gather [hbm4b:s6+s4], $0x40, $0x38;
	[tilespmem:$0xA8C0] =	vst v63  }
0x324: {  	s6 =	sadd.s32 $0xB70, s31;
	s7 =	simm.s32 $0x3060  }
0x325: {  	[tilespmem:s7], [sflag:$0x1] =	stream.linear.gather [hbm4b:s6+s4], $0x40, $0x38;
	[tilespmem:$0xA8C0] =	vst v63  }
0x326: {  	s6 =	sadd.s32 $0xB80, s31;
	s7 =	simm.s32 $0x32A0  }
0x327: {  	[tilespmem:s7], [sflag:$0x1] =	stream.linear.gather [hbm4b:s6+s4], $0x40, $0x38;
	[tilespmem:$0xA8C0] =	vst v63  }
0x328: {  	s6 =	sadd.s32 $0xB90, s31;
	s7 =	simm.s32 $0x34E0  }
0x329: {  	[tilespmem:s7], [sflag:$0x1] =	stream.linear.gather [hbm4b:s6+s4], $0x40, $0x38;
	[tilespmem:$0xA8C0] =	vst v63  }
0x32a: {  	s6 =	sadd.s32 $0xBA0, s31;
	s7 =	simm.s32 $0x3720  }
0x32b: {  	[tilespmem:s7], [sflag:$0x1] =	stream.linear.gather [hbm4b:s6+s4], $0x40, $0x38;
	[tilespmem:$0xA8C0] =	vst v63  }
0x32c: {  	s6 =	sadd.s32 $0xBB0, s31;
	s7 =	simm.s32 $0x3960  }
0x32d: {  	[tilespmem:s7], [sflag:$0x1] =	stream.linear.gather [hbm4b:s6+s4], $0x40, $0x38;
	[tilespmem:$0xA8C0] =	vst v63  }
0x32e: {  	s6 =	sadd.s32 $0xBC0, s31;
	s7 =	simm.s32 $0x3BA0  }
0x32f: {  	[tilespmem:s7], [sflag:$0x1] =	stream.linear.gather [hbm4b:s6+s4], $0x40, $0x38;
	[tilespmem:$0xA8C0] =	vst v63  }
0x330: {  	s6 =	sadd.s32 $0xBD0, s31;
	s7 =	simm.s32 $0x3DE0  }
0x331: {  	[tilespmem:s7], [sflag:$0x1] =	stream.linear.gather [hbm4b:s6+s4], $0x40, $0x38;
	[tilespmem:$0xA8C0] =	vst v63  }
0x332: {  	s6 =	sadd.s32 $0xBE0, s31;
	s7 =	simm.s32 $0x4020  }
0x333: {  	[tilespmem:s7], [sflag:$0x1] =	stream.linear.gather [hbm4b:s6+s4], $0x40, $0x38;
	[tilespmem:$0xA8C0] =	vst v63  }
0x334: {  	s6 =	sadd.s32 $0xBF0, s31;
	s7 =	simm.s32 $0x4260  }
0x335: {  	[tilespmem:s7], [sflag:$0x1] =	stream.linear.gather [hbm4b:s6+s4], $0x40, $0x38;
	[tilespmem:$0xA8C0] =	vst v63  }
0x336: {  	s6 =	sadd.s32 $0xC00, s31;
	s7 =	simm.s32 $0x20E0  }
0x337: {  	[tilespmem:s7], [sflag:$0x1] =	stream.linear.gather [hbm4b:s6+s4], $0x50, $0x38;
	[tilespmem:$0xA8C0] =	vst v63  }
0x338: {  	s6 =	sadd.s32 $0xC10, s31;
	s7 =	simm.s32 $0x2320  }
0x339: {  	[tilespmem:s7], [sflag:$0x1] =	stream.linear.gather [hbm4b:s6+s4], $0x50, $0x38;
	[tilespmem:$0xA8C0] =	vst v63  }
0x33a: {  	s6 =	sadd.s32 $0xC20, s31;
	s7 =	simm.s32 $0x2560  }
0x33b: {  	[tilespmem:s7], [sflag:$0x1] =	stream.linear.gather [hbm4b:s6+s4], $0x50, $0x38;
	[tilespmem:$0xA8C0] =	vst v63  }
0x33c: {  	s6 =	sadd.s32 $0xC30, s31;
	s7 =	simm.s32 $0x27A0  }
0x33d: {  	[tilespmem:s7], [sflag:$0x1] =	stream.linear.gather [hbm4b:s6+s4], $0x50, $0x38;
	[tilespmem:$0xA8C0] =	vst v63  }
0x33e: {  	s6 =	sadd.s32 $0xC40, s31;
	s7 =	simm.s32 $0x29E0  }
0x33f: {  	[tilespmem:s7], [sflag:$0x1] =	stream.linear.gather [hbm4b:s6+s4], $0x50, $0x38;
	[tilespmem:$0xA8C0] =	vst v63  }
0x340: {  	s6 =	sadd.s32 $0xC50, s31;
	s7 =	simm.s32 $0x2C20  }
0x341: {  	[tilespmem:s7], [sflag:$0x1] =	stream.linear.gather [hbm4b:s6+s4], $0x50, $0x38;
	[tilespmem:$0xA8C0] =	vst v63  }
0x342: {  	s6 =	sadd.s32 $0xC60, s31;
	s7 =	simm.s32 $0x2E60  }
0x343: {  	[tilespmem:s7], [sflag:$0x1] =	stream.linear.gather [hbm4b:s6+s4], $0x50, $0x38;
	[tilespmem:$0xA8C0] =	vst v63  }
0x344: {  	s6 =	sadd.s32 $0xC70, s31;
	s7 =	simm.s32 $0x30A0  }
0x345: {  	[tilespmem:s7], [sflag:$0x1] =	stream.linear.gather [hbm4b:s6+s4], $0x50, $0x38;
	[tilespmem:$0xA8C0] =	vst v63  }
0x346: {  	s6 =	sadd.s32 $0xC80, s31;
	s7 =	simm.s32 $0x32E0  }
0x347: {  	[tilespmem:s7], [sflag:$0x1] =	stream.linear.gather [hbm4b:s6+s4], $0x50, $0x38;
	[tilespmem:$0xA8C0] =	vst v63  }
0x348: {  	s6 =	sadd.s32 $0xC90, s31;
	s7 =	simm.s32 $0x3520  }
0x349: {  	[tilespmem:s7], [sflag:$0x1] =	stream.linear.gather [hbm4b:s6+s4], $0x50, $0x38;
	[tilespmem:$0xA8C0] =	vst v63  }
0x34a: {  	s6 =	sadd.s32 $0xCA0, s31;
	s7 =	simm.s32 $0x3760  }
0x34b: {  	[tilespmem:s7], [sflag:$0x1] =	stream.linear.gather [hbm4b:s6+s4], $0x50, $0x38;
	[tilespmem:$0xA8C0] =	vst v63  }
0x34c: {  	s6 =	sadd.s32 $0xCB0, s31;
	s7 =	simm.s32 $0x39A0  }
0x34d: {  	[tilespmem:s7], [sflag:$0x1] =	stream.linear.gather [hbm4b:s6+s4], $0x50, $0x38;
	[tilespmem:$0xA8C0] =	vst v63  }
0x34e: {  	s6 =	sadd.s32 $0xCC0, s31;
	s7 =	simm.s32 $0x3BE0  }
0x34f: {  	[tilespmem:s7], [sflag:$0x1] =	stream.linear.gather [hbm4b:s6+s4], $0x50, $0x38;
	[tilespmem:$0xA8C0] =	vst v63  }
0x350: {  	s6 =	sadd.s32 $0xCD0, s31;
	s7 =	simm.s32 $0x3E20  }
0x351: {  	[tilespmem:s7], [sflag:$0x1] =	stream.linear.gather [hbm4b:s6+s4], $0x50, $0x38;
	[tilespmem:$0xA8C0] =	vst v63  }
0x352: {  	s6 =	sadd.s32 $0xCE0, s31;
	s7 =	simm.s32 $0x4060  }
0x353: {  	[tilespmem:s7], [sflag:$0x1] =	stream.linear.gather [hbm4b:s6+s4], $0x50, $0x38;
	[tilespmem:$0xA8C0] =	vst v63  }
0x354: {  	s6 =	sadd.s32 $0xCF0, s31;
	s7 =	simm.s32 $0x42A0  }
0x355: {  	[tilespmem:s7], [sflag:$0x1] =	stream.linear.gather [hbm4b:s6+s4], $0x50, $0x38;
	[tilespmem:$0xA8C0] =	vst v63  }
0x356: {  	s6 =	sadd.s32 $0xD00, s31;
	s7 =	simm.s32 $0x2130  }
0x357: {  	[tilespmem:s7], [sflag:$0x1] =	stream.linear.gather [hbm4b:s6+s4], $0x60, $0x38;
	[tilespmem:$0xA8C0] =	vst v63  }
0x358: {  	s6 =	sadd.s32 $0xD10, s31;
	s7 =	simm.s32 $0x2370  }
0x359: {  	[tilespmem:s7], [sflag:$0x1] =	stream.linear.gather [hbm4b:s6+s4], $0x60, $0x38;
	[tilespmem:$0xA8C0] =	vst v63  }
0x35a: {  	s6 =	sadd.s32 $0xD20, s31;
	s7 =	simm.s32 $0x25B0  }
0x35b: {  	[tilespmem:s7], [sflag:$0x1] =	stream.linear.gather [hbm4b:s6+s4], $0x60, $0x38;
	[tilespmem:$0xA8C0] =	vst v63  }
0x35c: {  	s6 =	sadd.s32 $0xD30, s31;
	s7 =	simm.s32 $0x27F0  }
0x35d: {  	[tilespmem:s7], [sflag:$0x1] =	stream.linear.gather [hbm4b:s6+s4], $0x60, $0x38;
	[tilespmem:$0xA8C0] =	vst v63  }
0x35e: {  	s6 =	sadd.s32 $0xD40, s31;
	s7 =	simm.s32 $0x2A30  }
0x35f: {  	[tilespmem:s7], [sflag:$0x1] =	stream.linear.gather [hbm4b:s6+s4], $0x60, $0x38;
	[tilespmem:$0xA8C0] =	vst v63  }
0x360: {  	s6 =	sadd.s32 $0xD50, s31;
	s7 =	simm.s32 $0x2C70  }
0x361: {  	[tilespmem:s7], [sflag:$0x1] =	stream.linear.gather [hbm4b:s6+s4], $0x60, $0x38;
	[tilespmem:$0xA8C0] =	vst v63  }
0x362: {  	s6 =	sadd.s32 $0xD60, s31;
	s7 =	simm.s32 $0x2EB0  }
0x363: {  	[tilespmem:s7], [sflag:$0x1] =	stream.linear.gather [hbm4b:s6+s4], $0x60, $0x38;
	[tilespmem:$0xA8C0] =	vst v63  }
0x364: {  	s6 =	sadd.s32 $0xD70, s31;
	s7 =	simm.s32 $0x30F0  }
0x365: {  	[tilespmem:s7], [sflag:$0x1] =	stream.linear.gather [hbm4b:s6+s4], $0x60, $0x38;
	[tilespmem:$0xA8C0] =	vst v63  }
0x366: {  	s6 =	sadd.s32 $0xD80, s31;
	s7 =	simm.s32 $0x3330  }
0x367: {  	[tilespmem:s7], [sflag:$0x1] =	stream.linear.gather [hbm4b:s6+s4], $0x60, $0x38;
	[tilespmem:$0xA8C0] =	vst v63  }
0x368: {  	s6 =	sadd.s32 $0xD90, s31;
	s7 =	simm.s32 $0x3570  }
0x369: {  	[tilespmem:s7], [sflag:$0x1] =	stream.linear.gather [hbm4b:s6+s4], $0x60, $0x38;
	[tilespmem:$0xA8C0] =	vst v63  }
0x36a: {  	s6 =	sadd.s32 $0xDA0, s31;
	s7 =	simm.s32 $0x37B0  }
0x36b: {  	[tilespmem:s7], [sflag:$0x1] =	stream.linear.gather [hbm4b:s6+s4], $0x60, $0x38;
	[tilespmem:$0xA8C0] =	vst v63  }
0x36c: {  	s6 =	sadd.s32 $0xDB0, s31;
	s7 =	simm.s32 $0x39F0  }
0x36d: {  	[tilespmem:s7], [sflag:$0x1] =	stream.linear.gather [hbm4b:s6+s4], $0x60, $0x38;
	[tilespmem:$0xA8C0] =	vst v63  }
0x36e: {  	s6 =	sadd.s32 $0xDC0, s31;
	s7 =	simm.s32 $0x3C30  }
0x36f: {  	[tilespmem:s7], [sflag:$0x1] =	stream.linear.gather [hbm4b:s6+s4], $0x60, $0x38;
	[tilespmem:$0xA8C0] =	vst v63  }
0x370: {  	s6 =	sadd.s32 $0xDD0, s31;
	s7 =	simm.s32 $0x3E70  }
0x371: {  	[tilespmem:s7], [sflag:$0x1] =	stream.linear.gather [hbm4b:s6+s4], $0x60, $0x38;
	[tilespmem:$0xA8C0] =	vst v63  }
0x372: {  	s6 =	sadd.s32 $0xDE0, s31;
	s7 =	simm.s32 $0x40B0  }
0x373: {  	[tilespmem:s7], [sflag:$0x1] =	stream.linear.gather [hbm4b:s6+s4], $0x60, $0x38;
	[tilespmem:$0xA8C0] =	vst v63  }
0x374: {  	s6 =	sadd.s32 $0xDF0, s31;
	s7 =	simm.s32 $0x42F0  }
0x375: {  	[tilespmem:s7], [sflag:$0x1] =	stream.linear.gather [hbm4b:s6+s4], $0x60, $0x38;
	[tilespmem:$0xA8C0] =	vst v63  }
0x376: {  	s6 =	sadd.s32 $0xE00, s31;
	s7 =	simm.s32 $0x2190  }
0x377: {  	[tilespmem:s7], [sflag:$0x1] =	stream.linear.gather [hbm4b:s6+s4], $0x70, $0x38;
	[tilespmem:$0xA8C0] =	vst v63  }
0x378: {  	s6 =	sadd.s32 $0xE10, s31;
	s7 =	simm.s32 $0x23D0  }
0x379: {  	[tilespmem:s7], [sflag:$0x1] =	stream.linear.gather [hbm4b:s6+s4], $0x70, $0x38;
	[tilespmem:$0xA8C0] =	vst v63  }
0x37a: {  	s6 =	sadd.s32 $0xE20, s31;
	s7 =	simm.s32 $0x2610  }
0x37b: {  	[tilespmem:s7], [sflag:$0x1] =	stream.linear.gather [hbm4b:s6+s4], $0x70, $0x38;
	[tilespmem:$0xA8C0] =	vst v63  }
0x37c: {  	s6 =	sadd.s32 $0xE30, s31;
	s7 =	simm.s32 $0x2850  }
0x37d: {  	[tilespmem:s7], [sflag:$0x1] =	stream.linear.gather [hbm4b:s6+s4], $0x70, $0x38;
	[tilespmem:$0xA8C0] =	vst v63  }
0x37e: {  	s6 =	sadd.s32 $0xE40, s31;
	s7 =	simm.s32 $0x2A90  }
0x37f: {  	[tilespmem:s7], [sflag:$0x1] =	stream.linear.gather [hbm4b:s6+s4], $0x70, $0x38;
	[tilespmem:$0xA8C0] =	vst v63  }
0x380: {  	s6 =	sadd.s32 $0xE50, s31;
	s7 =	simm.s32 $0x2CD0  }
0x381: {  	[tilespmem:s7], [sflag:$0x1] =	stream.linear.gather [hbm4b:s6+s4], $0x70, $0x38;
	[tilespmem:$0xA8C0] =	vst v63  }
0x382: {  	s6 =	sadd.s32 $0xE60, s31;
	s7 =	simm.s32 $0x2F10  }
0x383: {  	[tilespmem:s7], [sflag:$0x1] =	stream.linear.gather [hbm4b:s6+s4], $0x70, $0x38;
	[tilespmem:$0xA8C0] =	vst v63  }
0x384: {  	s6 =	sadd.s32 $0xE70, s31;
	s7 =	simm.s32 $0x3150  }
0x385: {  	[tilespmem:s7], [sflag:$0x1] =	stream.linear.gather [hbm4b:s6+s4], $0x70, $0x38;
	[tilespmem:$0xA8C0] =	vst v63  }
0x386: {  	s6 =	sadd.s32 $0xE80, s31;
	s7 =	simm.s32 $0x3390  }
0x387: {  	[tilespmem:s7], [sflag:$0x1] =	stream.linear.gather [hbm4b:s6+s4], $0x70, $0x38;
	[tilespmem:$0xA8C0] =	vst v63  }
0x388: {  	s6 =	sadd.s32 $0xE90, s31;
	s7 =	simm.s32 $0x35D0  }
0x389: {  	[tilespmem:s7], [sflag:$0x1] =	stream.linear.gather [hbm4b:s6+s4], $0x70, $0x38;
	[tilespmem:$0xA8C0] =	vst v63  }
0x38a: {  	s6 =	sadd.s32 $0xEA0, s31;
	s7 =	simm.s32 $0x3810  }
0x38b: {  	[tilespmem:s7], [sflag:$0x1] =	stream.linear.gather [hbm4b:s6+s4], $0x70, $0x38;
	[tilespmem:$0xA8C0] =	vst v63  }
0x38c: {  	s6 =	sadd.s32 $0xEB0, s31;
	s7 =	simm.s32 $0x3A50  }
0x38d: {  	[tilespmem:s7], [sflag:$0x1] =	stream.linear.gather [hbm4b:s6+s4], $0x70, $0x38;
	[tilespmem:$0xA8C0] =	vst v63  }
0x38e: {  	s6 =	sadd.s32 $0xEC0, s31;
	s7 =	simm.s32 $0x3C90  }
0x38f: {  	[tilespmem:s7], [sflag:$0x1] =	stream.linear.gather [hbm4b:s6+s4], $0x70, $0x38;
	[tilespmem:$0xA8C0] =	vst v63  }
0x390: {  	s6 =	sadd.s32 $0xED0, s31;
	s7 =	simm.s32 $0x3ED0  }
0x391: {  	[tilespmem:s7], [sflag:$0x1] =	stream.linear.gather [hbm4b:s6+s4], $0x70, $0x38;
	[tilespmem:$0xA8C0] =	vst v63  }
0x392: {  	s6 =	sadd.s32 $0xEE0, s31;
	s7 =	simm.s32 $0x4110  }
0x393: {  	[tilespmem:s7], [sflag:$0x1] =	stream.linear.gather [hbm4b:s6+s4], $0x70, $0x38;
	[tilespmem:$0xA8C0] =	vst v63  }
0x394: {  	s6 =	sadd.s32 $0xEF0, s31;
	s7 =	simm.s32 $0x4350  }
0x395: {  	[tilespmem:s7], [sflag:$0x1] =	stream.linear.gather [hbm4b:s6+s4], $0x70, $0x38;
	[tilespmem:$0xA8C0] =	vst v63  }
0x396: {  	s6 =	sadd.s32 $0xF00, s31;
	s7 =	simm.s32 $0x2200  }
0x397: {  	[tilespmem:s7], [sflag:$0x1] =	stream.linear.gather [hbm4b:s6+s4], $0x80, $0x38;
	[tilespmem:$0xA8C0] =	vst v63  }
0x398: {  	s6 =	sadd.s32 $0xF10, s31;
	s7 =	simm.s32 $0x2440  }
0x399: {  	[tilespmem:s7], [sflag:$0x1] =	stream.linear.gather [hbm4b:s6+s4], $0x80, $0x38;
	[tilespmem:$0xA8C0] =	vst v63  }
0x39a: {  	s6 =	sadd.s32 $0xF20, s31;
	s7 =	simm.s32 $0x2680  }
0x39b: {  	[tilespmem:s7], [sflag:$0x1] =	stream.linear.gather [hbm4b:s6+s4], $0x80, $0x38;
	[tilespmem:$0xA8C0] =	vst v63  }
0x39c: {  	s6 =	sadd.s32 $0xF30, s31;
	s7 =	simm.s32 $0x28C0  }
0x39d: {  	[tilespmem:s7], [sflag:$0x1] =	stream.linear.gather [hbm4b:s6+s4], $0x80, $0x38;
	[tilespmem:$0xA8C0] =	vst v63  }
0x39e: {  	s6 =	sadd.s32 $0xF40, s31;
	s7 =	simm.s32 $0x2B00  }
0x39f: {  	[tilespmem:s7], [sflag:$0x1] =	stream.linear.gather [hbm4b:s6+s4], $0x80, $0x38;
	[tilespmem:$0xA8C0] =	vst v63  }
0x3a0: {  	s6 =	sadd.s32 $0xF50, s31;
	s7 =	simm.s32 $0x2D40  }
0x3a1: {  	[tilespmem:s7], [sflag:$0x1] =	stream.linear.gather [hbm4b:s6+s4], $0x80, $0x38;
	[tilespmem:$0xA8C0] =	vst v63  }
0x3a2: {  	s6 =	sadd.s32 $0xF60, s31;
	s7 =	simm.s32 $0x2F80  }
0x3a3: {  	[tilespmem:s7], [sflag:$0x1] =	stream.linear.gather [hbm4b:s6+s4], $0x80, $0x38;
	[tilespmem:$0xA8C0] =	vst v63  }
0x3a4: {  	s6 =	sadd.s32 $0xF70, s31;
	s7 =	simm.s32 $0x31C0  }
0x3a5: {  	[tilespmem:s7], [sflag:$0x1] =	stream.linear.gather [hbm4b:s6+s4], $0x80, $0x38;
	[tilespmem:$0xA8C0] =	vst v63  }
0x3a6: {  	s6 =	sadd.s32 $0xF80, s31;
	s7 =	simm.s32 $0x3400  }
0x3a7: {  	[tilespmem:s7], [sflag:$0x1] =	stream.linear.gather [hbm4b:s6+s4], $0x80, $0x38;
	[tilespmem:$0xA8C0] =	vst v63  }
0x3a8: {  	s6 =	sadd.s32 $0xF90, s31;
	s7 =	simm.s32 $0x3640  }
0x3a9: {  	[tilespmem:s7], [sflag:$0x1] =	stream.linear.gather [hbm4b:s6+s4], $0x80, $0x38;
	[tilespmem:$0xA8C0] =	vst v63  }
0x3aa: {  	s6 =	sadd.s32 $0xFA0, s31;
	s7 =	simm.s32 $0x3880  }
0x3ab: {  	[tilespmem:s7], [sflag:$0x1] =	stream.linear.gather [hbm4b:s6+s4], $0x80, $0x38;
	[tilespmem:$0xA8C0] =	vst v63  }
0x3ac: {  	s6 =	sadd.s32 $0xFB0, s31;
	s7 =	simm.s32 $0x3AC0  }
0x3ad: {  	[tilespmem:s7], [sflag:$0x1] =	stream.linear.gather [hbm4b:s6+s4], $0x80, $0x38;
	[tilespmem:$0xA8C0] =	vst v63  }
0x3ae: {  	s6 =	sadd.s32 $0xFC0, s31;
	s7 =	simm.s32 $0x3D00  }
0x3af: {  	[tilespmem:s7], [sflag:$0x1] =	stream.linear.gather [hbm4b:s6+s4], $0x80, $0x38;
	[tilespmem:$0xA8C0] =	vst v63  }
0x3b0: {  	s6 =	sadd.s32 $0xFD0, s31;
	s7 =	simm.s32 $0x3F40  }
0x3b1: {  	[tilespmem:s7], [sflag:$0x1] =	stream.linear.gather [hbm4b:s6+s4], $0x80, $0x38;
	[tilespmem:$0xA8C0] =	vst v63  }
0x3b2: {  	s2 =	sadd.s32 $0xFE0, s31;
	s6 =	simm.s32 $0x4180  }
0x3b3: {  	[tilespmem:s6], [sflag:$0x1] =	stream.linear.gather [hbm4b:s2+s4], $0x80, $0x38;
	[tilespmem:$0xA8C0] =	vst v63  }
0x3b4: {  	s7 =	sadd.s32 $0xFF0, s31;
	s31 =	simm.s32 $0x43C0  }
0x3b5: {  	[tilespmem:s31], [sflag:$0x1] =	stream.linear.gather [hbm4b:s7+s4], $0x80, $0x38;
	[tilespmem:$0xA8C0] =	vst v63  }
.LBB2_6:
0x3b6: {  	_ =	swait.ge [sflag:s29], $0x100  }
0x3b7: {  	[sflag:s29] =	ssyncset.done $0x0  }
0x3b8: {  	[sflag:s29] =	ssyncadd.s32 $0xFFFFFF00  }
0x3b9: {  	_ =	swait.ge [sflag:s29], $0x200  }
0x3ba: {  	[sflag:s29] =	ssyncset.done $0x0  }
0x3bb: {  	[sflag:s29] =	ssyncadd.s32 $0xFFFFFE00  }
0x3bc: {  	_ =	swait.ge [sflag:s29], $0x300  }
0x3bd: {  	[sflag:s29] =	ssyncset.done $0x0  }
0x3be: {  	[sflag:s29] =	ssyncadd.s32 $0xFFFFFD00  }
0x3bf: {  	_ =	swait.ge [sflag:s29], $0x400  }
0x3c0: {  	[sflag:s29] =	ssyncset.done $0x0  }
0x3c1: {  	[sflag:s29] =	ssyncadd.s32 $0xFFFFFC00  }
0x3c2: {  	_ =	swait.ge [sflag:s29], $0x500  }
0x3c3: {  	[sflag:s29] =	ssyncset.done $0x0  }
0x3c4: {  	[sflag:s29] =	ssyncadd.s32 $0xFFFFFB00  }
0x3c5: {  	_ =	swait.ge [sflag:s29], $0x600  }
0x3c6: {  	[sflag:s29] =	ssyncset.done $0x0  }
0x3c7: {  	[sflag:s29] =	ssyncadd.s32 $0xFFFFFA00  }
0x3c8: {  	_ =	swait.ge [sflag:s29], $0x700  }
0x3c9: {  	[sflag:s29] =	ssyncset.done $0x0  }
0x3ca: {  	[sflag:s29] =	ssyncadd.s32 $0xFFFFF900  }
0x3cb: {  	_ =	swait.ge [sflag:s29], $0x800  }
0x3cc: {  	[sflag:s29] =	ssyncset.done $0x0  }
0x3cd: {  	s0 =	simm.s32 @!p0 $0x2;
	[sflag:s29] =	ssyncadd.s32 $0xFFFFF800  }
0x3ce: {  	_ =	swait.ge @!p0 [sflag:s0], $0x2040  }
0x3cf: {  	[sflag:s0] =	ssyncset.done @!p0 $0x0  }
0x3d0: {  	[sflag:s0] =	ssyncadd.s32 @!p0 $0xFFFFDFC0  }
0x3d1: {  	v8 =	vld.idx.msk [tilespmem:v0+s23+$0x0], $0xffff;
	_ =	sdelay $0x4  }
0x3d2: {  	[tilespmem:$0x8880] =	vst v8  }
0x3d3: {  	v8 =	vld.idx.msk [tilespmem:v1+s23+$0x0], $0xffff;
	_ =	sdelay $0x4  }
0x3d4: {  	[tilespmem:$0x8890] =	vst v8  }
0x3d5: {  	v8 =	vld.idx.msk [tilespmem:v2+s23+$0x0], $0xffff;
	_ =	sdelay $0x4  }
0x3d6: {  	[tilespmem:$0x88A0] =	vst v8  }
0x3d7: {  	v8 =	vld.idx.msk [tilespmem:v3+s23+$0x0], $0xffff;
	_ =	sdelay $0x4  }
0x3d8: {  	[tilespmem:$0x88B0] =	vst v8  }
0x3d9: {  	v8 =	vld.idx.msk [tilespmem:v4+s23+$0x0], $0xffff;
	_ =	sdelay $0x4  }
0x3da: {  	[tilespmem:$0x88C0] =	vst v8  }
0x3db: {  	v8 =	vld.idx.msk [tilespmem:v5+s23+$0x0], $0xffff;
	_ =	sdelay $0x4  }
0x3dc: {  	[tilespmem:$0x88D0] =	vst v8  }
0x3dd: {  	v8 =	vld.idx.msk [tilespmem:v6+s23+$0x0], $0xffff;
	_ =	sdelay $0x4  }
0x3de: {  	[tilespmem:$0x88E0] =	vst v8  }
0x3df: {  	v8 =	vld.idx.msk [tilespmem:v7+s23+$0x0], $0xffff;
	_ =	sdelay $0x4  }
0x3e0: {  	s7 =	simm.s32 $0xF0;
	[tilespmem:$0x88F0] =	vst v8  }
0x3e1: {  	v8 =	vld [tilespmem:s7+$0xFFFFFFD0]  }
0x3e2: {  	v9 =	vld [tilespmem:s7+$0xFFFFFFB0]  }
0x3e3: {  	v10 =	vld [tilespmem:s7+$0xFFFFFFE0]  }
0x3e4: {  	v11 =	vld [tilespmem:s7+$0xFFFFFFC0]  }
0x3e5: {  	v12 =	vld [tilespmem:s7+$0xFFFFFFA0]  }
0x3e6: {  	s31 =	simm.s32 $0x170  }
0x3e7: {  	v25 =	vld [tilespmem:s31+$0xFFFFFFD0]  }
0x3e8: {  	v13 =	vand.u32 $0x7, v9;
	v14 =	vshrl.u32 v8, $0x10  }
0x3e9: {  	v15 =	vand.u32 $0xFFF8, v8;
	v8 =	vand.u32 $0x7, v8;
	v17 =	vshrl.u32 v10, $0x10  }
0x3ea: {  	v16 =	vld [tilespmem:s7+$0x0];
	v19 =	vshrl.u32 v11, $0x10;
	v20 =	vshrl.u32 v12, $0x10;
	v22 =	vand.u32 $0xFFF8, v10  }
0x3eb: {  	v10 =	vand.u32 $0x7, v10;
	v23 =	vshrl.u32 v9, $0x10;
	v9 =	vand.u32 $0xFFF8, v9  }
0x3ec: {  	v18 =	vld [tilespmem:s7+$0xFFFFFF90];
	v27 =	vshrl.u32 v25, $0x10;
	v28 =	vand.u32 $0xFFF8, v25;
	v17 =	vmul.u32 $0x240, v17  }
0x3ed: {  	v21 =	vld [tilespmem:s7+$0xFFFFFFF0];
	v20 =	vmul.u32 $0x240, v20;
	v14 =	vmul.u32 $0x240, v14;
	v19 =	vmul.u32 $0x240, v19  }
0x3ee: {  	v17 =	vadd.s32 v22, v17;
	v22 =	vmul.u32 $0x240, v23;
	v23 =	vand.u32 $0xFFF8, v12  }
0x3ef: {  	v14 =	vadd.s32 v15, v14;
	v10 =	vor.u32 v10, v17;
	v17 =	vshrl.u32 v16, $0x10  }
0x3f0: {  	v20 =	vadd.s32 v23, v20;
	v26 =	vor.u32 v8, v14;
	v9 =	vadd.s32 v9, v22  }
0x3f1: {  	v17 =	vmul.u32 $0x240, v17;
	v13 =	vor.u32 v13, v9;
	v9 =	vshrl.u32 v18, $0x10  }
0x3f2: {  	v23 =	vld [tilespmem:s31+$0xFFFFFFB0];
	v8 =	vand.u32 $0xFFF8, v16;
	v22 =	vshrl.u32 v21, $0x10;
	v9 =	vmul.u32 $0x240, v9  }
0x3f3: {  	v15 =	vmul.u32 $0x240, v22;
	v22 =	vand.u32 $0xFFF8, v18;
	v17 =	vadd.s32 v8, v17;
	v8 =	vld [tilespmem:s31+$0x0]  }
0x3f4: {  	v27 =	vmul.u32 $0x240, v27;
	v24 =	vld.idx.msk [tilespmem:v10+s23+$0x0], $0xffff;
	v10 =	vand.u32 $0xFFF8, v21;
	v22 =	vadd.s32 v22, v9  }
0x3f5: {  	v21 =	vand.u32 $0x7, v21;
	v9 =	vadd.s32 v10, v15;
	v10 =	vand.u32 $0xFFF8, v11;
	v15 =	vld [tilespmem:s31+$0xFFFFFFE0]  }
0x3f6: {  	v11 =	vand.u32 $0x7, v11;
	v10 =	vadd.s32 v10, v19;
	v21 =	vor.u32 v21, v9;
	v9 =	vld [tilespmem:s31+$0xFFFFFFC0]  }
0x3f7: {  	v12 =	vand.u32 $0x7, v12;
	v16 =	vand.u32 $0x7, v16;
	v19 =	vor.u32 v11, v10;
	v10 =	vld [tilespmem:s31+$0xFFFFFFA0]  }
0x3f8: {  	v29 =	vor.u32 v12, v20;
	v12 =	vld [tilespmem:s31+$0xFFFFFFF0];
	v18 =	vand.u32 $0x7, v18;
	v17 =	vor.u32 v16, v17  }
0x3f9: {  	v18 =	vor.u32 v18, v22;
	v22 =	vand.u32 $0x7, v23;
	v14 =	vld.idx.msk [tilespmem:v13+s23+$0x0], $0xffff;
	v13 =	vand.u32 $0x7, v25  }
0x3fa: {  	v16 =	vld.idx.msk [tilespmem:v26+s23+$0x0], $0xffff;
	v63 =	vshrl.u32 v8, $0x10;
	v24 =	vmul.f32 $1.414213540e+00, v24;
	v25 =	vshrl.u32 v15, $0x10  }
0x3fb: {  	v11 =	vld [tilespmem:s31+$0xFFFFFF90];
	v30 =	vand.u32 $0xFFF8, v15;
	v31 =	vand.u32 $0x7, v15;
	v25 =	vmul.u32 $0x240, v25  }
0x3fc: {  	v20 =	vshrl.u32 v9, $0x10;
	v26 =	vshrl.u32 v10, $0x10;
	v15 =	vld.idx.msk [tilespmem:v19+s23+$0x0], $0xffff;
	v19 =	vshrl.u32 v23, $0x10  }
0x3fd: {  	v20 =	vmul.u32 $0x240, v20;
	v30 =	vadd.s32 v30, v25;
	v25 =	vld.idx.msk [tilespmem:v21+s23+$0x0], $0xffff;
	v19 =	vmul.u32 $0x240, v19  }
0x3fe: {  	s2 =	simm.s32 $0x8970;
	v32 =	vmul.u32 $0x240, v26;
	v26 =	vld.idx.msk [tilespmem:v18+s23+$0x0], $0xffff;
	v18 =	vand.u32 $0xFFF8, v23;
	v23 =	vor.u32 v31, v30  }
0x3ff: {  	[tilespmem:s2+$0xFFFFFFE0] =	vst v24;
	v21 =	vand.u32 $0xFFF8, v10;
	v24 =	vadd.s32 v18, v19;
	v18 =	vmul.u32 $0x240, v63;
	v19 =	vld.idx.msk [tilespmem:v17+s23+$0x0], $0xffff  }
0x400: {  	s6 =	simm.s32 $0x1F0;
	s0 =	simm.s32 $0x8970;
	s7 =	simm.s32 $0x100;
	v17 =	vadd.s32 v21, v32;
	v21 =	vld.idx.msk [tilespmem:v29+s23+$0x0], $0xffff;
	v24 =	vor.u32 v22, v24;
	v22 =	vadd.s32 v28, v27  }
.LBB2_7:
0x401: {  	v27 =	vld [tilespmem:s6+$0xFFFFFFD0];
	s7 =	sadd.s32 $0x80, s7;
	v28 =	vshrl.u32 v11, $0x10;
	v29 =	vshrl.u32 v12, $0x10;
	v14 =	vmul.f32 $1.414213540e+00, v14;
	s2 =	sadd.s32 $0x80, s2  }
0x402: {  	v25 =	vmul.f32 $1.414213540e+00, v25;
	v30 =	vld [tilespmem:s6+$0xFFFFFFB0];
	p0 =	slt.u32 s7, $0x1F80;
	v28 =	vmul.u32 $0x240, v28;
	v29 =	vmul.u32 $0x240, v29  }
0x403: {  	v31 =	vand.u32 $0xFFF8, v11;
	v32 =	vand.u32 $0xFFF8, v12;
	v26 =	vmul.f32 $1.414213540e+00, v26;
	v23 =	vld.idx.msk [tilespmem:v23+s23+$0x0], $0xffff;
	[tilespmem:s0+$0xFFFFFFB0] =	vst v14  }
0x404: {  	v34 =	vand.u32 $0x7, v11;
	v33 =	vld [tilespmem:s6+$0xFFFFFFE0];
	v28 =	vadd.s32 v31, v28;
	v29 =	vadd.s32 v32, v29;
	[tilespmem:s0+$0xFFFFFFF0] =	vst v25  }
0x405: {  	v25 =	vand.u32 $0x7, v12;
	v14 =	vld.idx.msk [tilespmem:v24+s23+$0x0], $0xffff;
	v24 =	vand.u32 $0xFFF8, v9;
	v9 =	vand.u32 $0x7, v9;
	[tilespmem:s0+$0xFFFFFF90] =	vst v26  }
0x406: {  	v16 =	vmul.f32 $1.414213540e+00, v16;
	v21 =	vmul.f32 $1.414213540e+00, v21;
	v11 =	vld [tilespmem:s6+$0xFFFFFF90];
	v20 =	vadd.s32 v24, v20  }
0x407: {  	v22 =	vor.u32 v13, v22;
	v24 =	vor.u32 v25, v29;
	v12 =	vld [tilespmem:s6+$0xFFFFFFF0];
	v20 =	vor.u32 v9, v20  }
0x408: {  	v13 =	vmul.f32 $1.414213540e+00, v15;
	v15 =	vmul.f32 $1.414213540e+00, v19;
	v26 =	vor.u32 v34, v28;
	v9 =	vld [tilespmem:s6+$0xFFFFFFC0];
	[tilespmem:s0+$0xFFFFFFD0] =	vst v16  }
0x409: {  	v28 =	vand.u32 $0x7, v30;
	v16 =	vand.u32 $0xFFF8, v8;
	v19 =	vld [tilespmem:s6+$0xFFFFFFA0];
	[tilespmem:s0+$0xFFFFFFA0] =	vst v21  }
0x40a: {  	v21 =	vmul.f32 $1.414213540e+00, v23;
	v23 =	vand.u32 $0x7, v8;
	v18 =	vadd.s32 v16, v18;
	[tilespmem:s0+$0xFFFFFFC0] =	vst v13  }
0x40b: {  	v10 =	vand.u32 $0x7, v10;
	v29 =	vshrl.u32 v27, $0x10;
	v31 =	vand.u32 $0xFFF8, v27;
	v8 =	vld [tilespmem:s6+$0x0];
	[tilespmem:s0+$0x0] =	vst v15;
	s0 =	smov.u32 s2  }
0x40c: {  	v13 =	vand.u32 $0x7, v27;
	v27 =	vor.u32 v10, v17;
	v15 =	vshrl.u32 v33, $0x10;
	[tilespmem:s2+$0xFFFFFFE0] =	vst v21  }
0x40d: {  	v21 =	vmul.u32 $0x240, v15;
	v17 =	vshrl.u32 v9, $0x10;
	v16 =	vld.idx.msk [tilespmem:v22+s23+$0x0], $0xffff;
	v22 =	vor.u32 v23, v18  }
0x40e: {  	v32 =	vand.u32 $0x7, v33;
	v23 =	vand.u32 $0xFFF8, v33;
	v18 =	vshrl.u32 v19, $0x10;
	v15 =	vld.idx.msk [tilespmem:v20+s23+$0x0], $0xffff;
	v10 =	vmovc v19  }
.Ltmp2:
0x40f: {  	v19 =	vadd.s32 v23, v21;
	v33 =	vmul.u32 $0x240, v18;
	v18 =	vshrl.u32 v30, $0x10;
	v25 =	vld.idx.msk [tilespmem:v24+s23+$0x0], $0xffff;
	(pc) =	sbr.rel @p0 .LBB2_7-.Ltmp2, $4  }
0x410: {  	v29 =	vmul.u32 $0x240, v29;
	v21 =	vand.u32 $0xFFF8, v10;
	v18 =	vmul.u32 $0x240, v18;
	v26 =	vld.idx.msk [tilespmem:v26+s23+$0x0], $0xffff  }
0x411: {  	v20 =	vand.u32 $0xFFF8, v30;
	v23 =	vor.u32 v32, v19;
	v19 =	vshrl.u32 v8, $0x10  }
0x412: {  	v24 =	vadd.s32 v20, v18;
	v20 =	vmul.u32 $0x240, v17;
	v18 =	vmul.u32 $0x240, v19;
	v19 =	vld.idx.msk [tilespmem:v22+s23+$0x0], $0xffff  }
0x413: {  	s6 =	sadd.s32 $0x80, s6;
	v17 =	vadd.s32 v21, v33;
	v22 =	vadd.s32 v31, v29;
	v24 =	vor.u32 v28, v24;
	v21 =	vld.idx.msk [tilespmem:v27+s23+$0x0], $0xffff  }
0x414: {  	v27 =	vshrl.u32 v11, $0x10;
	v28 =	vshrl.u32 v12, $0x10  }
0x415: {  	v14 =	vmul.f32 $1.414213540e+00, v14;
	v25 =	vmul.f32 $1.414213540e+00, v25;
	v29 =	vand.u32 $0xFFF8, v11  }
0x416: {  	v30 =	vand.u32 $0xFFF8, v12;
	v41 =	vand.u32 $0x7, v12;
	v43 =	vand.u32 $0xFFF8, v9  }
0x417: {  	v44 =	vand.u32 $0x7, v9;
	v13 =	vor.u32 v13, v22;
	v10 =	vand.u32 $0x7, v10  }
0x418: {  	v46 =	vmul.f32 $1.414213540e+00, v16;
	v47 =	vand.u32 $0xFFF8, v8;
	v8 =	vand.u32 $0x7, v8  }
0x419: {  	v28 =	vmul.u32 $0x240, v28;
	v20 =	vadd.s32 v43, v20;
	v10 =	vor.u32 v10, v17  }
0x41a: {  	v27 =	vmul.u32 $0x240, v27;
	v16 =	vadd.s32 v47, v18;
	v9 =	vor.u32 v44, v20  }
0x41b: {  	v42 =	vand.u32 $0x7, v11;
	v45 =	vld.idx.msk [tilespmem:v23+s23+$0x0], $0xffff;
	[tilespmem:s0+$0xFFFFFFB0] =	vst v14;
	v8 =	vor.u32 v8, v16;
	v28 =	vadd.s32 v30, v28  }
0x41c: {  	v48 =	vld.idx.msk [tilespmem:v24+s23+$0x0], $0xffff;
	v15 =	vmul.f32 $1.414213540e+00, v15;
	[tilespmem:s0+$0xFFFFFFF0] =	vst v25;
	v27 =	vadd.s32 v29, v27;
	v12 =	vor.u32 v41, v28  }
0x41d: {  	v26 =	vmul.f32 $1.414213540e+00, v26;
	[tilespmem:s0+$0xFFFFFFD0] =	vst v46;
	v11 =	vor.u32 v42, v27;
	v13 =	vld.idx.msk [tilespmem:v13+s23+$0x0], $0xffff  }
0x41e: {  	[tilespmem:s0+$0xFFFFFFC0] =	vst v15;
	v50 =	vmul.f32 $1.414213540e+00, v19;
	v10 =	vld.idx.msk [tilespmem:v10+s23+$0x0], $0xffff  }
0x41f: {  	[tilespmem:s0+$0xFFFFFF90] =	vst v26;
	v49 =	vmul.f32 $1.414213540e+00, v21;
	v9 =	vld.idx.msk [tilespmem:v9+s23+$0x0], $0xffff  }
0x420: {  	v51 =	vmul.f32 $1.414213540e+00, v45;
	[tilespmem:s0+$0x0] =	vst v50;
	v8 =	vld.idx.msk [tilespmem:v8+s23+$0x0], $0xffff  }
0x421: {  	s2 =	sadd.s32 $0x80, s2;
	v52 =	vmul.f32 $1.414213540e+00, v48;
	[tilespmem:s0+$0xFFFFFFA0] =	vst v49;
	v12 =	vld.idx.msk [tilespmem:v12+s23+$0x0], $0xffff  }
0x422: {  	[tilespmem:s2+$0xFFFFFFE0] =	vst v51;
	v11 =	vld.idx.msk [tilespmem:v11+s23+$0x0], $0xffff;
	v53 =	vmul.f32 $1.414213540e+00, v13  }
0x423: {  	[tilespmem:s2+$0xFFFFFFB0] =	vst v52;
	v10 =	vmul.f32 $1.414213540e+00, v10  }
0x424: {  	v9 =	vmul.f32 $1.414213540e+00, v9;
	[tilespmem:s2+$0xFFFFFFD0] =	vst v53  }
0x425: {  	v8 =	vmul.f32 $1.414213540e+00, v8;
	[tilespmem:s2+$0xFFFFFFA0] =	vst v10  }
0x426: {  	v12 =	vmul.f32 $1.414213540e+00, v12;
	[tilespmem:s2+$0xFFFFFFC0] =	vst v9  }
0x427: {  	v11 =	vmul.f32 $1.414213540e+00, v11;
	[tilespmem:s2+$0x0] =	vst v8  }
0x428: {  	[tilespmem:s2+$0xFFFFFFF0] =	vst v12  }
0x429: {  	[tilespmem:s2+$0xFFFFFF90] =	vst v11  }
0x42a: {  	v8 =	vld [tilespmem:$0x2000];
	_ =	sdelay $0x4  }
0x42b: {  	v54 =	vshrl.u32 v8, $0x10  }
0x42c: {  	v9 =	vmul.u32 $0x240, v54  }
0x42d: {  	v55 =	vand.u32 $0xFFF8, v8  }
0x42e: {  	v56 =	vld [tilespmem:$0x2010];
	v8 =	vand.u32 $0x7, v8;
	v9 =	vadd.s32 v55, v9  }
0x42f: {  	v8 =	vor.u32 v8, v9;
	_ =	sdelay $0x3  }
0x430: {  	v57 =	vshrl.u32 v56, $0x10  }
0x431: {  	v9 =	vmul.u32 $0x240, v57;
	v8 =	vld.idx.msk [tilespmem:v8+s23+$0x0], $0xffff  }
0x432: {  	v58 =	vand.u32 $0xFFF8, v56  }
0x433: {  	v59 =	vld [tilespmem:$0x2020];
	v10 =	vand.u32 $0x7, v56;
	v9 =	vadd.s32 v58, v9  }
0x434: {  	v9 =	vor.u32 v10, v9;
	_ =	sdelay $0x1  }
0x435: {  	v8 =	vmul.f32 $1.414213540e+00, v8;
	_ =	sdelay $0x1  }
0x436: {  	[tilespmem:$0xA880] =	vst v8;
	v8 =	vshrl.u32 v59, $0x10  }
0x437: {  	v9 =	vld.idx.msk [tilespmem:v9+s23+$0x0], $0xffff;
	v8 =	vmul.u32 $0x240, v8  }
0x438: {  	v60 =	vand.u32 $0xFFF8, v59  }
0x439: {  	v61 =	vld [tilespmem:$0x2030];
	v11 =	vand.u32 $0x7, v59;
	v8 =	vadd.s32 v60, v8  }
0x43a: {  	v8 =	vor.u32 v11, v8;
	_ =	sdelay $0x1  }
0x43b: {  	v9 =	vmul.f32 $1.414213540e+00, v9;
	_ =	sdelay $0x1  }
0x43c: {  	v62 =	vshrl.u32 v61, $0x10;
	[tilespmem:$0xA890] =	vst v9  }
0x43d: {  	v9 =	vmul.u32 $0x240, v62;
	v8 =	vld.idx.msk [tilespmem:v8+s23+$0x0], $0xffff  }
0x43e: {  	v63 =	vand.u32 $0xFFF8, v61  }
0x43f: {  	v10 =	vand.u32 $0x7, v61;
	v9 =	vadd.s32 v63, v9  }
0x440: {  	v9 =	vor.u32 v10, v9;
	_ =	sdelay $0x1  }
0x441: {  	v8 =	vmul.f32 $1.414213540e+00, v8;
	_ =	sdelay $0x1  }
0x442: {  	[tilespmem:$0xA8A0] =	vst v8  }
0x443: {  	v8 =	vld.idx.msk [tilespmem:v9+s23+$0x0], $0xffff;
	_ =	sdelay $0x1  }
0x444: {  	s28 =	sadd.s32 $0x1, s28  }
0x445: {  	p0 =	sne.s32 s28, $0x40  }
.Ltmp3:
0x446: {  	s31 =	sadd.s32 s5, s30;
	(pc) =	sbr.rel @p0 .LBB2_2-.Ltmp3, $3  }
0x447: {  	s0 =	smul.u32 $0x408, s31;
	v8 =	vmul.f32 $1.414213540e+00, v8;
	_ =	sdelay $0x1  }
0x448: {  	s0 =	sadd.s32 s3, s0;
	[tilespmem:$0xA8B0] =	vst v8  }
0x449: {  	[hbm4b:s0+s4] =	stream.linear.scatter [tilespmem:s1], [sflag:$0x2], $0x2040, $0x38;
	[tilespmem:$0xA8C0] =	vst v63  }
0x44a: {  	s2 =	simm.s32 $0x2  }
0x44b: {  	_ =	swait.ge [sflag:s2], $0x2040  }
0x44c: {  	[sflag:s2] =	ssyncset.done $0x0  }
0x44d: {  	[sflag:s2] =	ssyncadd.s32 $0xFFFFDFC0  }
0x44e: {  	_ =	swait.ge [sflag:s2], $0x2040  }
0x44f: {  	s6 =	rddreg [dreg:$0x10]  }
0x450: {  	s0 =	rddreg [dreg:$0xd];
	s6 =	sadd.s32 $0x1, s6  }
0x451: {  	p0 =	sne.s32 s6, s0  }
.Ltmp4:
0x452: {  	_ = 	snop;
	(pc) =	sbr.rel @p0 .LBB2_1-.Ltmp4, $3  }
0x453: {  	_ =	sdelay $0x1  }
0x454: {  	[sflag:s2] =	ssyncset.done $0x0  }
0x455: {  	[sflag:s2] =	ssyncadd.s32 $0xFFFFDFC0  }
0x456: {  	_ =	sfence.sel $0x180000  }
0x457: {  	[bflag:$0x0] =	sbarrier.arrive $0xFFFF  }
0x458: {  	_ =	strace $0x90000047  }
0x459: {  	s0 =	stileid.u32;
	[bflag:$0x2] =	sbarrier.arrive $0xFFFF  }
0x45a: {  	p0 =	sne.s32 s0, $0x0;
	s0 =	rddreg [dreg:$0x3]  }
0x45b: {  	s0 =	sadd.s32 @!p0 $0x100000, s0  }
0x45c: {  	[sflag:s0] =	ssyncadd.tile.s32 @!p0 $0x1;
	_ =	shalt  }
.Lfunc_end2:
_tile_overlayer_lowered:
.L_overlay_start_2:
0x45d: {  	(tag) =	ssettag $0x2  }
0x45e: {  	s0 =	rddreg [dreg:$0x0];
	s2 =	stileid.u32  }
0x45f: {  	s1 =	rddreg [dreg:$0x1];
	p0 =	sne.s32 s2, $0x0  }
0x460: {  	s3 =	rddreg [dreg:$0x2];
	[bflag:$0x3] =	sbarrier.arrive $0xFFFF;
	s2 =	simm.s32 @!p0 $0x1C03  }
0x461: {  	[timem:s3], [sflag:s2] =	dma.local @!p0 [hbm:s0], s1  }
0x462: {  	s0 =	simm.s32 @!p0 $0x3  }
0x463: {  	_ =	swait.ge @!p0 [sflag:s0], s1  }
0x464: {  	s1 =	ssub.s32 @!p0 $0x0, s1;
	[sflag:s0] =	ssyncset.done @!p0 $0x0  }
0x465: {  	[sflag:s0] =	ssyncadd.s32 @!p0 s1  }
0x466: {  	[bflag:$0x3] =	sbarrier.arrive $0xFFFF  }
0x467: {  	_ =	shalt  }

// kernel: sparse-core-data-format-call.cloned.1.call-start
scs
called_computation_lowered:
.L_overlay_start_0:
0x0: {  	s2 =	sld [smem:$0x3FD9]  }
0x1: {  	s3 =	sld [smem:$0x3FFE];
	_ =	sdelay $0x1  }
0x2: {  	s1 =	srdreg.scid  }
0x3: {  	s0 =	sand.u32 $0x1, s1  }
0x4: {  	s18 =	sshll.u32 s0, $0xA;
	s2 =	sadd.s32 s3, s2  }
0x5: {  	s2 =	sadd.s32 s2, s18  }
0x6: {  	[smem:$0x3FC7] =	sst s2  }
0x7: {  	_ = 	snop  }
0x8: {  	s2 =	sld [smem:$0x3FD0];
	(tm) =	ssettm $0x1  }
0x9: {  	s19 =	sld [smem:$0x3FFB];
	_ =	sdelay $0x3  }
0xa: {  	_ =	strace s19  }
0xb: {  	s3 =	sld [smem:$0x3FFC];
	_ =	sdelay $0x3  }
0xc: {  	_ =	strace s3  }
0xd: {  	s3 =	sld [smem:$0x3FFD];
	_ =	sdelay $0x3  }
0xe: {  	_ =	strace s3  }
0xf: {  	_ =	strace $0x8FFFFFFF  }
0x10: {  	s20 =	sld [smem:$0x3FDB];
	_ =	sdelay $0x1  }
0x11: {  	s4 =	simm.s32 $_scs_section_size  }
0x12: {  	s5 =	simm.s32 $_size__tile_overlayer_lowered;
	s6 =	simm.s32 $_tile_overlayer_lowered  }
0x13: {  	s23 =	simm.s32 $0x1BFF;
	s22 =	sshll.u32 s6, $0x1;
	s3 =	sadd.s32 s4, s20  }
0x14: {  	s7 =	simm.s32 $0x0;
	s21 =	sshll.u32 s5, $0x1;
	s5 =	sadd.s32 s22, s3  }
0x15: {  	[timem:s7], [sflag:s23] =	dma.local [hbm:s5], s21  }
0x16: {  	_ =	swait.ge [sflag:s23], s21  }
0x17: {  	s4 =	ssub.s32 $0x0, s21;
	[sflag:s23] =	ssyncset.done $0x0  }
0x18: {  	[sflag:s23] =	ssyncadd.s32 s4;
	_ =	sdelay $0x1  }
0x19: {  	s24 =	simm.s32 $0x1B8B  }
0x1a: {  	_ =	swait.ge [sflag:s24], $0x1  }
0x1b: {  	[sflag:s24] =	ssyncset.done $0x0  }
0x1c: {  	s26 =	simm.s32 $0x1B8E;
	s25 =	sld [smem:$0x3FFE];
	[sflag:s24] =	ssyncadd.s32 $0xFFFFFFFF  }
0x1d: {  	s27 =	simm.s32 $execute0_lowered;
	[smem:$0x3FD2] =	sst s26  }
0x1e: {  	s5 =	sshll.u32 s27, $0x1;
	_ =	strace $0x80000049;
	[dreg:$0x1] =	wrdreg $0xFFFFFFFF  }
0x1f: {  	s28 =	simm.s32 $_size_execute0_lowered;
	s3 =	sadd.s32 s3, s5;
	[dreg:$0x0] =	wrdreg $0x0  }
0x20: {  	s5 =	sshll.u32 s28, $0x1;
	[dreg:$0x2] =	wrdreg s3  }
0x21: {  	[dreg:$0x3] =	wrdreg s5  }
0x22: {  	[dreg:$0x4] =	wrdreg $0xC0  }
0x23: {  	_ =	task [dreg:s7], $0x5FFFF  }
0x24: {  	[dreg:$0x1] =	wrdreg $0xFFFFFFFF  }
0x25: {  	[dreg:$0x0] =	wrdreg $0x60  }
0x26: {  	[dreg:$0x2] =	wrdreg s25  }
0x27: {  	[dreg:$0x3] =	wrdreg s2  }
0x28: {  	[dreg:$0x4] =	wrdreg $0x9  }
0x29: {  	_ =	task.clear_ibuf [dreg:s7], $0x5FFFF;
	_ =	strace $0x90000049  }
0x2a: {  	s29 =	simm.s32 $0x9;
	_ =	strace $0x8000004B  }
0x2b: {  	_ =	swait.ge [sflag:s29], $0x1  }
0x2c: {  	[sflag:s29] =	ssyncadd.s32 $0xFFFFFFFF  }
0x2d: {  	_ =	strace $0x9000004B  }
0x2e: {  	_ =	sfence  }
0x2f: {  	s30 =	sld [smem:$0x0];
	_ =	sdelay $0x2  }
0x30: {  	s31 =	sshll.u32 s1, $0xD;
	s1 =	sshrl.u32 s1, $0x2  }
0x31: {  	s3 =	sand.u32 $0x4000, s31;
	s1 =	sadd.s32 s1, s30  }
0x32: {  	s0 =	sor.u32 s3, s0;
	s1 =	sshll.u32 s1, $0x11  }
0x33: {  	s0 =	sor.u32 s1, s0  }
0x34: {  	s0 =	sadd.s32 $0x8F2B, s0  }
0x35: {  	[sflag:s0] =	ssyncadd.remote.s32 $0x1  }
0x36: {  	_ =	sfence.sel $0xFFFF  }
0x37: {  	[dreg:$0x0] =	wrdreg $0xFFFFFFFF;
	(pc) =	sbr.abs _section_cstart, $3  }
0x38: {  	[dreg:$0x1] =	wrdreg $0xFFFFFFFF  }
0x39: {  	_ =	task.clear_ibuf [dreg:s7], $0x2FFFF;
	_ =	strace $0x9FFFFFFF  }
0x3a: {  	(tm) =	ssettm $0x7FFFFFFF  }
0x3b: {  	_ =	shalt  }
tec
execute0_lowered:
.L_overlay_start_1:
0x0: {  	(tag) =	ssettag $0x1  }
0x1: {  	s0 =	srdreg.scid  }
0x2: {  	s1 =	sshll.u32 s0, $0x4  }
0x3: {  	s6 =	rddreg [dreg:$0x0];
	s0 =	stileid.u32;
	s1 =	sand.u32 $0x10, s1  }
0x4: {  	s3 =	rddreg [dreg:$0x1];
	s1 =	sor.u32 s0, s1  }
0x5: {  	s5 =	simm.s32 $0x1;
	s31 =	simm.s32 $0x2;
	s2 =	sshll.u32 s1, $0x7  }
0x6: {  	s15 =	simm.s32 $0x0;
	s8 =	simm.s32 $0x8000;
	s4 =	ssub.s32 $0x1000, s2  }
0x7: {  	s14 =	simm.s32 $0x0;
	s9 =	simm.s32 $0x0;
	s30 =	sand.u32 $0xF80, s4  }
0x8: {  	s10 =	simm.s32 $0x0;
	s11 =	simm.s32 $0x0;
	p0 =	sne.s32 s30, $0x0  }
.Ltmp0:
0x9: {  	s7 =	sshrl.u32 s4, $0xC;
	s5 =	simm.s32 @!p0 $0x0;
	(pc) =	sbr.rel .LBB1_1-.Ltmp0, $4  }
0xa: {  	s13 =	simm.s32 $0x0;
	s1 =	rddreg [dreg:$0x2];
	s5 =	sadd.s32 s5, s7  }
0xb: {  	_ =	strace $0x8000004A;
	s4 =	simm.s32 $0x1;
	s5 =	smul.u32 $0x41, s5  }
0xc: {  	s6 =	sadd.s32 $0x800, s6;
	s12 =	smov.u32 s2;
	[sflag:s4] =	ssyncpa.u1 $0x0  }
0xd: {  	[sflag:s31] =	ssyncpa.u1 $0x0;
	p0 =	por $0x0, $0x0;
	s7 =	sadd.s32 $0x1, s5  }
.LBB1_4:
0xe: {  	s20 =	sshra.s32 s20, $0x2  }
0xf: {  	s28 =	sand.u32 $0x78, s10;
	s21 =	sshll.u32 s9, $0xC;
	s22 =	sshll.u32 s10, $0x3  }
0x10: {  	s24 =	sshll.u32 s9, $0x7;
	p1 =	sgt.s32 s9, $0x1FC0;
	s30 =	sshra.s32 s9, $0x1F  }
0x11: {  	s26 =	sshra.s32 s10, $0x1F;
	s19 =	sadd.s32 s20, s19;
	s21 =	sand.u32 $0xFFFF8000, s21  }
0x12: {  	v5 =	vld [tilespmem:s17+$0xFFFFFFD0];
	[tilespmem:s18+$0x2040 ss:$0x81] =	vst.msk $0xffff, v4;
	s23 =	sand.u32 $0xFFFFFC00, s22;
	s29 =	sand.u32 $0x380, s24;
	s22 =	sand.u32 $0xC00, s22  }
0x13: {  	v58 =	vld [tilespmem:s17+$0xFFFFFFE0];
	[tilespmem:s18+$0x2850 ss:$0x81] =	vst.msk $0xffff, v3;
	s21 =	sadd.s32 s23, s21;
	s20 =	sor.u32 s28, s22;
	s22 =	smov.u32 s9  }
0x14: {  	v59 =	vld [tilespmem:s17+$0xFFFFFFF0];
	[tilespmem:s18+$0x3060 ss:$0x81] =	vst.msk $0xffff, v2;
	s24 =	sand.u32 s30, s9;
	s21 =	sshrl.u32 s21, $0xC;
	s22 =	simm.s32 @!p1 $0x1FC0  }
0x15: {  	v60 =	vld [tilespmem:s17+$0x0];
	[tilespmem:s18+$0x0 ss:$0x81] =	vst.msk $0xffff, v1;
	p1 =	sgt.s32 s10, $0xF80;
	s31 =	ssub.s32 s22, s24;
	s22 =	smov.u32 s10  }
0x16: {  	v61 =	vld [tilespmem:s17+$0x10];
	[tilespmem:s19+$0x3870 ss:$0x81] =	vst.msk $0xffff, v0;
	s25 =	smulhi.u32 $0x7F020, s21;
	s24 =	sand.u32 s26, s10;
	s22 =	simm.s32 @!p1 $0xF80  }
0x17: {  	v62 =	vld [tilespmem:s17+$0x20];
	s20 =	sor.u32 s29, s20;
	[tilespmem:s19+$0x810 ss:$0x81] =	vst.msk $0xffff, v5;
	s27 =	sadd.s32 $0xFFFFE040, s31;
	s22 =	ssub.s32 s22, s24  }
0x18: {  	v63 =	vld [tilespmem:s17+$0xFFFFFFC0];
	[tilespmem:s19+$0x1020 ss:$0x81] =	vst.msk $0xffff, v58;
	s18 =	ssub.s32 $0x2040, s31;
	s28 =	smul.u32 $0x2040, s25;
	s29 =	sadd.s32 $0xFFFFF080, s22  }
0x19: {  	[tilespmem:s19+$0x1830 ss:$0x81] =	vst.msk $0xffff, v59;
	p1 =	sgt.s32 s27, $0x7F;
	s22 =	ssub.s32 $0x1000, s22;
	p2 =	sgt.s32 s29, $0x7F  }
0x1a: {  	s30 =	sand.u32 $0x7, s10;
	[tilespmem:s19+$0x2040 ss:$0x81] =	vst.msk $0xffff, v60;
	s18 =	simm.s32 @p1 $0x0;
	s22 =	simm.s32 @p2 $0x0  }
0x1b: {  	s20 =	sshrl.u32 s20, $0x3;
	[tilespmem:s19+$0x2850 ss:$0x81] =	vst.msk $0xffff, v61;
	s17 =	ssub.s32 s21, s28;
	s18 =	smul.u32 s22, s18  }
0x1c: {  	[tilespmem:s19+$0x3060 ss:$0x81] =	vst.msk $0xffff, v62;
	s20 =	sadd.s32 s3, s20;
	s21 =	sshll.u32 s30, $0x12;
	s17 =	sshll.u32 s17, $0x9  }
0x1d: {  	[tilespmem:s19+$0x0 ss:$0x81] =	vst.msk $0xffff, v63;
	s31 =	sor.u32 $0x400, s21;
	s17 =	sadd.s32 s17, s20;
	s18 =	sand.u32 $0x3FFFFFFF, s18  }
0x1e: {  	[hbm4b:s17+s31] =	stream.strided.scatter [tilespmem:s16], [sflag:$0x2], s18, s8, s31, $0x20;
	[tilespmem:$0x10100] =	vst v63  }
.LBB1_5:
0x1f: {  	p1 =	slt.u32 s13, $0x2  }
0x20: {  	s17 =	smov.u32 s15;
	p2 =	sgt.s32 @!p1 s15, $0x1FC0;
	s16 =	sshra.s32 @!p1 s15, $0x1F  }
0x21: {  	p3 =	sgt.s32 @!p1 s14, $0xF80;
	s18 =	sshra.s32 @!p1 s14, $0x1F;
	p2 =	por !p2, p1  }
0x22: {  	s15 =	sand.u32 @!p1 s16, s15;
	p3 =	por !p3, p1;
	s16 =	smov.u32 s14  }
0x23: {  	s14 =	sand.u32 @!p1 s18, s14;
	s17 =	simm.s32 @p2 $0x1FC0;
	s16 =	simm.s32 @p3 $0xF80  }
0x24: {  	s15 =	ssub.s32 @!p1 s17, s15;
	s14 =	ssub.s32 @!p1 s16, s14  }
0x25: {  	s18 =	smov.u32 s12;
	s16 =	sadd.s32 @!p1 $0xFFFFE040, s15;
	s17 =	sadd.s32 @!p1 $0xFFFFF080, s14  }
0x26: {  	s15 =	ssub.s32 @!p1 $0x2040, s15;
	p2 =	sgt.s32 @!p1 s16, $0x7F;
	p3 =	sgt.s32 @!p1 s17, $0x7F  }
0x27: {  	s14 =	ssub.s32 @!p1 $0x1000, s14;
	p2 =	por !p2, p1;
	p3 =	por !p3, p1  }
0x28: {  	s16 =	sadd.s32 $0x80, s11;
	s15 =	simm.s32 @!p2 $0x0;
	s14 =	simm.s32 @!p3 $0x0  }
0x29: {  	p2 =	sgt.s32 s16, $0x203F;
	s14 =	smul.u32 @!p1 s14, s15;
	s15 =	sadd.s32 $0x1000, s12  }
0x2a: {  	s18 =	smov.u32 @p2 s15  }
0x2b: {  	s16 =	simm.s32 @p2 $0x0;
	p2 =	sgt.s32 s18, $0xFFF  }
0x2c: {  	s18 =	smov.u32 @p2 s2;
	p2 =	sne.s32 s13, s7  }
.Ltmp1:
0x2d: {  	p0 =	por !p0, !p0;
	s17 =	simm.s32 @!p1 $0x2;
	(pc) =	sbr.rel @!p2 .LBB1_6-.Ltmp1, $4  }
0x2e: {  	s15 =	smov.u32 s9;
	s9 =	smov.u32 s11;
	s14 =	sand.u32 @!p1 $0x3FFFFFFF, s14  }
0x2f: {  	s11 =	smov.u32 s16;
	_ =	swait.ge @!p1 [sflag:s17], s14;
	s19 =	ssub.s32 @!p1 $0x0, s14  }
0x30: {  	s14 =	smov.u32 s10;
	s13 =	sadd.s32 $0x1, s13;
	[sflag:s17] =	ssyncset.done @!p1 $0x0  }
0x31: {  	s10 =	smov.u32 s12;
	s12 =	smov.u32 s18;
	[sflag:s17] =	ssyncadd.s32 @!p1 s19  }
.LBB1_1:
0x32: {  	p1 =	sge.u32 s13, s5  }
0x33: {  	s16 =	sshrl.u32 @!p1 s12, $0x3  }
0x34: {  	s17 =	sshll.u32 @!p1 s11, $0x3;
	s16 =	smul.u32 @!p1 $0x10400, s16  }
0x35: {  	s18 =	sshll.u32 @!p1 s12, $0x7;
	s17 =	sand.u32 @!p1 $0xFFFFFC00, s17  }
0x36: {  	s16 =	sadd.s32 @!p1 s16, s17;
	s17 =	sand.u32 @!p1 $0x380, s18  }
0x37: {  	s18 =	sand.u32 @!p1 $0x7F, s11;
	s16 =	sor.u32 @!p1 s17, s16  }
0x38: {  	s17 =	sor.u32 @!p1 s18, s16  }
0x39: {  	s18 =	smulhi.u32 @!p1 $0xFC0FC0FD, s17;
	_ =	sdelay $0x1  }
0x3a: {  	s16 =	smulhi.u32 @!p1 $0xFC0FC0FD, s16;
	s18 =	sshrl.u32 @!p1 s18, $0xD  }
0x3b: {  	s18 =	smul.u32 @!p1 $0x2080, s18  }
0x3c: {  	s31 =	sadd.s32 $0xFFFFFFFF, s13;
	s19 =	sxor.u32 @!p1 $0xFFFFFFFF, s13;
	s16 =	sshrl.u32 @!p1 s16, $0xD  }
0x3d: {  	s19 =	sshll.u32 @!p1 s19, $0xE;
	s16 =	sand.u32 @!p1 $0xFFF, s16;
	s17 =	ssub.s32 @!p1 s17, s18  }
0x3e: {  	s16 =	smul.u32 @!p1 $0x410, s16;
	s18 =	sshrl.u32 @!p1 s17, $0x3;
	s17 =	sand.u32 @!p1 $0x7, s17  }
0x3f: {  	s19 =	sand.u32 @!p1 $0x4000, s19;
	s18 =	sadd.s32 @!p1 s6, s18;
	s17 =	sshll.u32 @!p1 s17, $0x12  }
0x40: {  	s16 =	sadd.s32 @!p1 s16, s18;
	s17 =	sor.u32 @!p1 $0x400, s17;
	s18 =	simm.s32 @!p1 $0x10400  }
0x41: {  	[tilespmem:s19], [sflag:$0x1] =	stream.strided.gather @!p1 [hbm4b:s16+s17], $0x4000, s18, s17, $0x38;
	[tilespmem:$0x10100] =	vst v63  }
0x42: {  	p1 =	sge.u32 s31, s5  }
.Ltmp2:
0x43: {  	_ = 	snop;
	(pc) =	sbr.rel @p1 .LBB1_5-.Ltmp2, $1  }
0x44: {  	_ =	sdelay $0x3  }
0x45: {  	s16 =	simm.s32 $0x1  }
0x46: {  	_ =	swait.ge [sflag:s4], $0x4000;
	s16 =	simm.s32 @!p0 $0x0  }
0x47: {  	[sflag:s4] =	ssyncset.done $0x0;
	s17 =	sshll.u32 s16, $0xE  }
0x48: {  	[sflag:s4] =	ssyncadd.s32 $0xFFFFC000;
	s17 =	sor.u32 $0x40, s17  }
0x49: {  	s16 =	smul.u32 $0x10200, s16;
	v0 =	vld [tilespmem:s17+$0x30]  }
0x4a: {  	v1 =	vld [tilespmem:s17+$0xFFFFFFD0]  }
0x4b: {  	s16 =	sshrl.u32 s16, $0x2;
	v5 =	vld [tilespmem:s17+$0xFFFFFFE0]  }
0x4c: {  	v6 =	vld [tilespmem:s17+$0xFFFFFFF0];
	s19 =	sor.u32 $0x8000, s16  }
0x4d: {  	s31 =	sand.u32 $0x1, s13;
	v4 =	vld [tilespmem:s17+$0x0];
	s18 =	sadd.s32 $0x0, s19  }
0x4e: {  	v3 =	vld [tilespmem:s17+$0x10];
	s16 =	smul.u32 $0x10200, s31;
	[tilespmem:s18+$0x3870 ss:$0x81] =	vst.msk $0xffff, v0  }
0x4f: {  	v2 =	vld [tilespmem:s17+$0x20];
	[tilespmem:s18+$0x810 ss:$0x81] =	vst.msk $0xffff, v1  }
0x50: {  	s16 =	sshrl.u32 s16, $0x2;
	v1 =	vld [tilespmem:s17+$0xFFFFFFC0];
	[tilespmem:s18+$0x1020 ss:$0x81] =	vst.msk $0xffff, v5;
	s17 =	sadd.s32 $0x80, s17  }
0x51: {  	s20 =	simm.s32 $0x4;
	s21 =	simm.s32 $0x8;
	s16 =	sor.u32 $0x8000, s16;
	[tilespmem:s18+$0x1830 ss:$0x81] =	vst.msk $0xffff, v6;
	v0 =	vld [tilespmem:s17+$0x30]  }
.LBB1_3:
0x52: {  	p1 =	sne.s32 s21, $0x1FC;
	v5 =	vld [tilespmem:s17+$0xFFFFFFD0];
	[tilespmem:s18+$0x2040 ss:$0x81] =	vst.msk $0xffff, v4  }
0x53: {  	v6 =	vld [tilespmem:s17+$0xFFFFFFE0];
	[tilespmem:s18+$0x2850 ss:$0x81] =	vst.msk $0xffff, v3  }
0x54: {  	s22 =	sshra.s32 s20, $0x2;
	s20 =	smov.u32 s21;
	v7 =	vld [tilespmem:s17+$0xFFFFFFF0];
	[tilespmem:s18+$0x3060 ss:$0x81] =	vst.msk $0xffff, v2  }
.Ltmp3:
0x55: {  	v4 =	vld [tilespmem:s17+$0x0];
	[tilespmem:s18+$0x0 ss:$0x81] =	vst.msk $0xffff, v1;
	s18 =	sadd.s32 s22, s19;
	(pc) =	sbr.rel @p1 .LBB1_3-.Ltmp3, $4  }
0x56: {  	v3 =	vld [tilespmem:s17+$0x10];
	[tilespmem:s18+$0x3870 ss:$0x81] =	vst.msk $0xffff, v0  }
0x57: {  	[tilespmem:s18+$0x810 ss:$0x81] =	vst.msk $0xffff, v5;
	v2 =	vld [tilespmem:s17+$0x20]  }
0x58: {  	v1 =	vld [tilespmem:s17+$0xFFFFFFC0];
	[tilespmem:s18+$0x1020 ss:$0x81] =	vst.msk $0xffff, v6;
	s17 =	sadd.s32 $0x80, s17  }
0x59: {  	s21 =	sadd.s32 $0x4, s21;
	v0 =	vld [tilespmem:s17+$0x30];
	[tilespmem:s18+$0x1830 ss:$0x81] =	vst.msk $0xffff, v7  }
.Ltmp4:
0x5a: {  	_ = 	snop;
	(pc) =	sbr.rel .LBB1_4-.Ltmp4, $1  }
0x5b: {  	_ =	sdelay $0x3  }
.LBB1_6:
0x5c: {  	_ =	sfence.sel $0x180000  }
0x5d: {  	s2 =	simm.s32 $0x1;
	[bflag:$0x0] =	sbarrier.arrive $0xFFFF  }
0x5e: {  	s31 =	simm.s32 $0x2;
	[sflag:s2] =	ssyncpa.u1 $0x1  }
0x5f: {  	[sflag:s31] =	ssyncpa.u1 $0x1  }
0x60: {  	p0 =	sne.s32 s0, $0x0;
	_ =	strace $0x9000004A  }
0x61: {  	s0 =	sadd.s32 @!p0 $0x100000, s1;
	[bflag:$0x2] =	sbarrier.arrive $0xFFFF  }
0x62: {  	[sflag:s0] =	ssyncadd.tile.s32 @!p0 $0x1;
	_ =	shalt  }
.Lfunc_end1:
_tile_overlayer_lowered:
.L_overlay_start_2:
0x63: {  	(tag) =	ssettag $0x2  }
0x64: {  	s0 =	rddreg [dreg:$0x0];
	s2 =	stileid.u32  }
0x65: {  	s1 =	rddreg [dreg:$0x1];
	p0 =	sne.s32 s2, $0x0  }
0x66: {  	s3 =	rddreg [dreg:$0x2];
	[bflag:$0x3] =	sbarrier.arrive $0xFFFF;
	s2 =	simm.s32 @!p0 $0x1C01  }
0x67: {  	[timem:s3], [sflag:s2] =	dma.local @!p0 [hbm:s0], s1  }
0x68: {  	s0 =	simm.s32 @!p0 $0x1  }
0x69: {  	_ =	swait.ge @!p0 [sflag:s0], s1  }
0x6a: {  	s1 =	ssub.s32 @!p0 $0x0, s1;
	[sflag:s0] =	ssyncset.done @!p0 $0x0  }
0x6b: {  	[sflag:s0] =	ssyncadd.s32 @!p0 s1  }
0x6c: {  	[bflag:$0x3] =	sbarrier.arrive $0xFFFF  }
0x6d: {  	_ =	shalt  }

</sc_bundles>
